<compile_context>
chip_gen: v7x
topology: tpu7x:2x2x1
jax: 0.10.2.dev20260603
libtpu: 0.0.44.dev20260713+nightly
codegen_flags: <defaults>
</compile_context>

<pallas_src>
import functools

import jax
import jax.numpy as jnp
from jax import lax
from jax.experimental import pallas as pl
from jax.experimental.pallas import tpu as pltpu
from jax.experimental.pallas import tpu_sc as plsc

KNB = 16
LSEQ = 2048
DATT = 128
NBATCH = 4
RBLK = 512

_NC = 2
_NS = 16
_NW = _NC * _NS
_TOTAL_ROWS = NBATCH * LSEQ * KNB
_BATCH_ROWS = LSEQ * KNB
_ROWS_PER_W = _BATCH_ROWS // _NW
_CHUNK = 128
_NCH = _ROWS_PER_W // _CHUNK


def _topk_body(b_base, ci_ref, cj_ref, nbr_ref, dist_ref):
    ci = ci_ref[0]
    cj = cj_ref[0]
    b = b_base + pl.program_id(0)
    ad = jnp.abs(ci - cj)
    j = lax.broadcasted_iota(jnp.int32, ad.shape, 1)
    keys = (ad << 11) | j
    q = jnp.full((RBLK, 1), jnp.int32(-(2 ** 31)))
    nbr_cols = []
    dist_cols = []
    for _ in range(KNB):
        m = jnp.min(keys - q, axis=1, keepdims=True)
        mi = m + q
        q = mi + jnp.int32(-(2 ** 31) + 1)
        nbr_cols.append((mi & 0x7FF) + b * LSEQ)
        dist_cols.append((mi >> 11).astype(jnp.float32))
    nbr_ref[0] = jnp.concatenate(nbr_cols, axis=1)
    dist_ref[0] = jnp.concatenate(dist_cols, axis=1)


@functools.cache
def _make_topk_call(b_base, nb):
    return pl.pallas_call(
        functools.partial(_topk_body, b_base),
        grid=(nb, LSEQ // RBLK),
        in_specs=[
            pl.BlockSpec((1, RBLK, 1), lambda pb, i: (pb, i, 0)),
            pl.BlockSpec((1, 1, LSEQ), lambda pb, i: (pb, 0, 0)),
        ],
        out_specs=[
            pl.BlockSpec((1, RBLK, KNB), lambda pb, i: (pb, i, 0)),
            pl.BlockSpec((1, RBLK, KNB), lambda pb, i: (pb, i, 0)),
        ],
        out_shape=[
            jax.ShapeDtypeStruct((nb, LSEQ, KNB), jnp.int32),
            jax.ShapeDtypeStruct((nb, LSEQ, KNB), jnp.float32),
        ],
    )


def _gather_body(row_base, nch, table_hbm, idx_hbm, out_hbm, idx_all,
                 rows0, rows1, gsem0, gsem1, ssem0, ssem1):
    wid = lax.axis_index("s") * _NC + lax.axis_index("c")
    base = row_base + wid * (nch * _CHUNK)
    pltpu.sync_copy(idx_hbm.at[wid], idx_all)

    def gather(ch, rows, sem):
        pltpu.make_async_copy(table_hbm.at[idx_all.at[ch]], rows, sem).start()

    def wait_gather(rows, sem):
        pltpu.make_async_copy(table_hbm.at[idx_all.at[0]], rows, sem).wait()

    def store(ch, rows, sem):
        dst = out_hbm.at[pl.ds(base + ch * _CHUNK, _CHUNK)]
        pltpu.make_async_copy(rows, dst, sem).start()

    def wait_store(rows, sem):
        dst = out_hbm.at[pl.ds(base, _CHUNK)]
        pltpu.make_async_copy(rows, dst, sem).wait()

    gather(0, rows0, gsem0)
    gather(1, rows1, gsem1)

    def step(t, carry):
        a = 2 * t
        wait_gather(rows0, gsem0)
        store(a, rows0, ssem0)
        wait_gather(rows1, gsem1)
        store(a + 1, rows1, ssem1)

        @pl.when(t < nch // 2 - 1)
        def _():
            wait_store(rows0, ssem0)
            gather(a + 2, rows0, gsem0)
            wait_store(rows1, ssem1)
            gather(a + 3, rows1, gsem1)

        return carry

    lax.fori_loop(0, nch // 2, step, 0)
    wait_store(rows0, ssem0)
    wait_store(rows1, ssem1)


@functools.cache
def _make_gather_call(row_base, nch):
    return pl.kernel(
        functools.partial(_gather_body, row_base, nch),
        out_type=(),
        mesh=plsc.VectorSubcoreMesh(
            core_axis_name="c", subcore_axis_name="s",
            num_cores=_NC, num_subcores=_NS,
        ),
        scratch_types=[
            pltpu.VMEM((nch, _CHUNK), jnp.int32),
            pltpu.VMEM((_CHUNK, DATT), jnp.float32),
            pltpu.VMEM((_CHUNK, DATT), jnp.float32),
            pltpu.SemaphoreType.DMA,
            pltpu.SemaphoreType.DMA,
            pltpu.SemaphoreType.DMA,
            pltpu.SemaphoreType.DMA,
        ],
    )


@jax.jit
def kernel(first_index, attribute):
    B, L, _ = first_index.shape
    table = attribute.reshape(B * L, DATT)
    rows_ref = jax.new_ref(lax.empty((_TOTAL_ROWS, DATT), jnp.float32))
    dists = []
    fi01 = lax.slice_in_dim(first_index, 0, 2, axis=0)
    nbr01, dist01 = _make_topk_call(0, 2)(fi01, fi01.reshape(2, 1, L))
    _make_gather_call(0, 2 * _NCH)(
        table, nbr01.reshape(_NW, 2 * _NCH, _CHUNK), rows_ref)
    dists.append(dist01)
    for b in range(2, B):
        fib = lax.slice_in_dim(first_index, b, b + 1, axis=0)
        nbr, dist = _make_topk_call(b, 1)(fib, fib.reshape(1, 1, L))
        _make_gather_call(b * _BATCH_ROWS, _NCH)(
            table, nbr.reshape(_NW, _NCH, _CHUNK), rows_ref)
        dists.append(dist)
    nb_attr = rows_ref[...].reshape(B, L, KNB, DATT)
    index_distance = jnp.concatenate(dists, axis=0).reshape(B, L, KNB, 1)
    return (index_distance, nb_attr)

# --- scband reference (transcript-rebuilt; emitter-appended) ---
"""Pipeline reference for scband-local-neighborhood-37649683317414 (READ-ONLY COPY).

The authoritative reference and input builder live on the scoring server;
editing this copy changes nothing except your own understanding.
"""

import jax, jax.numpy as jnp
import numpy as np

KMAX = 16


def setup_inputs(seed: int = 0) -> dict:
    key = jax.random.key(seed)
    k1, k2 = jax.random.split(key)
    first_index = jax.random.randint(k1, (4, 2048, 1), 0, 10000, dtype=jnp.int32)
    attribute = jax.random.normal(k2, (4, 2048, 128), dtype=jnp.float32)
    return {"first_index": first_index, "attribute": attribute}


def reference(first_index, attribute):
    # first_index: int32[B, L, 1]  (treated as 1-D coordinates after cast to float)
    # attribute:   float32[B, L, d]
    fc = first_index.astype(jnp.float32)  # [B, L, 1]
    c = fc[..., 0]  # [B, L]
    # pairwise squared distance over ndims=1 coordinate
    D = (c[:, :, None] - c[:, None, :]) ** 2  # [B, L, L]
    # K nearest neighbors by argsort of squared distances
    neighbors = jnp.argsort(D, axis=-1)[:, :, :KMAX]  # [B, L, K]
    # gather neighbor attributes per batch element: attribute[i, neighbors[i], :]
    nb_attr = jax.vmap(lambda a, n: a[n])(attribute, neighbors)  # [B, L, K, d]
    # gather neighbor second indices (self neighborhood: second_index = first_index)
    nb_idx = jax.vmap(lambda s, n: s[n])(first_index, neighbors)  # [B, L, K, 1]
    # index distance coordinate
    index_distance = jnp.abs((first_index[:, :, None, :] - nb_idx).astype(jnp.float32))  # [B, L, K, 1]
    return (index_distance, nb_attr)

if __name__ == "__main__":
    import jax
    _d = setup_inputs()
    print(jax.jit(kernel)(*tuple(_d.values())))

</pallas_src>

<mosaic_0001>
#map = affine_map<(d0, d1) -> (0, 0)>
#map1 = affine_map<(d0, d1) -> (0, 0, 0)>
module attributes {stable_mosaic.version = 14 : i64} {
  func.func @new_body(%arg0: i32, %arg1: i32, %arg2: memref<8192x128xf32, #tpu.memory_space<hbm>>, %arg3: memref<32x16x128xi32, #tpu.memory_space<hbm>>, %arg4: memref<131072x128xf32, #tpu.memory_space<hbm>>, %arg5: memref<131072x128xf32, #tpu.memory_space<hbm>>, %arg6: memref<16x128xi32, #tpu.memory_space<vmem>>, %arg7: memref<128x128xf32, #tpu.memory_space<vmem>>, %arg8: memref<128x128xf32, #tpu.memory_space<vmem>>, %arg9: memref<!tpu.dma_semaphore, #tpu.memory_space<semaphore_mem>>, %arg10: memref<!tpu.dma_semaphore, #tpu.memory_space<semaphore_mem>>, %arg11: memref<!tpu.dma_semaphore, #tpu.memory_space<semaphore_mem>>, %arg12: memref<!tpu.dma_semaphore, #tpu.memory_space<semaphore_mem>>) attributes {dimension_semantics = [#tpu.dimension_semantics<core_parallel>, #tpu.dimension_semantics<subcore_parallel>], iteration_bounds = array<i64: 2, 16>, scalar_prefetch = 0 : i64, scratch_operands = 7 : i64, tpu.core_type = #tpu.core_type<sc_vector_subcore>, window_params = [{transform_indices = #map}, {transform_indices = #map1}, {transform_indices = #map}, {transform_indices = #map}]} {
    %mul3A = arith.constant 2 : i32
    %mul3A_0 = arith.muli %arg1, %mul3A : i32
    %add3A = arith.addi %mul3A_0, %arg0 : i32
    %mul3A_1 = arith.constant 2048 : i32
    %mul3A_2 = arith.muli %add3A, %mul3A_1 : i32
    %add3A_3 = arith.constant 0 : i32
    %add3A_4 = arith.addi %add3A_3, %mul3A_2 : i32
    "tpu.region"() ({
      %run_scoped3A = tpu.sem_alloc : memref<!tpu.dma_semaphore, #tpu.memory_space<semaphore_mem>>
      %dma_start3A_30 = arith.constant 0 : i32
      %dma_start3A_31 = arith.constant 0 : i32
      %dma_start3A_32 = tpu.memref_slice %arg3[%add3A, %dma_start3A_30, %dma_start3A_31] : memref<32x16x128xi32, #tpu.memory_space<hbm>> -> memref<1x16x128xi32, #tpu.memory_space<hbm>>
      %dma_start3A_33 = tpu.memref_squeeze %dma_start3A_32 : memref<1x16x128xi32, #tpu.memory_space<hbm>> -> memref<16x128xi32, #tpu.memory_space<hbm>>
      %dma_start3A_34 = arith.constant 0 : i32
      %dma_start3A_35 = arith.constant 0 : i32
      %dma_start3A_36 = tpu.memref_slice %arg3[%add3A, %dma_start3A_34, %dma_start3A_35] : memref<32x16x128xi32, #tpu.memory_space<hbm>> -> memref<1x16x128xi32, #tpu.memory_space<hbm>>
      %dma_start3A_37 = tpu.memref_squeeze %dma_start3A_36 : memref<1x16x128xi32, #tpu.memory_space<hbm>> -> memref<16x128xi32, #tpu.memory_space<hbm>>
      tpu.enqueue_dma source(%dma_start3A_37 : memref<16x128xi32, #tpu.memory_space<hbm>>) target(%arg6 : memref<16x128xi32, #tpu.memory_space<vmem>>) target_semaphore(%run_scoped3A : memref<!tpu.dma_semaphore, #tpu.memory_space<semaphore_mem>>)
      %dma_wait3A_38 = arith.constant 0 : i32
      %dma_wait3A_39 = arith.constant 0 : i32
      %dma_wait3A_40 = tpu.memref_slice %arg3[%add3A, %dma_wait3A_38, %dma_wait3A_39] : memref<32x16x128xi32, #tpu.memory_space<hbm>> -> memref<1x16x128xi32, #tpu.memory_space<hbm>>
      %dma_wait3A_41 = tpu.memref_squeeze %dma_wait3A_40 : memref<1x16x128xi32, #tpu.memory_space<hbm>> -> memref<16x128xi32, #tpu.memory_space<hbm>>
      %dma_wait3A_42 = arith.constant 0 : i32
      %dma_wait3A_43 = arith.constant 0 : i32
      %dma_wait3A_44 = tpu.memref_slice %arg3[%add3A, %dma_wait3A_42, %dma_wait3A_43] : memref<32x16x128xi32, #tpu.memory_space<hbm>> -> memref<1x16x128xi32, #tpu.memory_space<hbm>>
      %dma_wait3A_45 = tpu.memref_squeeze %dma_wait3A_44 : memref<1x16x128xi32, #tpu.memory_space<hbm>> -> memref<16x128xi32, #tpu.memory_space<hbm>>
      tpu.wait_dma2 semaphore(%run_scoped3A : memref<!tpu.dma_semaphore, #tpu.memory_space<semaphore_mem>>) src(%dma_wait3A_45 : memref<16x128xi32, #tpu.memory_space<hbm>>) dst(%arg6 : memref<16x128xi32, #tpu.memory_space<vmem>>)
      tpu.yield
    }) : () -> ()
    %dma_start3A = arith.constant 0 : i32
    %dma_start3A_5 = arith.constant 0 : i32
    %dma_start3A_6 = tpu.memref_slice %arg6[%dma_start3A, %dma_start3A_5] : memref<16x128xi32, #tpu.memory_space<vmem>> -> memref<1x128xi32, #tpu.memory_space<vmem>>
    %dma_start3A_7 = tpu.memref_squeeze %dma_start3A_6 : memref<1x128xi32, #tpu.memory_space<vmem>> -> memref<128xi32, #tpu.memory_space<vmem>>
    %dma_start3A_8 = arith.constant 0 : i32
    %dma_start3A_9 = arith.constant 0 : i32
    %dma_start3A_10 = tpu.memref_slice %arg2[%dma_start3A_8, %dma_start3A_9] : memref<8192x128xf32, #tpu.memory_space<hbm>> -> memref<8192x128xf32, #tpu.memory_space<hbm>>
    tpu.enqueue_indirect_dma source(%dma_start3A_10 : memref<8192x128xf32, #tpu.memory_space<hbm>>) target(%arg7 : memref<128x128xf32, #tpu.memory_space<vmem>>) offsets(%dma_start3A_7 : memref<128xi32, #tpu.memory_space<vmem>>) semaphore(%arg9 : memref<!tpu.dma_semaphore, #tpu.memory_space<semaphore_mem>>)
    %dma_start3A_11 = arith.constant 1 : i32
    %dma_start3A_12 = arith.constant 0 : i32
    %dma_start3A_13 = tpu.memref_slice %arg6[%dma_start3A_11, %dma_start3A_12] : memref<16x128xi32, #tpu.memory_space<vmem>> -> memref<1x128xi32, #tpu.memory_space<vmem>>
    %dma_start3A_14 = tpu.memref_squeeze %dma_start3A_13 : memref<1x128xi32, #tpu.memory_space<vmem>> -> memref<128xi32, #tpu.memory_space<vmem>>
    %dma_start3A_15 = arith.constant 0 : i32
    %dma_start3A_16 = arith.constant 0 : i32
    %dma_start3A_17 = tpu.memref_slice %arg2[%dma_start3A_15, %dma_start3A_16] : memref<8192x128xf32, #tpu.memory_space<hbm>> -> memref<8192x128xf32, #tpu.memory_space<hbm>>
    tpu.enqueue_indirect_dma source(%dma_start3A_17 : memref<8192x128xf32, #tpu.memory_space<hbm>>) target(%arg8 : memref<128x128xf32, #tpu.memory_space<vmem>>) offsets(%dma_start3A_14 : memref<128xi32, #tpu.memory_space<vmem>>) semaphore(%arg10 : memref<!tpu.dma_semaphore, #tpu.memory_space<semaphore_mem>>)
    %scan3A = arith.constant 0 : i32
    %scan3A_18 = arith.constant 0 : i32
    %scan3A_19 = arith.constant 8 : i32
    %scan3A_20 = arith.addi %scan3A_18, %scan3A_19 : i32
    %scan3A_21 = arith.constant 1 : i32
    scf.for %scan3A_30 = %scan3A_18 to %scan3A_20 step %scan3A_21  : i32 {
      %mul3A_31 = arith.constant 2 : i32
      %mul3A_32 = arith.muli %mul3A_31, %scan3A_30 : i32
      %dma_wait3A_33 = arith.constant 0 : i32
      %dma_wait3A_34 = arith.constant 0 : i32
      %dma_wait3A_35 = tpu.memref_slice %arg6[%dma_wait3A_33, %dma_wait3A_34] : memref<16x128xi32, #tpu.memory_space<vmem>> -> memref<1x128xi32, #tpu.memory_space<vmem>>
      %dma_wait3A_36 = tpu.memref_squeeze %dma_wait3A_35 : memref<1x128xi32, #tpu.memory_space<vmem>> -> memref<128xi32, #tpu.memory_space<vmem>>
      %dma_wait3A_37 = arith.constant 0 : i32
      %dma_wait3A_38 = arith.constant 0 : i32
      %dma_wait3A_39 = tpu.memref_slice %arg2[%dma_wait3A_37, %dma_wait3A_38] : memref<8192x128xf32, #tpu.memory_space<hbm>> -> memref<8192x128xf32, #tpu.memory_space<hbm>>
      tpu.wait_indirect_dma semaphore(%arg9 : memref<!tpu.dma_semaphore, #tpu.memory_space<semaphore_mem>>) src(%dma_wait3A_39 : memref<8192x128xf32, #tpu.memory_space<hbm>>) dst(%arg7 : memref<128x128xf32, #tpu.memory_space<vmem>>)
      %mul3A_40 = arith.constant 128 : i32
      %mul3A_41 = arith.muli %mul3A_32, %mul3A_40 : i32
      %add3A_42 = arith.addi %add3A_4, %mul3A_41 : i32
      %dma_start3A_43 = arith.constant 0 : i32
      %dma_start3A_44 = tpu.memref_slice %arg4[%add3A_42, %dma_start3A_43] : memref<131072x128xf32, #tpu.memory_space<hbm>> -> memref<128x128xf32, #tpu.memory_space<hbm>>
      %dma_start3A_45 = arith.constant 0 : i32
      %dma_start3A_46 = tpu.memref_slice %arg4[%add3A_42, %dma_start3A_45] : memref<131072x128xf32, #tpu.memory_space<hbm>> -> memref<128x128xf32, #tpu.memory_space<hbm>>
      tpu.enqueue_dma source(%arg7 : memref<128x128xf32, #tpu.memory_space<vmem>>) target(%dma_start3A_46 : memref<128x128xf32, #tpu.memory_space<hbm>>) target_semaphore(%arg11 : memref<!tpu.dma_semaphore, #tpu.memory_space<semaphore_mem>>)
      %dma_wait3A_47 = arith.constant 0 : i32
      %dma_wait3A_48 = arith.constant 0 : i32
      %dma_wait3A_49 = tpu.memref_slice %arg6[%dma_wait3A_47, %dma_wait3A_48] : memref<16x128xi32, #tpu.memory_space<vmem>> -> memref<1x128xi32, #tpu.memory_space<vmem>>
      %dma_wait3A_50 = tpu.memref_squeeze %dma_wait3A_49 : memref<1x128xi32, #tpu.memory_space<vmem>> -> memref<128xi32, #tpu.memory_space<vmem>>
      %dma_wait3A_51 = arith.constant 0 : i32
      %dma_wait3A_52 = arith.constant 0 : i32
      %dma_wait3A_53 = tpu.memref_slice %arg2[%dma_wait3A_51, %dma_wait3A_52] : memref<8192x128xf32, #tpu.memory_space<hbm>> -> memref<8192x128xf32, #tpu.memory_space<hbm>>
      tpu.wait_indirect_dma semaphore(%arg10 : memref<!tpu.dma_semaphore, #tpu.memory_space<semaphore_mem>>) src(%dma_wait3A_53 : memref<8192x128xf32, #tpu.memory_space<hbm>>) dst(%arg8 : memref<128x128xf32, #tpu.memory_space<vmem>>)
      %add3A_54 = arith.constant 1 : i32
      %add3A_55 = arith.addi %mul3A_32, %add3A_54 : i32
      %mul3A_56 = arith.constant 128 : i32
      %mul3A_57 = arith.muli %add3A_55, %mul3A_56 : i32
      %add3A_58 = arith.addi %add3A_4, %mul3A_57 : i32
      %dma_start3A_59 = arith.constant 0 : i32
      %dma_start3A_60 = tpu.memref_slice %arg4[%add3A_58, %dma_start3A_59] : memref<131072x128xf32, #tpu.memory_space<hbm>> -> memref<128x128xf32, #tpu.memory_space<hbm>>
      %dma_start3A_61 = arith.constant 0 : i32
      %dma_start3A_62 = tpu.memref_slice %arg4[%add3A_58, %dma_start3A_61] : memref<131072x128xf32, #tpu.memory_space<hbm>> -> memref<128x128xf32, #tpu.memory_space<hbm>>
      tpu.enqueue_dma source(%arg8 : memref<128x128xf32, #tpu.memory_space<vmem>>) target(%dma_start3A_62 : memref<128x128xf32, #tpu.memory_space<hbm>>) target_semaphore(%arg12 : memref<!tpu.dma_semaphore, #tpu.memory_space<semaphore_mem>>)
      %lt3A = arith.constant 7 : i32
      %lt3A_63 = arith.cmpi slt, %scan3A_30, %lt3A : i32
      %convert_element_type3A = arith.extui %lt3A_63 : i1 to i32
      %cond3A = arith.constant 0 : i32
      %cond3A_64 = arith.cmpi ne, %convert_element_type3A, %cond3A : i32
      scf.if %cond3A_64 {
        %dma_wait3A_65 = arith.constant 0 : i32
        %dma_wait3A_66 = tpu.memref_slice %arg4[%add3A_4, %dma_wait3A_65] : memref<131072x128xf32, #tpu.memory_space<hbm>> -> memref<128x128xf32, #tpu.memory_space<hbm>>
        %dma_wait3A_67 = arith.constant 0 : i32
        %dma_wait3A_68 = tpu.memref_slice %arg4[%add3A_4, %dma_wait3A_67] : memref<131072x128xf32, #tpu.memory_space<hbm>> -> memref<128x128xf32, #tpu.memory_space<hbm>>
        tpu.wait_dma2 semaphore(%arg11 : memref<!tpu.dma_semaphore, #tpu.memory_space<semaphore_mem>>) src(%arg7 : memref<128x128xf32, #tpu.memory_space<vmem>>) dst(%dma_wait3A_68 : memref<128x128xf32, #tpu.memory_space<hbm>>)
        %add3A_69 = arith.constant 2 : i32
        %add3A_70 = arith.addi %mul3A_32, %add3A_69 : i32
        %dma_start3A_71 = arith.constant 0 : i32
        %dma_start3A_72 = tpu.memref_slice %arg6[%add3A_70, %dma_start3A_71] : memref<16x128xi32, #tpu.memory_space<vmem>> -> memref<1x128xi32, #tpu.memory_space<vmem>>
        %dma_start3A_73 = tpu.memref_squeeze %dma_start3A_72 : memref<1x128xi32, #tpu.memory_space<vmem>> -> memref<128xi32, #tpu.memory_space<vmem>>
        %dma_start3A_74 = arith.constant 0 : i32
        %dma_start3A_75 = arith.constant 0 : i32
        %dma_start3A_76 = tpu.memref_slice %arg2[%dma_start3A_74, %dma_start3A_75] : memref<8192x128xf32, #tpu.memory_space<hbm>> -> memref<8192x128xf32, #tpu.memory_space<hbm>>
        tpu.enqueue_indirect_dma source(%dma_start3A_76 : memref<8192x128xf32, #tpu.memory_space<hbm>>) target(%arg7 : memref<128x128xf32, #tpu.memory_space<vmem>>) offsets(%dma_start3A_73 : memref<128xi32, #tpu.memory_space<vmem>>) semaphore(%arg9 : memref<!tpu.dma_semaphore, #tpu.memory_space<semaphore_mem>>)
        %dma_wait3A_77 = arith.constant 0 : i32
        %dma_wait3A_78 = tpu.memref_slice %arg4[%add3A_4, %dma_wait3A_77] : memref<131072x128xf32, #tpu.memory_space<hbm>> -> memref<128x128xf32, #tpu.memory_space<hbm>>
        %dma_wait3A_79 = arith.constant 0 : i32
        %dma_wait3A_80 = tpu.memref_slice %arg4[%add3A_4, %dma_wait3A_79] : memref<131072x128xf32, #tpu.memory_space<hbm>> -> memref<128x128xf32, #tpu.memory_space<hbm>>
        tpu.wait_dma2 semaphore(%arg12 : memref<!tpu.dma_semaphore, #tpu.memory_space<semaphore_mem>>) src(%arg8 : memref<128x128xf32, #tpu.memory_space<vmem>>) dst(%dma_wait3A_80 : memref<128x128xf32, #tpu.memory_space<hbm>>)
        %add3A_81 = arith.constant 3 : i32
        %add3A_82 = arith.addi %mul3A_32, %add3A_81 : i32
        %dma_start3A_83 = arith.constant 0 : i32
        %dma_start3A_84 = tpu.memref_slice %arg6[%add3A_82, %dma_start3A_83] : memref<16x128xi32, #tpu.memory_space<vmem>> -> memref<1x128xi32, #tpu.memory_space<vmem>>
        %dma_start3A_85 = tpu.memref_squeeze %dma_start3A_84 : memref<1x128xi32, #tpu.memory_space<vmem>> -> memref<128xi32, #tpu.memory_space<vmem>>
        %dma_start3A_86 = arith.constant 0 : i32
        %dma_start3A_87 = arith.constant 0 : i32
        %dma_start3A_88 = tpu.memref_slice %arg2[%dma_start3A_86, %dma_start3A_87] : memref<8192x128xf32, #tpu.memory_space<hbm>> -> memref<8192x128xf32, #tpu.memory_space<hbm>>
        tpu.enqueue_indirect_dma source(%dma_start3A_88 : memref<8192x128xf32, #tpu.memory_space<hbm>>) target(%arg8 : memref<128x128xf32, #tpu.memory_space<vmem>>) offsets(%dma_start3A_85 : memref<128xi32, #tpu.memory_space<vmem>>) semaphore(%arg10 : memref<!tpu.dma_semaphore, #tpu.memory_space<semaphore_mem>>)
      } else {
      }
    }
    %scan3A_22 = arith.constant 8 : i32
    %dma_wait3A = arith.constant 0 : i32
    %dma_wait3A_23 = tpu.memref_slice %arg4[%add3A_4, %dma_wait3A] : memref<131072x128xf32, #tpu.memory_space<hbm>> -> memref<128x128xf32, #tpu.memory_space<hbm>>
    %dma_wait3A_24 = arith.constant 0 : i32
    %dma_wait3A_25 = tpu.memref_slice %arg4[%add3A_4, %dma_wait3A_24] : memref<131072x128xf32, #tpu.memory_space<hbm>> -> memref<128x128xf32, #tpu.memory_space<hbm>>
    tpu.wait_dma2 semaphore(%arg11 : memref<!tpu.dma_semaphore, #tpu.memory_space<semaphore_mem>>) src(%arg7 : memref<128x128xf32, #tpu.memory_space<vmem>>) dst(%dma_wait3A_25 : memref<128x128xf32, #tpu.memory_space<hbm>>)
    %dma_wait3A_26 = arith.constant 0 : i32
    %dma_wait3A_27 = tpu.memref_slice %arg4[%add3A_4, %dma_wait3A_26] : memref<131072x128xf32, #tpu.memory_space<hbm>> -> memref<128x128xf32, #tpu.memory_space<hbm>>
    %dma_wait3A_28 = arith.constant 0 : i32
    %dma_wait3A_29 = tpu.memref_slice %arg4[%add3A_4, %dma_wait3A_28] : memref<131072x128xf32, #tpu.memory_space<hbm>> -> memref<128x128xf32, #tpu.memory_space<hbm>>
    tpu.wait_dma2 semaphore(%arg12 : memref<!tpu.dma_semaphore, #tpu.memory_space<semaphore_mem>>) src(%arg8 : memref<128x128xf32, #tpu.memory_space<vmem>>) dst(%dma_wait3A_29 : memref<128x128xf32, #tpu.memory_space<hbm>>)
    return
  }
}

#map = affine_map<(d0, d1) -> (0, 0)>
#map1 = affine_map<(d0, d1) -> (0, 0, 0)>
module attributes {stable_mosaic.version = 14 : i64} {
  func.func @new_body(%arg0: i32, %arg1: i32, %arg2: memref<8192x128xf32, #tpu.memory_space<hbm>>, %arg3: memref<32x8x128xi32, #tpu.memory_space<hbm>>, %arg4: memref<131072x128xf32, #tpu.memory_space<hbm>>, %arg5: memref<131072x128xf32, #tpu.memory_space<hbm>>, %arg6: memref<8x128xi32, #tpu.memory_space<vmem>>, %arg7: memref<128x128xf32, #tpu.memory_space<vmem>>, %arg8: memref<128x128xf32, #tpu.memory_space<vmem>>, %arg9: memref<!tpu.dma_semaphore, #tpu.memory_space<semaphore_mem>>, %arg10: memref<!tpu.dma_semaphore, #tpu.memory_space<semaphore_mem>>, %arg11: memref<!tpu.dma_semaphore, #tpu.memory_space<semaphore_mem>>, %arg12: memref<!tpu.dma_semaphore, #tpu.memory_space<semaphore_mem>>) attributes {dimension_semantics = [#tpu.dimension_semantics<core_parallel>, #tpu.dimension_semantics<subcore_parallel>], iteration_bounds = array<i64: 2, 16>, scalar_prefetch = 0 : i64, scratch_operands = 7 : i64, tpu.core_type = #tpu.core_type<sc_vector_subcore>, window_params = [{transform_indices = #map}, {transform_indices = #map1}, {transform_indices = #map}, {transform_indices = #map}]} {
    %mul3A = arith.constant 2 : i32
    %mul3A_0 = arith.muli %arg1, %mul3A : i32
    %add3A = arith.addi %mul3A_0, %arg0 : i32
    %mul3A_1 = arith.constant 1024 : i32
    %mul3A_2 = arith.muli %add3A, %mul3A_1 : i32
    %add3A_3 = arith.constant 98304 : i32
    %add3A_4 = arith.addi %add3A_3, %mul3A_2 : i32
    "tpu.region"() ({
      %run_scoped3A = tpu.sem_alloc : memref<!tpu.dma_semaphore, #tpu.memory_space<semaphore_mem>>
      %dma_start3A_30 = arith.constant 0 : i32
      %dma_start3A_31 = arith.constant 0 : i32
      %dma_start3A_32 = tpu.memref_slice %arg3[%add3A, %dma_start3A_30, %dma_start3A_31] : memref<32x8x128xi32, #tpu.memory_space<hbm>> -> memref<1x8x128xi32, #tpu.memory_space<hbm>>
      %dma_start3A_33 = tpu.memref_squeeze %dma_start3A_32 : memref<1x8x128xi32, #tpu.memory_space<hbm>> -> memref<8x128xi32, #tpu.memory_space<hbm>>
      %dma_start3A_34 = arith.constant 0 : i32
      %dma_start3A_35 = arith.constant 0 : i32
      %dma_start3A_36 = tpu.memref_slice %arg3[%add3A, %dma_start3A_34, %dma_start3A_35] : memref<32x8x128xi32, #tpu.memory_space<hbm>> -> memref<1x8x128xi32, #tpu.memory_space<hbm>>
      %dma_start3A_37 = tpu.memref_squeeze %dma_start3A_36 : memref<1x8x128xi32, #tpu.memory_space<hbm>> -> memref<8x128xi32, #tpu.memory_space<hbm>>
      tpu.enqueue_dma source(%dma_start3A_37 : memref<8x128xi32, #tpu.memory_space<hbm>>) target(%arg6 : memref<8x128xi32, #tpu.memory_space<vmem>>) target_semaphore(%run_scoped3A : memref<!tpu.dma_semaphore, #tpu.memory_space<semaphore_mem>>)
      %dma_wait3A_38 = arith.constant 0 : i32
      %dma_wait3A_39 = arith.constant 0 : i32
      %dma_wait3A_40 = tpu.memref_slice %arg3[%add3A, %dma_wait3A_38, %dma_wait3A_39] : memref<32x8x128xi32, #tpu.memory_space<hbm>> -> memref<1x8x128xi32, #tpu.memory_space<hbm>>
      %dma_wait3A_41 = tpu.memref_squeeze %dma_wait3A_40 : memref<1x8x128xi32, #tpu.memory_space<hbm>> -> memref<8x128xi32, #tpu.memory_space<hbm>>
      %dma_wait3A_42 = arith.constant 0 : i32
      %dma_wait3A_43 = arith.constant 0 : i32
      %dma_wait3A_44 = tpu.memref_slice %arg3[%add3A, %dma_wait3A_42, %dma_wait3A_43] : memref<32x8x128xi32, #tpu.memory_space<hbm>> -> memref<1x8x128xi32, #tpu.memory_space<hbm>>
      %dma_wait3A_45 = tpu.memref_squeeze %dma_wait3A_44 : memref<1x8x128xi32, #tpu.memory_space<hbm>> -> memref<8x128xi32, #tpu.memory_space<hbm>>
      tpu.wait_dma2 semaphore(%run_scoped3A : memref<!tpu.dma_semaphore, #tpu.memory_space<semaphore_mem>>) src(%dma_wait3A_45 : memref<8x128xi32, #tpu.memory_space<hbm>>) dst(%arg6 : memref<8x128xi32, #tpu.memory_space<vmem>>)
      tpu.yield
    }) : () -> ()
    %dma_start3A = arith.constant 0 : i32
    %dma_start3A_5 = arith.constant 0 : i32
    %dma_start3A_6 = tpu.memref_slice %arg6[%dma_start3A, %dma_start3A_5] : memref<8x128xi32, #tpu.memory_space<vmem>> -> memref<1x128xi32, #tpu.memory_space<vmem>>
    %dma_start3A_7 = tpu.memref_squeeze %dma_start3A_6 : memref<1x128xi32, #tpu.memory_space<vmem>> -> memref<128xi32, #tpu.memory_space<vmem>>
    %dma_start3A_8 = arith.constant 0 : i32
    %dma_start3A_9 = arith.constant 0 : i32
    %dma_start3A_10 = tpu.memref_slice %arg2[%dma_start3A_8, %dma_start3A_9] : memref<8192x128xf32, #tpu.memory_space<hbm>> -> memref<8192x128xf32, #tpu.memory_space<hbm>>
    tpu.enqueue_indirect_dma source(%dma_start3A_10 : memref<8192x128xf32, #tpu.memory_space<hbm>>) target(%arg7 : memref<128x128xf32, #tpu.memory_space<vmem>>) offsets(%dma_start3A_7 : memref<128xi32, #tpu.memory_space<vmem>>) semaphore(%arg9 : memref<!tpu.dma_semaphore, #tpu.memory_space<semaphore_mem>>)
    %dma_start3A_11 = arith.constant 1 : i32
    %dma_start3A_12 = arith.constant 0 : i32
    %dma_start3A_13 = tpu.memref_slice %arg6[%dma_start3A_11, %dma_start3A_12] : memref<8x128xi32, #tpu.memory_space<vmem>> -> memref<1x128xi32, #tpu.memory_space<vmem>>
    %dma_start3A_14 = tpu.memref_squeeze %dma_start3A_13 : memref<1x128xi32, #tpu.memory_space<vmem>> -> memref<128xi32, #tpu.memory_space<vmem>>
    %dma_start3A_15 = arith.constant 0 : i32
    %dma_start3A_16 = arith.constant 0 : i32
    %dma_start3A_17 = tpu.memref_slice %arg2[%dma_start3A_15, %dma_start3A_16] : memref<8192x128xf32, #tpu.memory_space<hbm>> -> memref<8192x128xf32, #tpu.memory_space<hbm>>
    tpu.enqueue_indirect_dma source(%dma_start3A_17 : memref<8192x128xf32, #tpu.memory_space<hbm>>) target(%arg8 : memref<128x128xf32, #tpu.memory_space<vmem>>) offsets(%dma_start3A_14 : memref<128xi32, #tpu.memory_space<vmem>>) semaphore(%arg10 : memref<!tpu.dma_semaphore, #tpu.memory_space<semaphore_mem>>)
    %scan3A = arith.constant 0 : i32
    %scan3A_18 = arith.constant 0 : i32
    %scan3A_19 = arith.constant 4 : i32
    %scan3A_20 = arith.addi %scan3A_18, %scan3A_19 : i32
    %scan3A_21 = arith.constant 1 : i32
    scf.for %scan3A_30 = %scan3A_18 to %scan3A_20 step %scan3A_21  : i32 {
      %mul3A_31 = arith.constant 2 : i32
      %mul3A_32 = arith.muli %mul3A_31, %scan3A_30 : i32
      %dma_wait3A_33 = arith.constant 0 : i32
      %dma_wait3A_34 = arith.constant 0 : i32
      %dma_wait3A_35 = tpu.memref_slice %arg6[%dma_wait3A_33, %dma_wait3A_34] : memref<8x128xi32, #tpu.memory_space<vmem>> -> memref<1x128xi32, #tpu.memory_space<vmem>>
      %dma_wait3A_36 = tpu.memref_squeeze %dma_wait3A_35 : memref<1x128xi32, #tpu.memory_space<vmem>> -> memref<128xi32, #tpu.memory_space<vmem>>
      %dma_wait3A_37 = arith.constant 0 : i32
      %dma_wait3A_38 = arith.constant 0 : i32
      %dma_wait3A_39 = tpu.memref_slice %arg2[%dma_wait3A_37, %dma_wait3A_38] : memref<8192x128xf32, #tpu.memory_space<hbm>> -> memref<8192x128xf32, #tpu.memory_space<hbm>>
      tpu.wait_indirect_dma semaphore(%arg9 : memref<!tpu.dma_semaphore, #tpu.memory_space<semaphore_mem>>) src(%dma_wait3A_39 : memref<8192x128xf32, #tpu.memory_space<hbm>>) dst(%arg7 : memref<128x128xf32, #tpu.memory_space<vmem>>)
      %mul3A_40 = arith.constant 128 : i32
      %mul3A_41 = arith.muli %mul3A_32, %mul3A_40 : i32
      %add3A_42 = arith.addi %add3A_4, %mul3A_41 : i32
      %dma_start3A_43 = arith.constant 0 : i32
      %dma_start3A_44 = tpu.memref_slice %arg4[%add3A_42, %dma_start3A_43] : memref<131072x128xf32, #tpu.memory_space<hbm>> -> memref<128x128xf32, #tpu.memory_space<hbm>>
      %dma_start3A_45 = arith.constant 0 : i32
      %dma_start3A_46 = tpu.memref_slice %arg4[%add3A_42, %dma_start3A_45] : memref<131072x128xf32, #tpu.memory_space<hbm>> -> memref<128x128xf32, #tpu.memory_space<hbm>>
      tpu.enqueue_dma source(%arg7 : memref<128x128xf32, #tpu.memory_space<vmem>>) target(%dma_start3A_46 : memref<128x128xf32, #tpu.memory_space<hbm>>) target_semaphore(%arg11 : memref<!tpu.dma_semaphore, #tpu.memory_space<semaphore_mem>>)
      %dma_wait3A_47 = arith.constant 0 : i32
      %dma_wait3A_48 = arith.constant 0 : i32
      %dma_wait3A_49 = tpu.memref_slice %arg6[%dma_wait3A_47, %dma_wait3A_48] : memref<8x128xi32, #tpu.memory_space<vmem>> -> memref<1x128xi32, #tpu.memory_space<vmem>>
      %dma_wait3A_50 = tpu.memref_squeeze %dma_wait3A_49 : memref<1x128xi32, #tpu.memory_space<vmem>> -> memref<128xi32, #tpu.memory_space<vmem>>
      %dma_wait3A_51 = arith.constant 0 : i32
      %dma_wait3A_52 = arith.constant 0 : i32
      %dma_wait3A_53 = tpu.memref_slice %arg2[%dma_wait3A_51, %dma_wait3A_52] : memref<8192x128xf32, #tpu.memory_space<hbm>> -> memref<8192x128xf32, #tpu.memory_space<hbm>>
      tpu.wait_indirect_dma semaphore(%arg10 : memref<!tpu.dma_semaphore, #tpu.memory_space<semaphore_mem>>) src(%dma_wait3A_53 : memref<8192x128xf32, #tpu.memory_space<hbm>>) dst(%arg8 : memref<128x128xf32, #tpu.memory_space<vmem>>)
      %add3A_54 = arith.constant 1 : i32
      %add3A_55 = arith.addi %mul3A_32, %add3A_54 : i32
      %mul3A_56 = arith.constant 128 : i32
      %mul3A_57 = arith.muli %add3A_55, %mul3A_56 : i32
      %add3A_58 = arith.addi %add3A_4, %mul3A_57 : i32
      %dma_start3A_59 = arith.constant 0 : i32
      %dma_start3A_60 = tpu.memref_slice %arg4[%add3A_58, %dma_start3A_59] : memref<131072x128xf32, #tpu.memory_space<hbm>> -> memref<128x128xf32, #tpu.memory_space<hbm>>
      %dma_start3A_61 = arith.constant 0 : i32
      %dma_start3A_62 = tpu.memref_slice %arg4[%add3A_58, %dma_start3A_61] : memref<131072x128xf32, #tpu.memory_space<hbm>> -> memref<128x128xf32, #tpu.memory_space<hbm>>
      tpu.enqueue_dma source(%arg8 : memref<128x128xf32, #tpu.memory_space<vmem>>) target(%dma_start3A_62 : memref<128x128xf32, #tpu.memory_space<hbm>>) target_semaphore(%arg12 : memref<!tpu.dma_semaphore, #tpu.memory_space<semaphore_mem>>)
      %lt3A = arith.constant 3 : i32
      %lt3A_63 = arith.cmpi slt, %scan3A_30, %lt3A : i32
      %convert_element_type3A = arith.extui %lt3A_63 : i1 to i32
      %cond3A = arith.constant 0 : i32
      %cond3A_64 = arith.cmpi ne, %convert_element_type3A, %cond3A : i32
      scf.if %cond3A_64 {
        %dma_wait3A_65 = arith.constant 0 : i32
        %dma_wait3A_66 = tpu.memref_slice %arg4[%add3A_4, %dma_wait3A_65] : memref<131072x128xf32, #tpu.memory_space<hbm>> -> memref<128x128xf32, #tpu.memory_space<hbm>>
        %dma_wait3A_67 = arith.constant 0 : i32
        %dma_wait3A_68 = tpu.memref_slice %arg4[%add3A_4, %dma_wait3A_67] : memref<131072x128xf32, #tpu.memory_space<hbm>> -> memref<128x128xf32, #tpu.memory_space<hbm>>
        tpu.wait_dma2 semaphore(%arg11 : memref<!tpu.dma_semaphore, #tpu.memory_space<semaphore_mem>>) src(%arg7 : memref<128x128xf32, #tpu.memory_space<vmem>>) dst(%dma_wait3A_68 : memref<128x128xf32, #tpu.memory_space<hbm>>)
        %add3A_69 = arith.constant 2 : i32
        %add3A_70 = arith.addi %mul3A_32, %add3A_69 : i32
        %dma_start3A_71 = arith.constant 0 : i32
        %dma_start3A_72 = tpu.memref_slice %arg6[%add3A_70, %dma_start3A_71] : memref<8x128xi32, #tpu.memory_space<vmem>> -> memref<1x128xi32, #tpu.memory_space<vmem>>
        %dma_start3A_73 = tpu.memref_squeeze %dma_start3A_72 : memref<1x128xi32, #tpu.memory_space<vmem>> -> memref<128xi32, #tpu.memory_space<vmem>>
        %dma_start3A_74 = arith.constant 0 : i32
        %dma_start3A_75 = arith.constant 0 : i32
        %dma_start3A_76 = tpu.memref_slice %arg2[%dma_start3A_74, %dma_start3A_75] : memref<8192x128xf32, #tpu.memory_space<hbm>> -> memref<8192x128xf32, #tpu.memory_space<hbm>>
        tpu.enqueue_indirect_dma source(%dma_start3A_76 : memref<8192x128xf32, #tpu.memory_space<hbm>>) target(%arg7 : memref<128x128xf32, #tpu.memory_space<vmem>>) offsets(%dma_start3A_73 : memref<128xi32, #tpu.memory_space<vmem>>) semaphore(%arg9 : memref<!tpu.dma_semaphore, #tpu.memory_space<semaphore_mem>>)
        %dma_wait3A_77 = arith.constant 0 : i32
        %dma_wait3A_78 = tpu.memref_slice %arg4[%add3A_4, %dma_wait3A_77] : memref<131072x128xf32, #tpu.memory_space<hbm>> -> memref<128x128xf32, #tpu.memory_space<hbm>>
        %dma_wait3A_79 = arith.constant 0 : i32
        %dma_wait3A_80 = tpu.memref_slice %arg4[%add3A_4, %dma_wait3A_79] : memref<131072x128xf32, #tpu.memory_space<hbm>> -> memref<128x128xf32, #tpu.memory_space<hbm>>
        tpu.wait_dma2 semaphore(%arg12 : memref<!tpu.dma_semaphore, #tpu.memory_space<semaphore_mem>>) src(%arg8 : memref<128x128xf32, #tpu.memory_space<vmem>>) dst(%dma_wait3A_80 : memref<128x128xf32, #tpu.memory_space<hbm>>)
        %add3A_81 = arith.constant 3 : i32
        %add3A_82 = arith.addi %mul3A_32, %add3A_81 : i32
        %dma_start3A_83 = arith.constant 0 : i32
        %dma_start3A_84 = tpu.memref_slice %arg6[%add3A_82, %dma_start3A_83] : memref<8x128xi32, #tpu.memory_space<vmem>> -> memref<1x128xi32, #tpu.memory_space<vmem>>
        %dma_start3A_85 = tpu.memref_squeeze %dma_start3A_84 : memref<1x128xi32, #tpu.memory_space<vmem>> -> memref<128xi32, #tpu.memory_space<vmem>>
        %dma_start3A_86 = arith.constant 0 : i32
        %dma_start3A_87 = arith.constant 0 : i32
        %dma_start3A_88 = tpu.memref_slice %arg2[%dma_start3A_86, %dma_start3A_87] : memref<8192x128xf32, #tpu.memory_space<hbm>> -> memref<8192x128xf32, #tpu.memory_space<hbm>>
        tpu.enqueue_indirect_dma source(%dma_start3A_88 : memref<8192x128xf32, #tpu.memory_space<hbm>>) target(%arg8 : memref<128x128xf32, #tpu.memory_space<vmem>>) offsets(%dma_start3A_85 : memref<128xi32, #tpu.memory_space<vmem>>) semaphore(%arg10 : memref<!tpu.dma_semaphore, #tpu.memory_space<semaphore_mem>>)
      } else {
      }
    }
    %scan3A_22 = arith.constant 4 : i32
    %dma_wait3A = arith.constant 0 : i32
    %dma_wait3A_23 = tpu.memref_slice %arg4[%add3A_4, %dma_wait3A] : memref<131072x128xf32, #tpu.memory_space<hbm>> -> memref<128x128xf32, #tpu.memory_space<hbm>>
    %dma_wait3A_24 = arith.constant 0 : i32
    %dma_wait3A_25 = tpu.memref_slice %arg4[%add3A_4, %dma_wait3A_24] : memref<131072x128xf32, #tpu.memory_space<hbm>> -> memref<128x128xf32, #tpu.memory_space<hbm>>
    tpu.wait_dma2 semaphore(%arg11 : memref<!tpu.dma_semaphore, #tpu.memory_space<semaphore_mem>>) src(%arg7 : memref<128x128xf32, #tpu.memory_space<vmem>>) dst(%dma_wait3A_25 : memref<128x128xf32, #tpu.memory_space<hbm>>)
    %dma_wait3A_26 = arith.constant 0 : i32
    %dma_wait3A_27 = tpu.memref_slice %arg4[%add3A_4, %dma_wait3A_26] : memref<131072x128xf32, #tpu.memory_space<hbm>> -> memref<128x128xf32, #tpu.memory_space<hbm>>
    %dma_wait3A_28 = arith.constant 0 : i32
    %dma_wait3A_29 = tpu.memref_slice %arg4[%add3A_4, %dma_wait3A_28] : memref<131072x128xf32, #tpu.memory_space<hbm>> -> memref<128x128xf32, #tpu.memory_space<hbm>>
    tpu.wait_dma2 semaphore(%arg12 : memref<!tpu.dma_semaphore, #tpu.memory_space<semaphore_mem>>) src(%arg8 : memref<128x128xf32, #tpu.memory_space<vmem>>) dst(%dma_wait3A_29 : memref<128x128xf32, #tpu.memory_space<hbm>>)
    return
  }
}

#map = affine_map<(d0, d1) -> (0, 0)>
#map1 = affine_map<(d0, d1) -> (0, 0, 0)>
module attributes {stable_mosaic.version = 14 : i64} {
  func.func @new_body(%arg0: i32, %arg1: i32, %arg2: memref<8192x128xf32, #tpu.memory_space<hbm>>, %arg3: memref<32x8x128xi32, #tpu.memory_space<hbm>>, %arg4: memref<131072x128xf32, #tpu.memory_space<hbm>>, %arg5: memref<131072x128xf32, #tpu.memory_space<hbm>>, %arg6: memref<8x128xi32, #tpu.memory_space<vmem>>, %arg7: memref<128x128xf32, #tpu.memory_space<vmem>>, %arg8: memref<128x128xf32, #tpu.memory_space<vmem>>, %arg9: memref<!tpu.dma_semaphore, #tpu.memory_space<semaphore_mem>>, %arg10: memref<!tpu.dma_semaphore, #tpu.memory_space<semaphore_mem>>, %arg11: memref<!tpu.dma_semaphore, #tpu.memory_space<semaphore_mem>>, %arg12: memref<!tpu.dma_semaphore, #tpu.memory_space<semaphore_mem>>) attributes {dimension_semantics = [#tpu.dimension_semantics<core_parallel>, #tpu.dimension_semantics<subcore_parallel>], iteration_bounds = array<i64: 2, 16>, scalar_prefetch = 0 : i64, scratch_operands = 7 : i64, tpu.core_type = #tpu.core_type<sc_vector_subcore>, window_params = [{transform_indices = #map}, {transform_indices = #map1}, {transform_indices = #map}, {transform_indices = #map}]} {
    %mul3A = arith.constant 2 : i32
    %mul3A_0 = arith.muli %arg1, %mul3A : i32
    %add3A = arith.addi %mul3A_0, %arg0 : i32
    %mul3A_1 = arith.constant 1024 : i32
    %mul3A_2 = arith.muli %add3A, %mul3A_1 : i32
    %add3A_3 = arith.constant 65536 : i32
    %add3A_4 = arith.addi %add3A_3, %mul3A_2 : i32
    "tpu.region"() ({
      %run_scoped3A = tpu.sem_alloc : memref<!tpu.dma_semaphore, #tpu.memory_space<semaphore_mem>>
      %dma_start3A_30 = arith.constant 0 : i32
      %dma_start3A_31 = arith.constant 0 : i32
      %dma_start3A_32 = tpu.memref_slice %arg3[%add3A, %dma_start3A_30, %dma_start3A_31] : memref<32x8x128xi32, #tpu.memory_space<hbm>> -> memref<1x8x128xi32, #tpu.memory_space<hbm>>
      %dma_start3A_33 = tpu.memref_squeeze %dma_start3A_32 : memref<1x8x128xi32, #tpu.memory_space<hbm>> -> memref<8x128xi32, #tpu.memory_space<hbm>>
      %dma_start3A_34 = arith.constant 0 : i32
      %dma_start3A_35 = arith.constant 0 : i32
      %dma_start3A_36 = tpu.memref_slice %arg3[%add3A, %dma_start3A_34, %dma_start3A_35] : memref<32x8x128xi32, #tpu.memory_space<hbm>> -> memref<1x8x128xi32, #tpu.memory_space<hbm>>
      %dma_start3A_37 = tpu.memref_squeeze %dma_start3A_36 : memref<1x8x128xi32, #tpu.memory_space<hbm>> -> memref<8x128xi32, #tpu.memory_space<hbm>>
      tpu.enqueue_dma source(%dma_start3A_37 : memref<8x128xi32, #tpu.memory_space<hbm>>) target(%arg6 : memref<8x128xi32, #tpu.memory_space<vmem>>) target_semaphore(%run_scoped3A : memref<!tpu.dma_semaphore, #tpu.memory_space<semaphore_mem>>)
      %dma_wait3A_38 = arith.constant 0 : i32
      %dma_wait3A_39 = arith.constant 0 : i32
      %dma_wait3A_40 = tpu.memref_slice %arg3[%add3A, %dma_wait3A_38, %dma_wait3A_39] : memref<32x8x128xi32, #tpu.memory_space<hbm>> -> memref<1x8x128xi32, #tpu.memory_space<hbm>>
      %dma_wait3A_41 = tpu.memref_squeeze %dma_wait3A_40 : memref<1x8x128xi32, #tpu.memory_space<hbm>> -> memref<8x128xi32, #tpu.memory_space<hbm>>
      %dma_wait3A_42 = arith.constant 0 : i32
      %dma_wait3A_43 = arith.constant 0 : i32
      %dma_wait3A_44 = tpu.memref_slice %arg3[%add3A, %dma_wait3A_42, %dma_wait3A_43] : memref<32x8x128xi32, #tpu.memory_space<hbm>> -> memref<1x8x128xi32, #tpu.memory_space<hbm>>
      %dma_wait3A_45 = tpu.memref_squeeze %dma_wait3A_44 : memref<1x8x128xi32, #tpu.memory_space<hbm>> -> memref<8x128xi32, #tpu.memory_space<hbm>>
      tpu.wait_dma2 semaphore(%run_scoped3A : memref<!tpu.dma_semaphore, #tpu.memory_space<semaphore_mem>>) src(%dma_wait3A_45 : memref<8x128xi32, #tpu.memory_space<hbm>>) dst(%arg6 : memref<8x128xi32, #tpu.memory_space<vmem>>)
      tpu.yield
    }) : () -> ()
    %dma_start3A = arith.constant 0 : i32
    %dma_start3A_5 = arith.constant 0 : i32
    %dma_start3A_6 = tpu.memref_slice %arg6[%dma_start3A, %dma_start3A_5] : memref<8x128xi32, #tpu.memory_space<vmem>> -> memref<1x128xi32, #tpu.memory_space<vmem>>
    %dma_start3A_7 = tpu.memref_squeeze %dma_start3A_6 : memref<1x128xi32, #tpu.memory_space<vmem>> -> memref<128xi32, #tpu.memory_space<vmem>>
    %dma_start3A_8 = arith.constant 0 : i32
    %dma_start3A_9 = arith.constant 0 : i32
    %dma_start3A_10 = tpu.memref_slice %arg2[%dma_start3A_8, %dma_start3A_9] : memref<8192x128xf32, #tpu.memory_space<hbm>> -> memref<8192x128xf32, #tpu.memory_space<hbm>>
    tpu.enqueue_indirect_dma source(%dma_start3A_10 : memref<8192x128xf32, #tpu.memory_space<hbm>>) target(%arg7 : memref<128x128xf32, #tpu.memory_space<vmem>>) offsets(%dma_start3A_7 : memref<128xi32, #tpu.memory_space<vmem>>) semaphore(%arg9 : memref<!tpu.dma_semaphore, #tpu.memory_space<semaphore_mem>>)
    %dma_start3A_11 = arith.constant 1 : i32
    %dma_start3A_12 = arith.constant 0 : i32
    %dma_start3A_13 = tpu.memref_slice %arg6[%dma_start3A_11, %dma_start3A_12] : memref<8x128xi32, #tpu.memory_space<vmem>> -> memref<1x128xi32, #tpu.memory_space<vmem>>
    %dma_start3A_14 = tpu.memref_squeeze %dma_start3A_13 : memref<1x128xi32, #tpu.memory_space<vmem>> -> memref<128xi32, #tpu.memory_space<vmem>>
    %dma_start3A_15 = arith.constant 0 : i32
    %dma_start3A_16 = arith.constant 0 : i32
    %dma_start3A_17 = tpu.memref_slice %arg2[%dma_start3A_15, %dma_start3A_16] : memref<8192x128xf32, #tpu.memory_space<hbm>> -> memref<8192x128xf32, #tpu.memory_space<hbm>>
    tpu.enqueue_indirect_dma source(%dma_start3A_17 : memref<8192x128xf32, #tpu.memory_space<hbm>>) target(%arg8 : memref<128x128xf32, #tpu.memory_space<vmem>>) offsets(%dma_start3A_14 : memref<128xi32, #tpu.memory_space<vmem>>) semaphore(%arg10 : memref<!tpu.dma_semaphore, #tpu.memory_space<semaphore_mem>>)
    %scan3A = arith.constant 0 : i32
    %scan3A_18 = arith.constant 0 : i32
    %scan3A_19 = arith.constant 4 : i32
    %scan3A_20 = arith.addi %scan3A_18, %scan3A_19 : i32
    %scan3A_21 = arith.constant 1 : i32
    scf.for %scan3A_30 = %scan3A_18 to %scan3A_20 step %scan3A_21  : i32 {
      %mul3A_31 = arith.constant 2 : i32
      %mul3A_32 = arith.muli %mul3A_31, %scan3A_30 : i32
      %dma_wait3A_33 = arith.constant 0 : i32
      %dma_wait3A_34 = arith.constant 0 : i32
      %dma_wait3A_35 = tpu.memref_slice %arg6[%dma_wait3A_33, %dma_wait3A_34] : memref<8x128xi32, #tpu.memory_space<vmem>> -> memref<1x128xi32, #tpu.memory_space<vmem>>
      %dma_wait3A_36 = tpu.memref_squeeze %dma_wait3A_35 : memref<1x128xi32, #tpu.memory_space<vmem>> -> memref<128xi32, #tpu.memory_space<vmem>>
      %dma_wait3A_37 = arith.constant 0 : i32
      %dma_wait3A_38 = arith.constant 0 : i32
      %dma_wait3A_39 = tpu.memref_slice %arg2[%dma_wait3A_37, %dma_wait3A_38] : memref<8192x128xf32, #tpu.memory_space<hbm>> -> memref<8192x128xf32, #tpu.memory_space<hbm>>
      tpu.wait_indirect_dma semaphore(%arg9 : memref<!tpu.dma_semaphore, #tpu.memory_space<semaphore_mem>>) src(%dma_wait3A_39 : memref<8192x128xf32, #tpu.memory_space<hbm>>) dst(%arg7 : memref<128x128xf32, #tpu.memory_space<vmem>>)
      %mul3A_40 = arith.constant 128 : i32
      %mul3A_41 = arith.muli %mul3A_32, %mul3A_40 : i32
      %add3A_42 = arith.addi %add3A_4, %mul3A_41 : i32
      %dma_start3A_43 = arith.constant 0 : i32
      %dma_start3A_44 = tpu.memref_slice %arg4[%add3A_42, %dma_start3A_43] : memref<131072x128xf32, #tpu.memory_space<hbm>> -> memref<128x128xf32, #tpu.memory_space<hbm>>
      %dma_start3A_45 = arith.constant 0 : i32
      %dma_start3A_46 = tpu.memref_slice %arg4[%add3A_42, %dma_start3A_45] : memref<131072x128xf32, #tpu.memory_space<hbm>> -> memref<128x128xf32, #tpu.memory_space<hbm>>
      tpu.enqueue_dma source(%arg7 : memref<128x128xf32, #tpu.memory_space<vmem>>) target(%dma_start3A_46 : memref<128x128xf32, #tpu.memory_space<hbm>>) target_semaphore(%arg11 : memref<!tpu.dma_semaphore, #tpu.memory_space<semaphore_mem>>)
      %dma_wait3A_47 = arith.constant 0 : i32
      %dma_wait3A_48 = arith.constant 0 : i32
      %dma_wait3A_49 = tpu.memref_slice %arg6[%dma_wait3A_47, %dma_wait3A_48] : memref<8x128xi32, #tpu.memory_space<vmem>> -> memref<1x128xi32, #tpu.memory_space<vmem>>
      %dma_wait3A_50 = tpu.memref_squeeze %dma_wait3A_49 : memref<1x128xi32, #tpu.memory_space<vmem>> -> memref<128xi32, #tpu.memory_space<vmem>>
      %dma_wait3A_51 = arith.constant 0 : i32
      %dma_wait3A_52 = arith.constant 0 : i32
      %dma_wait3A_53 = tpu.memref_slice %arg2[%dma_wait3A_51, %dma_wait3A_52] : memref<8192x128xf32, #tpu.memory_space<hbm>> -> memref<8192x128xf32, #tpu.memory_space<hbm>>
      tpu.wait_indirect_dma semaphore(%arg10 : memref<!tpu.dma_semaphore, #tpu.memory_space<semaphore_mem>>) src(%dma_wait3A_53 : memref<8192x128xf32, #tpu.memory_space<hbm>>) dst(%arg8 : memref<128x128xf32, #tpu.memory_space<vmem>>)
      %add3A_54 = arith.constant 1 : i32
      %add3A_55 = arith.addi %mul3A_32, %add3A_54 : i32
      %mul3A_56 = arith.constant 128 : i32
      %mul3A_57 = arith.muli %add3A_55, %mul3A_56 : i32
      %add3A_58 = arith.addi %add3A_4, %mul3A_57 : i32
      %dma_start3A_59 = arith.constant 0 : i32
      %dma_start3A_60 = tpu.memref_slice %arg4[%add3A_58, %dma_start3A_59] : memref<131072x128xf32, #tpu.memory_space<hbm>> -> memref<128x128xf32, #tpu.memory_space<hbm>>
      %dma_start3A_61 = arith.constant 0 : i32
      %dma_start3A_62 = tpu.memref_slice %arg4[%add3A_58, %dma_start3A_61] : memref<131072x128xf32, #tpu.memory_space<hbm>> -> memref<128x128xf32, #tpu.memory_space<hbm>>
      tpu.enqueue_dma source(%arg8 : memref<128x128xf32, #tpu.memory_space<vmem>>) target(%dma_start3A_62 : memref<128x128xf32, #tpu.memory_space<hbm>>) target_semaphore(%arg12 : memref<!tpu.dma_semaphore, #tpu.memory_space<semaphore_mem>>)
      %lt3A = arith.constant 3 : i32
      %lt3A_63 = arith.cmpi slt, %scan3A_30, %lt3A : i32
      %convert_element_type3A = arith.extui %lt3A_63 : i1 to i32
      %cond3A = arith.constant 0 : i32
      %cond3A_64 = arith.cmpi ne, %convert_element_type3A, %cond3A : i32
      scf.if %cond3A_64 {
        %dma_wait3A_65 = arith.constant 0 : i32
        %dma_wait3A_66 = tpu.memref_slice %arg4[%add3A_4, %dma_wait3A_65] : memref<131072x128xf32, #tpu.memory_space<hbm>> -> memref<128x128xf32, #tpu.memory_space<hbm>>
        %dma_wait3A_67 = arith.constant 0 : i32
        %dma_wait3A_68 = tpu.memref_slice %arg4[%add3A_4, %dma_wait3A_67] : memref<131072x128xf32, #tpu.memory_space<hbm>> -> memref<128x128xf32, #tpu.memory_space<hbm>>
        tpu.wait_dma2 semaphore(%arg11 : memref<!tpu.dma_semaphore, #tpu.memory_space<semaphore_mem>>) src(%arg7 : memref<128x128xf32, #tpu.memory_space<vmem>>) dst(%dma_wait3A_68 : memref<128x128xf32, #tpu.memory_space<hbm>>)
        %add3A_69 = arith.constant 2 : i32
        %add3A_70 = arith.addi %mul3A_32, %add3A_69 : i32
        %dma_start3A_71 = arith.constant 0 : i32
        %dma_start3A_72 = tpu.memref_slice %arg6[%add3A_70, %dma_start3A_71] : memref<8x128xi32, #tpu.memory_space<vmem>> -> memref<1x128xi32, #tpu.memory_space<vmem>>
        %dma_start3A_73 = tpu.memref_squeeze %dma_start3A_72 : memref<1x128xi32, #tpu.memory_space<vmem>> -> memref<128xi32, #tpu.memory_space<vmem>>
        %dma_start3A_74 = arith.constant 0 : i32
        %dma_start3A_75 = arith.constant 0 : i32
        %dma_start3A_76 = tpu.memref_slice %arg2[%dma_start3A_74, %dma_start3A_75] : memref<8192x128xf32, #tpu.memory_space<hbm>> -> memref<8192x128xf32, #tpu.memory_space<hbm>>
        tpu.enqueue_indirect_dma source(%dma_start3A_76 : memref<8192x128xf32, #tpu.memory_space<hbm>>) target(%arg7 : memref<128x128xf32, #tpu.memory_space<vmem>>) offsets(%dma_start3A_73 : memref<128xi32, #tpu.memory_space<vmem>>) semaphore(%arg9 : memref<!tpu.dma_semaphore, #tpu.memory_space<semaphore_mem>>)
        %dma_wait3A_77 = arith.constant 0 : i32
        %dma_wait3A_78 = tpu.memref_slice %arg4[%add3A_4, %dma_wait3A_77] : memref<131072x128xf32, #tpu.memory_space<hbm>> -> memref<128x128xf32, #tpu.memory_space<hbm>>
        %dma_wait3A_79 = arith.constant 0 : i32
        %dma_wait3A_80 = tpu.memref_slice %arg4[%add3A_4, %dma_wait3A_79] : memref<131072x128xf32, #tpu.memory_space<hbm>> -> memref<128x128xf32, #tpu.memory_space<hbm>>
        tpu.wait_dma2 semaphore(%arg12 : memref<!tpu.dma_semaphore, #tpu.memory_space<semaphore_mem>>) src(%arg8 : memref<128x128xf32, #tpu.memory_space<vmem>>) dst(%dma_wait3A_80 : memref<128x128xf32, #tpu.memory_space<hbm>>)
        %add3A_81 = arith.constant 3 : i32
        %add3A_82 = arith.addi %mul3A_32, %add3A_81 : i32
        %dma_start3A_83 = arith.constant 0 : i32
        %dma_start3A_84 = tpu.memref_slice %arg6[%add3A_82, %dma_start3A_83] : memref<8x128xi32, #tpu.memory_space<vmem>> -> memref<1x128xi32, #tpu.memory_space<vmem>>
        %dma_start3A_85 = tpu.memref_squeeze %dma_start3A_84 : memref<1x128xi32, #tpu.memory_space<vmem>> -> memref<128xi32, #tpu.memory_space<vmem>>
        %dma_start3A_86 = arith.constant 0 : i32
        %dma_start3A_87 = arith.constant 0 : i32
        %dma_start3A_88 = tpu.memref_slice %arg2[%dma_start3A_86, %dma_start3A_87] : memref<8192x128xf32, #tpu.memory_space<hbm>> -> memref<8192x128xf32, #tpu.memory_space<hbm>>
        tpu.enqueue_indirect_dma source(%dma_start3A_88 : memref<8192x128xf32, #tpu.memory_space<hbm>>) target(%arg8 : memref<128x128xf32, #tpu.memory_space<vmem>>) offsets(%dma_start3A_85 : memref<128xi32, #tpu.memory_space<vmem>>) semaphore(%arg10 : memref<!tpu.dma_semaphore, #tpu.memory_space<semaphore_mem>>)
      } else {
      }
    }
    %scan3A_22 = arith.constant 4 : i32
    %dma_wait3A = arith.constant 0 : i32
    %dma_wait3A_23 = tpu.memref_slice %arg4[%add3A_4, %dma_wait3A] : memref<131072x128xf32, #tpu.memory_space<hbm>> -> memref<128x128xf32, #tpu.memory_space<hbm>>
    %dma_wait3A_24 = arith.constant 0 : i32
    %dma_wait3A_25 = tpu.memref_slice %arg4[%add3A_4, %dma_wait3A_24] : memref<131072x128xf32, #tpu.memory_space<hbm>> -> memref<128x128xf32, #tpu.memory_space<hbm>>
    tpu.wait_dma2 semaphore(%arg11 : memref<!tpu.dma_semaphore, #tpu.memory_space<semaphore_mem>>) src(%arg7 : memref<128x128xf32, #tpu.memory_space<vmem>>) dst(%dma_wait3A_25 : memref<128x128xf32, #tpu.memory_space<hbm>>)
    %dma_wait3A_26 = arith.constant 0 : i32
    %dma_wait3A_27 = tpu.memref_slice %arg4[%add3A_4, %dma_wait3A_26] : memref<131072x128xf32, #tpu.memory_space<hbm>> -> memref<128x128xf32, #tpu.memory_space<hbm>>
    %dma_wait3A_28 = arith.constant 0 : i32
    %dma_wait3A_29 = tpu.memref_slice %arg4[%add3A_4, %dma_wait3A_28] : memref<131072x128xf32, #tpu.memory_space<hbm>> -> memref<128x128xf32, #tpu.memory_space<hbm>>
    tpu.wait_dma2 semaphore(%arg12 : memref<!tpu.dma_semaphore, #tpu.memory_space<semaphore_mem>>) src(%arg8 : memref<128x128xf32, #tpu.memory_space<vmem>>) dst(%dma_wait3A_29 : memref<128x128xf32, #tpu.memory_space<hbm>>)
    return
  }
}

module attributes {stable_mosaic.version = 14 : i64} {
  func.func @_topk_body(%arg0: i32, %arg1: i32, %arg2: memref<1x512x1xi32, #tpu.memory_space<vmem>>, %arg3: memref<1x1x2048xi32, #tpu.memory_space<vmem>>, %arg4: memref<1x512x16xi32, #tpu.memory_space<vmem>>, %arg5: memref<1x512x16xf32, #tpu.memory_space<vmem>>) attributes {dimension_semantics = [#tpu.dimension_semantics<arbitrary>, #tpu.dimension_semantics<arbitrary>], iteration_bounds = array<i64: 2, 4>, scalar_prefetch = 0 : i64, scratch_operands = 0 : i64, tpu.core_type = #tpu.core_type<tc>, window_params = [{transform_indices = @transform_0, window_bounds = array<i64: 1, 512, 1>}, {transform_indices = @transform_1, window_bounds = array<i64: 1, 1, 2048>}, {transform_indices = @transform_2, window_bounds = array<i64: 1, 512, 16>}, {transform_indices = @transform_3, window_bounds = array<i64: 1, 512, 16>}]} {
    %get3A = arith.constant 0 : index
    %get3A_0 = arith.constant 0 : index
    %get3A_1 = arith.constant 0 : index
    %get3A_2 = vector.load %arg2[%get3A, %get3A_0, %get3A_1] : memref<1x512x1xi32, #tpu.memory_space<vmem>>, vector<1x512x1xi32>
    %get3A_3 = vector.shape_cast %get3A_2 : vector<1x512x1xi32> to vector<512x1xi32>
    %get3A_4 = arith.constant 0 : index
    %get3A_5 = arith.constant 0 : index
    %get3A_6 = arith.constant 0 : index
    %get3A_7 = vector.load %arg3[%get3A_4, %get3A_5, %get3A_6] : memref<1x1x2048xi32, #tpu.memory_space<vmem>>, vector<1x1x2048xi32>
    %get3A_8 = vector.shape_cast %get3A_7 : vector<1x1x2048xi32> to vector<1x2048xi32>
    %add3A = arith.constant 0 : i32
    %add3A_9 = arith.addi %add3A, %arg0 : i32
    %sub3A = vector.broadcast %get3A_3 : vector<512x1xi32> to vector<512x2048xi32>
    %sub3A_10 = vector.broadcast %get3A_8 : vector<1x2048xi32> to vector<512x2048xi32>
    %sub3A_11 = arith.subi %sub3A, %sub3A_10 : vector<512x2048xi32>
    %abs3A = math.absi %sub3A_11 : vector<512x2048xi32>
    %iota3A = tpu.iota {dimensions = array<i32: 1>} : vector<512x2048xi32>
    %shift_left3A = arith.constant 11 : i32
    %shift_left3A_12 = vector.broadcast %shift_left3A : i32 to vector<512x2048xi32>
    %shift_left3A_13 = arith.shli %abs3A, %shift_left3A_12 : vector<512x2048xi32>
    %or3A = arith.ori %shift_left3A_13, %iota3A : vector<512x2048xi32>
    %broadcast_in_dim3A = arith.constant -2147483648 : i32
    %broadcast_in_dim3A_14 = vector.broadcast %broadcast_in_dim3A : i32 to vector<512x1xi32>
    %sub3A_15 = vector.broadcast %broadcast_in_dim3A_14 : vector<512x1xi32> to vector<512x2048xi32>
    %sub3A_16 = arith.subi %or3A, %sub3A_15 : vector<512x2048xi32>
    %reduce_min3A = arith.constant dense<2147483647> : vector<512xi32>
    %reduce_min3A_17 = vector.multi_reduction <minsi>, %sub3A_16, %reduce_min3A [1] : vector<512x2048xi32> to vector<512xi32>
    %broadcast_in_dim3A_18 = vector.shape_cast %reduce_min3A_17 : vector<512xi32> to vector<512x1xi32>
    %add3A_19 = arith.addi %broadcast_in_dim3A_18, %broadcast_in_dim3A_14 : vector<512x1xi32>
    %add3A_20 = arith.constant -2147483647 : i32
    %add3A_21 = vector.broadcast %add3A_20 : i32 to vector<512x1xi32>
    %add3A_22 = arith.addi %add3A_19, %add3A_21 : vector<512x1xi32>
    %and3A = arith.constant 2047 : i32
    %and3A_23 = vector.broadcast %and3A : i32 to vector<512x1xi32>
    %and3A_24 = arith.andi %add3A_19, %and3A_23 : vector<512x1xi32>
    %mul3A = arith.constant 2048 : i32
    %mul3A_25 = arith.muli %add3A_9, %mul3A : i32
    %add3A_26 = vector.broadcast %mul3A_25 : i32 to vector<512x1xi32>
    %add3A_27 = arith.addi %and3A_24, %add3A_26 : vector<512x1xi32>
    %shift_right_arithmetic3A = arith.constant 11 : i32
    %shift_right_arithmetic3A_28 = vector.broadcast %shift_right_arithmetic3A : i32 to vector<512x1xi32>
    %shift_right_arithmetic3A_29 = arith.shrsi %add3A_19, %shift_right_arithmetic3A_28 : vector<512x1xi32>
    %convert_element_type3A = arith.sitofp %shift_right_arithmetic3A_29 : vector<512x1xi32> to vector<512x1xf32>
    %sub3A_30 = vector.broadcast %add3A_22 : vector<512x1xi32> to vector<512x2048xi32>
    %sub3A_31 = arith.subi %or3A, %sub3A_30 : vector<512x2048xi32>
    %reduce_min3A_32 = arith.constant dense<2147483647> : vector<512xi32>
    %reduce_min3A_33 = vector.multi_reduction <minsi>, %sub3A_31, %reduce_min3A_32 [1] : vector<512x2048xi32> to vector<512xi32>
    %broadcast_in_dim3A_34 = vector.shape_cast %reduce_min3A_33 : vector<512xi32> to vector<512x1xi32>
    %add3A_35 = arith.addi %broadcast_in_dim3A_34, %add3A_22 : vector<512x1xi32>
    %add3A_36 = arith.constant -2147483647 : i32
    %add3A_37 = vector.broadcast %add3A_36 : i32 to vector<512x1xi32>
    %add3A_38 = arith.addi %add3A_35, %add3A_37 : vector<512x1xi32>
    %and3A_39 = arith.constant 2047 : i32
    %and3A_40 = vector.broadcast %and3A_39 : i32 to vector<512x1xi32>
    %and3A_41 = arith.andi %add3A_35, %and3A_40 : vector<512x1xi32>
    %mul3A_42 = arith.constant 2048 : i32
    %mul3A_43 = arith.muli %add3A_9, %mul3A_42 : i32
    %add3A_44 = vector.broadcast %mul3A_43 : i32 to vector<512x1xi32>
    %add3A_45 = arith.addi %and3A_41, %add3A_44 : vector<512x1xi32>
    %shift_right_arithmetic3A_46 = arith.constant 11 : i32
    %shift_right_arithmetic3A_47 = vector.broadcast %shift_right_arithmetic3A_46 : i32 to vector<512x1xi32>
    %shift_right_arithmetic3A_48 = arith.shrsi %add3A_35, %shift_right_arithmetic3A_47 : vector<512x1xi32>
    %convert_element_type3A_49 = arith.sitofp %shift_right_arithmetic3A_48 : vector<512x1xi32> to vector<512x1xf32>
    %sub3A_50 = vector.broadcast %add3A_38 : vector<512x1xi32> to vector<512x2048xi32>
    %sub3A_51 = arith.subi %or3A, %sub3A_50 : vector<512x2048xi32>
    %reduce_min3A_52 = arith.constant dense<2147483647> : vector<512xi32>
    %reduce_min3A_53 = vector.multi_reduction <minsi>, %sub3A_51, %reduce_min3A_52 [1] : vector<512x2048xi32> to vector<512xi32>
    %broadcast_in_dim3A_54 = vector.shape_cast %reduce_min3A_53 : vector<512xi32> to vector<512x1xi32>
    %add3A_55 = arith.addi %broadcast_in_dim3A_54, %add3A_38 : vector<512x1xi32>
    %add3A_56 = arith.constant -2147483647 : i32
    %add3A_57 = vector.broadcast %add3A_56 : i32 to vector<512x1xi32>
    %add3A_58 = arith.addi %add3A_55, %add3A_57 : vector<512x1xi32>
    %and3A_59 = arith.constant 2047 : i32
    %and3A_60 = vector.broadcast %and3A_59 : i32 to vector<512x1xi32>
    %and3A_61 = arith.andi %add3A_55, %and3A_60 : vector<512x1xi32>
    %mul3A_62 = arith.constant 2048 : i32
    %mul3A_63 = arith.muli %add3A_9, %mul3A_62 : i32
    %add3A_64 = vector.broadcast %mul3A_63 : i32 to vector<512x1xi32>
    %add3A_65 = arith.addi %and3A_61, %add3A_64 : vector<512x1xi32>
    %shift_right_arithmetic3A_66 = arith.constant 11 : i32
    %shift_right_arithmetic3A_67 = vector.broadcast %shift_right_arithmetic3A_66 : i32 to vector<512x1xi32>
    %shift_right_arithmetic3A_68 = arith.shrsi %add3A_55, %shift_right_arithmetic3A_67 : vector<512x1xi32>
    %convert_element_type3A_69 = arith.sitofp %shift_right_arithmetic3A_68 : vector<512x1xi32> to vector<512x1xf32>
    %sub3A_70 = vector.broadcast %add3A_58 : vector<512x1xi32> to vector<512x2048xi32>
    %sub3A_71 = arith.subi %or3A, %sub3A_70 : vector<512x2048xi32>
    %reduce_min3A_72 = arith.constant dense<2147483647> : vector<512xi32>
    %reduce_min3A_73 = vector.multi_reduction <minsi>, %sub3A_71, %reduce_min3A_72 [1] : vector<512x2048xi32> to vector<512xi32>
    %broadcast_in_dim3A_74 = vector.shape_cast %reduce_min3A_73 : vector<512xi32> to vector<512x1xi32>
    %add3A_75 = arith.addi %broadcast_in_dim3A_74, %add3A_58 : vector<512x1xi32>
    %add3A_76 = arith.constant -2147483647 : i32
    %add3A_77 = vector.broadcast %add3A_76 : i32 to vector<512x1xi32>
    %add3A_78 = arith.addi %add3A_75, %add3A_77 : vector<512x1xi32>
    %and3A_79 = arith.constant 2047 : i32
    %and3A_80 = vector.broadcast %and3A_79 : i32 to vector<512x1xi32>
    %and3A_81 = arith.andi %add3A_75, %and3A_80 : vector<512x1xi32>
    %mul3A_82 = arith.constant 2048 : i32
    %mul3A_83 = arith.muli %add3A_9, %mul3A_82 : i32
    %add3A_84 = vector.broadcast %mul3A_83 : i32 to vector<512x1xi32>
    %add3A_85 = arith.addi %and3A_81, %add3A_84 : vector<512x1xi32>
    %shift_right_arithmetic3A_86 = arith.constant 11 : i32
    %shift_right_arithmetic3A_87 = vector.broadcast %shift_right_arithmetic3A_86 : i32 to vector<512x1xi32>
    %shift_right_arithmetic3A_88 = arith.shrsi %add3A_75, %shift_right_arithmetic3A_87 : vector<512x1xi32>
    %convert_element_type3A_89 = arith.sitofp %shift_right_arithmetic3A_88 : vector<512x1xi32> to vector<512x1xf32>
    %sub3A_90 = vector.broadcast %add3A_78 : vector<512x1xi32> to vector<512x2048xi32>
    %sub3A_91 = arith.subi %or3A, %sub3A_90 : vector<512x2048xi32>
    %reduce_min3A_92 = arith.constant dense<2147483647> : vector<512xi32>
    %reduce_min3A_93 = vector.multi_reduction <minsi>, %sub3A_91, %reduce_min3A_92 [1] : vector<512x2048xi32> to vector<512xi32>
    %broadcast_in_dim3A_94 = vector.shape_cast %reduce_min3A_93 : vector<512xi32> to vector<512x1xi32>
    %add3A_95 = arith.addi %broadcast_in_dim3A_94, %add3A_78 : vector<512x1xi32>
    %add3A_96 = arith.constant -2147483647 : i32
    %add3A_97 = vector.broadcast %add3A_96 : i32 to vector<512x1xi32>
    %add3A_98 = arith.addi %add3A_95, %add3A_97 : vector<512x1xi32>
    %and3A_99 = arith.constant 2047 : i32
    %and3A_100 = vector.broadcast %and3A_99 : i32 to vector<512x1xi32>
    %and3A_101 = arith.andi %add3A_95, %and3A_100 : vector<512x1xi32>
    %mul3A_102 = arith.constant 2048 : i32
    %mul3A_103 = arith.muli %add3A_9, %mul3A_102 : i32
    %add3A_104 = vector.broadcast %mul3A_103 : i32 to vector<512x1xi32>
    %add3A_105 = arith.addi %and3A_101, %add3A_104 : vector<512x1xi32>
    %shift_right_arithmetic3A_106 = arith.constant 11 : i32
    %shift_right_arithmetic3A_107 = vector.broadcast %shift_right_arithmetic3A_106 : i32 to vector<512x1xi32>
    %shift_right_arithmetic3A_108 = arith.shrsi %add3A_95, %shift_right_arithmetic3A_107 : vector<512x1xi32>
    %convert_element_type3A_109 = arith.sitofp %shift_right_arithmetic3A_108 : vector<512x1xi32> to vector<512x1xf32>
    %sub3A_110 = vector.broadcast %add3A_98 : vector<512x1xi32> to vector<512x2048xi32>
    %sub3A_111 = arith.subi %or3A, %sub3A_110 : vector<512x2048xi32>
    %reduce_min3A_112 = arith.constant dense<2147483647> : vector<512xi32>
    %reduce_min3A_113 = vector.multi_reduction <minsi>, %sub3A_111, %reduce_min3A_112 [1] : vector<512x2048xi32> to vector<512xi32>
    %broadcast_in_dim3A_114 = vector.shape_cast %reduce_min3A_113 : vector<512xi32> to vector<512x1xi32>
    %add3A_115 = arith.addi %broadcast_in_dim3A_114, %add3A_98 : vector<512x1xi32>
    %add3A_116 = arith.constant -2147483647 : i32
    %add3A_117 = vector.broadcast %add3A_116 : i32 to vector<512x1xi32>
    %add3A_118 = arith.addi %add3A_115, %add3A_117 : vector<512x1xi32>
    %and3A_119 = arith.constant 2047 : i32
    %and3A_120 = vector.broadcast %and3A_119 : i32 to vector<512x1xi32>
    %and3A_121 = arith.andi %add3A_115, %and3A_120 : vector<512x1xi32>
    %mul3A_122 = arith.constant 2048 : i32
    %mul3A_123 = arith.muli %add3A_9, %mul3A_122 : i32
    %add3A_124 = vector.broadcast %mul3A_123 : i32 to vector<512x1xi32>
    %add3A_125 = arith.addi %and3A_121, %add3A_124 : vector<512x1xi32>
    %shift_right_arithmetic3A_126 = arith.constant 11 : i32
    %shift_right_arithmetic3A_127 = vector.broadcast %shift_right_arithmetic3A_126 : i32 to vector<512x1xi32>
    %shift_right_arithmetic3A_128 = arith.shrsi %add3A_115, %shift_right_arithmetic3A_127 : vector<512x1xi32>
    %convert_element_type3A_129 = arith.sitofp %shift_right_arithmetic3A_128 : vector<512x1xi32> to vector<512x1xf32>
    %sub3A_130 = vector.broadcast %add3A_118 : vector<512x1xi32> to vector<512x2048xi32>
    %sub3A_131 = arith.subi %or3A, %sub3A_130 : vector<512x2048xi32>
    %reduce_min3A_132 = arith.constant dense<2147483647> : vector<512xi32>
    %reduce_min3A_133 = vector.multi_reduction <minsi>, %sub3A_131, %reduce_min3A_132 [1] : vector<512x2048xi32> to vector<512xi32>
    %broadcast_in_dim3A_134 = vector.shape_cast %reduce_min3A_133 : vector<512xi32> to vector<512x1xi32>
    %add3A_135 = arith.addi %broadcast_in_dim3A_134, %add3A_118 : vector<512x1xi32>
    %add3A_136 = arith.constant -2147483647 : i32
    %add3A_137 = vector.broadcast %add3A_136 : i32 to vector<512x1xi32>
    %add3A_138 = arith.addi %add3A_135, %add3A_137 : vector<512x1xi32>
    %and3A_139 = arith.constant 2047 : i32
    %and3A_140 = vector.broadcast %and3A_139 : i32 to vector<512x1xi32>
    %and3A_141 = arith.andi %add3A_135, %and3A_140 : vector<512x1xi32>
    %mul3A_142 = arith.constant 2048 : i32
    %mul3A_143 = arith.muli %add3A_9, %mul3A_142 : i32
    %add3A_144 = vector.broadcast %mul3A_143 : i32 to vector<512x1xi32>
    %add3A_145 = arith.addi %and3A_141, %add3A_144 : vector<512x1xi32>
    %shift_right_arithmetic3A_146 = arith.constant 11 : i32
    %shift_right_arithmetic3A_147 = vector.broadcast %shift_right_arithmetic3A_146 : i32 to vector<512x1xi32>
    %shift_right_arithmetic3A_148 = arith.shrsi %add3A_135, %shift_right_arithmetic3A_147 : vector<512x1xi32>
    %convert_element_type3A_149 = arith.sitofp %shift_right_arithmetic3A_148 : vector<512x1xi32> to vector<512x1xf32>
    %sub3A_150 = vector.broadcast %add3A_138 : vector<512x1xi32> to vector<512x2048xi32>
    %sub3A_151 = arith.subi %or3A, %sub3A_150 : vector<512x2048xi32>
    %reduce_min3A_152 = arith.constant dense<2147483647> : vector<512xi32>
    %reduce_min3A_153 = vector.multi_reduction <minsi>, %sub3A_151, %reduce_min3A_152 [1] : vector<512x2048xi32> to vector<512xi32>
    %broadcast_in_dim3A_154 = vector.shape_cast %reduce_min3A_153 : vector<512xi32> to vector<512x1xi32>
    %add3A_155 = arith.addi %broadcast_in_dim3A_154, %add3A_138 : vector<512x1xi32>
    %add3A_156 = arith.constant -2147483647 : i32
    %add3A_157 = vector.broadcast %add3A_156 : i32 to vector<512x1xi32>
    %add3A_158 = arith.addi %add3A_155, %add3A_157 : vector<512x1xi32>
    %and3A_159 = arith.constant 2047 : i32
    %and3A_160 = vector.broadcast %and3A_159 : i32 to vector<512x1xi32>
    %and3A_161 = arith.andi %add3A_155, %and3A_160 : vector<512x1xi32>
    %mul3A_162 = arith.constant 2048 : i32
    %mul3A_163 = arith.muli %add3A_9, %mul3A_162 : i32
    %add3A_164 = vector.broadcast %mul3A_163 : i32 to vector<512x1xi32>
    %add3A_165 = arith.addi %and3A_161, %add3A_164 : vector<512x1xi32>
    %shift_right_arithmetic3A_166 = arith.constant 11 : i32
    %shift_right_arithmetic3A_167 = vector.broadcast %shift_right_arithmetic3A_166 : i32 to vector<512x1xi32>
    %shift_right_arithmetic3A_168 = arith.shrsi %add3A_155, %shift_right_arithmetic3A_167 : vector<512x1xi32>
    %convert_element_type3A_169 = arith.sitofp %shift_right_arithmetic3A_168 : vector<512x1xi32> to vector<512x1xf32>
    %sub3A_170 = vector.broadcast %add3A_158 : vector<512x1xi32> to vector<512x2048xi32>
    %sub3A_171 = arith.subi %or3A, %sub3A_170 : vector<512x2048xi32>
    %reduce_min3A_172 = arith.constant dense<2147483647> : vector<512xi32>
    %reduce_min3A_173 = vector.multi_reduction <minsi>, %sub3A_171, %reduce_min3A_172 [1] : vector<512x2048xi32> to vector<512xi32>
    %broadcast_in_dim3A_174 = vector.shape_cast %reduce_min3A_173 : vector<512xi32> to vector<512x1xi32>
    %add3A_175 = arith.addi %broadcast_in_dim3A_174, %add3A_158 : vector<512x1xi32>
    %add3A_176 = arith.constant -2147483647 : i32
    %add3A_177 = vector.broadcast %add3A_176 : i32 to vector<512x1xi32>
    %add3A_178 = arith.addi %add3A_175, %add3A_177 : vector<512x1xi32>
    %and3A_179 = arith.constant 2047 : i32
    %and3A_180 = vector.broadcast %and3A_179 : i32 to vector<512x1xi32>
    %and3A_181 = arith.andi %add3A_175, %and3A_180 : vector<512x1xi32>
    %mul3A_182 = arith.constant 2048 : i32
    %mul3A_183 = arith.muli %add3A_9, %mul3A_182 : i32
    %add3A_184 = vector.broadcast %mul3A_183 : i32 to vector<512x1xi32>
    %add3A_185 = arith.addi %and3A_181, %add3A_184 : vector<512x1xi32>
    %shift_right_arithmetic3A_186 = arith.constant 11 : i32
    %shift_right_arithmetic3A_187 = vector.broadcast %shift_right_arithmetic3A_186 : i32 to vector<512x1xi32>
    %shift_right_arithmetic3A_188 = arith.shrsi %add3A_175, %shift_right_arithmetic3A_187 : vector<512x1xi32>
    %convert_element_type3A_189 = arith.sitofp %shift_right_arithmetic3A_188 : vector<512x1xi32> to vector<512x1xf32>
    %sub3A_190 = vector.broadcast %add3A_178 : vector<512x1xi32> to vector<512x2048xi32>
    %sub3A_191 = arith.subi %or3A, %sub3A_190 : vector<512x2048xi32>
    %reduce_min3A_192 = arith.constant dense<2147483647> : vector<512xi32>
    %reduce_min3A_193 = vector.multi_reduction <minsi>, %sub3A_191, %reduce_min3A_192 [1] : vector<512x2048xi32> to vector<512xi32>
    %broadcast_in_dim3A_194 = vector.shape_cast %reduce_min3A_193 : vector<512xi32> to vector<512x1xi32>
    %add3A_195 = arith.addi %broadcast_in_dim3A_194, %add3A_178 : vector<512x1xi32>
    %add3A_196 = arith.constant -2147483647 : i32
    %add3A_197 = vector.broadcast %add3A_196 : i32 to vector<512x1xi32>
    %add3A_198 = arith.addi %add3A_195, %add3A_197 : vector<512x1xi32>
    %and3A_199 = arith.constant 2047 : i32
    %and3A_200 = vector.broadcast %and3A_199 : i32 to vector<512x1xi32>
    %and3A_201 = arith.andi %add3A_195, %and3A_200 : vector<512x1xi32>
    %mul3A_202 = arith.constant 2048 : i32
    %mul3A_203 = arith.muli %add3A_9, %mul3A_202 : i32
    %add3A_204 = vector.broadcast %mul3A_203 : i32 to vector<512x1xi32>
    %add3A_205 = arith.addi %and3A_201, %add3A_204 : vector<512x1xi32>
    %shift_right_arithmetic3A_206 = arith.constant 11 : i32
    %shift_right_arithmetic3A_207 = vector.broadcast %shift_right_arithmetic3A_206 : i32 to vector<512x1xi32>
    %shift_right_arithmetic3A_208 = arith.shrsi %add3A_195, %shift_right_arithmetic3A_207 : vector<512x1xi32>
    %convert_element_type3A_209 = arith.sitofp %shift_right_arithmetic3A_208 : vector<512x1xi32> to vector<512x1xf32>
    %sub3A_210 = vector.broadcast %add3A_198 : vector<512x1xi32> to vector<512x2048xi32>
    %sub3A_211 = arith.subi %or3A, %sub3A_210 : vector<512x2048xi32>
    %reduce_min3A_212 = arith.constant dense<2147483647> : vector<512xi32>
    %reduce_min3A_213 = vector.multi_reduction <minsi>, %sub3A_211, %reduce_min3A_212 [1] : vector<512x2048xi32> to vector<512xi32>
    %broadcast_in_dim3A_214 = vector.shape_cast %reduce_min3A_213 : vector<512xi32> to vector<512x1xi32>
    %add3A_215 = arith.addi %broadcast_in_dim3A_214, %add3A_198 : vector<512x1xi32>
    %add3A_216 = arith.constant -2147483647 : i32
    %add3A_217 = vector.broadcast %add3A_216 : i32 to vector<512x1xi32>
    %add3A_218 = arith.addi %add3A_215, %add3A_217 : vector<512x1xi32>
    %and3A_219 = arith.constant 2047 : i32
    %and3A_220 = vector.broadcast %and3A_219 : i32 to vector<512x1xi32>
    %and3A_221 = arith.andi %add3A_215, %and3A_220 : vector<512x1xi32>
    %mul3A_222 = arith.constant 2048 : i32
    %mul3A_223 = arith.muli %add3A_9, %mul3A_222 : i32
    %add3A_224 = vector.broadcast %mul3A_223 : i32 to vector<512x1xi32>
    %add3A_225 = arith.addi %and3A_221, %add3A_224 : vector<512x1xi32>
    %shift_right_arithmetic3A_226 = arith.constant 11 : i32
    %shift_right_arithmetic3A_227 = vector.broadcast %shift_right_arithmetic3A_226 : i32 to vector<512x1xi32>
    %shift_right_arithmetic3A_228 = arith.shrsi %add3A_215, %shift_right_arithmetic3A_227 : vector<512x1xi32>
    %convert_element_type3A_229 = arith.sitofp %shift_right_arithmetic3A_228 : vector<512x1xi32> to vector<512x1xf32>
    %sub3A_230 = vector.broadcast %add3A_218 : vector<512x1xi32> to vector<512x2048xi32>
    %sub3A_231 = arith.subi %or3A, %sub3A_230 : vector<512x2048xi32>
    %reduce_min3A_232 = arith.constant dense<2147483647> : vector<512xi32>
    %reduce_min3A_233 = vector.multi_reduction <minsi>, %sub3A_231, %reduce_min3A_232 [1] : vector<512x2048xi32> to vector<512xi32>
    %broadcast_in_dim3A_234 = vector.shape_cast %reduce_min3A_233 : vector<512xi32> to vector<512x1xi32>
    %add3A_235 = arith.addi %broadcast_in_dim3A_234, %add3A_218 : vector<512x1xi32>
    %add3A_236 = arith.constant -2147483647 : i32
    %add3A_237 = vector.broadcast %add3A_236 : i32 to vector<512x1xi32>
    %add3A_238 = arith.addi %add3A_235, %add3A_237 : vector<512x1xi32>
    %and3A_239 = arith.constant 2047 : i32
    %and3A_240 = vector.broadcast %and3A_239 : i32 to vector<512x1xi32>
    %and3A_241 = arith.andi %add3A_235, %and3A_240 : vector<512x1xi32>
    %mul3A_242 = arith.constant 2048 : i32
    %mul3A_243 = arith.muli %add3A_9, %mul3A_242 : i32
    %add3A_244 = vector.broadcast %mul3A_243 : i32 to vector<512x1xi32>
    %add3A_245 = arith.addi %and3A_241, %add3A_244 : vector<512x1xi32>
    %shift_right_arithmetic3A_246 = arith.constant 11 : i32
    %shift_right_arithmetic3A_247 = vector.broadcast %shift_right_arithmetic3A_246 : i32 to vector<512x1xi32>
    %shift_right_arithmetic3A_248 = arith.shrsi %add3A_235, %shift_right_arithmetic3A_247 : vector<512x1xi32>
    %convert_element_type3A_249 = arith.sitofp %shift_right_arithmetic3A_248 : vector<512x1xi32> to vector<512x1xf32>
    %sub3A_250 = vector.broadcast %add3A_238 : vector<512x1xi32> to vector<512x2048xi32>
    %sub3A_251 = arith.subi %or3A, %sub3A_250 : vector<512x2048xi32>
    %reduce_min3A_252 = arith.constant dense<2147483647> : vector<512xi32>
    %reduce_min3A_253 = vector.multi_reduction <minsi>, %sub3A_251, %reduce_min3A_252 [1] : vector<512x2048xi32> to vector<512xi32>
    %broadcast_in_dim3A_254 = vector.shape_cast %reduce_min3A_253 : vector<512xi32> to vector<512x1xi32>
    %add3A_255 = arith.addi %broadcast_in_dim3A_254, %add3A_238 : vector<512x1xi32>
    %add3A_256 = arith.constant -2147483647 : i32
    %add3A_257 = vector.broadcast %add3A_256 : i32 to vector<512x1xi32>
    %add3A_258 = arith.addi %add3A_255, %add3A_257 : vector<512x1xi32>
    %and3A_259 = arith.constant 2047 : i32
    %and3A_260 = vector.broadcast %and3A_259 : i32 to vector<512x1xi32>
    %and3A_261 = arith.andi %add3A_255, %and3A_260 : vector<512x1xi32>
    %mul3A_262 = arith.constant 2048 : i32
    %mul3A_263 = arith.muli %add3A_9, %mul3A_262 : i32
    %add3A_264 = vector.broadcast %mul3A_263 : i32 to vector<512x1xi32>
    %add3A_265 = arith.addi %and3A_261, %add3A_264 : vector<512x1xi32>
    %shift_right_arithmetic3A_266 = arith.constant 11 : i32
    %shift_right_arithmetic3A_267 = vector.broadcast %shift_right_arithmetic3A_266 : i32 to vector<512x1xi32>
    %shift_right_arithmetic3A_268 = arith.shrsi %add3A_255, %shift_right_arithmetic3A_267 : vector<512x1xi32>
    %convert_element_type3A_269 = arith.sitofp %shift_right_arithmetic3A_268 : vector<512x1xi32> to vector<512x1xf32>
    %sub3A_270 = vector.broadcast %add3A_258 : vector<512x1xi32> to vector<512x2048xi32>
    %sub3A_271 = arith.subi %or3A, %sub3A_270 : vector<512x2048xi32>
    %reduce_min3A_272 = arith.constant dense<2147483647> : vector<512xi32>
    %reduce_min3A_273 = vector.multi_reduction <minsi>, %sub3A_271, %reduce_min3A_272 [1] : vector<512x2048xi32> to vector<512xi32>
    %broadcast_in_dim3A_274 = vector.shape_cast %reduce_min3A_273 : vector<512xi32> to vector<512x1xi32>
    %add3A_275 = arith.addi %broadcast_in_dim3A_274, %add3A_258 : vector<512x1xi32>
    %add3A_276 = arith.constant -2147483647 : i32
    %add3A_277 = vector.broadcast %add3A_276 : i32 to vector<512x1xi32>
    %add3A_278 = arith.addi %add3A_275, %add3A_277 : vector<512x1xi32>
    %and3A_279 = arith.constant 2047 : i32
    %and3A_280 = vector.broadcast %and3A_279 : i32 to vector<512x1xi32>
    %and3A_281 = arith.andi %add3A_275, %and3A_280 : vector<512x1xi32>
    %mul3A_282 = arith.constant 2048 : i32
    %mul3A_283 = arith.muli %add3A_9, %mul3A_282 : i32
    %add3A_284 = vector.broadcast %mul3A_283 : i32 to vector<512x1xi32>
    %add3A_285 = arith.addi %and3A_281, %add3A_284 : vector<512x1xi32>
    %shift_right_arithmetic3A_286 = arith.constant 11 : i32
    %shift_right_arithmetic3A_287 = vector.broadcast %shift_right_arithmetic3A_286 : i32 to vector<512x1xi32>
    %shift_right_arithmetic3A_288 = arith.shrsi %add3A_275, %shift_right_arithmetic3A_287 : vector<512x1xi32>
    %convert_element_type3A_289 = arith.sitofp %shift_right_arithmetic3A_288 : vector<512x1xi32> to vector<512x1xf32>
    %sub3A_290 = vector.broadcast %add3A_278 : vector<512x1xi32> to vector<512x2048xi32>
    %sub3A_291 = arith.subi %or3A, %sub3A_290 : vector<512x2048xi32>
    %reduce_min3A_292 = arith.constant dense<2147483647> : vector<512xi32>
    %reduce_min3A_293 = vector.multi_reduction <minsi>, %sub3A_291, %reduce_min3A_292 [1] : vector<512x2048xi32> to vector<512xi32>
    %broadcast_in_dim3A_294 = vector.shape_cast %reduce_min3A_293 : vector<512xi32> to vector<512x1xi32>
    %add3A_295 = arith.addi %broadcast_in_dim3A_294, %add3A_278 : vector<512x1xi32>
    %add3A_296 = arith.constant -2147483647 : i32
    %add3A_297 = vector.broadcast %add3A_296 : i32 to vector<512x1xi32>
    %add3A_298 = arith.addi %add3A_295, %add3A_297 : vector<512x1xi32>
    %and3A_299 = arith.constant 2047 : i32
    %and3A_300 = vector.broadcast %and3A_299 : i32 to vector<512x1xi32>
    %and3A_301 = arith.andi %add3A_295, %and3A_300 : vector<512x1xi32>
    %mul3A_302 = arith.constant 2048 : i32
    %mul3A_303 = arith.muli %add3A_9, %mul3A_302 : i32
    %add3A_304 = vector.broadcast %mul3A_303 : i32 to vector<512x1xi32>
    %add3A_305 = arith.addi %and3A_301, %add3A_304 : vector<512x1xi32>
    %shift_right_arithmetic3A_306 = arith.constant 11 : i32
    %shift_right_arithmetic3A_307 = vector.broadcast %shift_right_arithmetic3A_306 : i32 to vector<512x1xi32>
    %shift_right_arithmetic3A_308 = arith.shrsi %add3A_295, %shift_right_arithmetic3A_307 : vector<512x1xi32>
    %convert_element_type3A_309 = arith.sitofp %shift_right_arithmetic3A_308 : vector<512x1xi32> to vector<512x1xf32>
    %sub3A_310 = vector.broadcast %add3A_298 : vector<512x1xi32> to vector<512x2048xi32>
    %sub3A_311 = arith.subi %or3A, %sub3A_310 : vector<512x2048xi32>
    %reduce_min3A_312 = arith.constant dense<2147483647> : vector<512xi32>
    %reduce_min3A_313 = vector.multi_reduction <minsi>, %sub3A_311, %reduce_min3A_312 [1] : vector<512x2048xi32> to vector<512xi32>
    %broadcast_in_dim3A_314 = vector.shape_cast %reduce_min3A_313 : vector<512xi32> to vector<512x1xi32>
    %add3A_315 = arith.addi %broadcast_in_dim3A_314, %add3A_298 : vector<512x1xi32>
    %and3A_316 = arith.constant 2047 : i32
    %and3A_317 = vector.broadcast %and3A_316 : i32 to vector<512x1xi32>
    %and3A_318 = arith.andi %add3A_315, %and3A_317 : vector<512x1xi32>
    %mul3A_319 = arith.constant 2048 : i32
    %mul3A_320 = arith.muli %add3A_9, %mul3A_319 : i32
    %add3A_321 = vector.broadcast %mul3A_320 : i32 to vector<512x1xi32>
    %add3A_322 = arith.addi %and3A_318, %add3A_321 : vector<512x1xi32>
    %shift_right_arithmetic3A_323 = arith.constant 11 : i32
    %shift_right_arithmetic3A_324 = vector.broadcast %shift_right_arithmetic3A_323 : i32 to vector<512x1xi32>
    %shift_right_arithmetic3A_325 = arith.shrsi %add3A_315, %shift_right_arithmetic3A_324 : vector<512x1xi32>
    %convert_element_type3A_326 = arith.sitofp %shift_right_arithmetic3A_325 : vector<512x1xi32> to vector<512x1xf32>
    %concatenate3A = tpu.concatenate %add3A_27, %add3A_45, %add3A_65, %add3A_85, %add3A_105, %add3A_125, %add3A_145, %add3A_165, %add3A_185, %add3A_205, %add3A_225, %add3A_245, %add3A_265, %add3A_285, %add3A_305, %add3A_322 in 1 : vector<512x1xi32>, vector<512x1xi32>, vector<512x1xi32>, vector<512x1xi32>, vector<512x1xi32>, vector<512x1xi32>, vector<512x1xi32>, vector<512x1xi32>, vector<512x1xi32>, vector<512x1xi32>, vector<512x1xi32>, vector<512x1xi32>, vector<512x1xi32>, vector<512x1xi32>, vector<512x1xi32>, vector<512x1xi32> -> vector<512x16xi32>
    %swap3A = arith.constant 0 : index
    %swap3A_327 = arith.constant 0 : index
    %swap3A_328 = arith.constant 0 : index
    %swap3A_329 = vector.load %arg4[%swap3A, %swap3A_327, %swap3A_328] : memref<1x512x16xi32, #tpu.memory_space<vmem>>, vector<1x512x16xi32>
    %swap3A_330 = vector.shape_cast %swap3A_329 : vector<1x512x16xi32> to vector<512x16xi32>
    %swap3A_331 = vector.shape_cast %concatenate3A : vector<512x16xi32> to vector<1x512x16xi32>
    tpu.vector_store %arg4[%swap3A, %swap3A_327, %swap3A_328], %swap3A_331 {strides = array<i32>} : memref<1x512x16xi32, #tpu.memory_space<vmem>>, vector<1x512x16xi32>,
    %concatenate3A_332 = tpu.concatenate %convert_element_type3A, %convert_element_type3A_49, %convert_element_type3A_69, %convert_element_type3A_89, %convert_element_type3A_109, %convert_element_type3A_129, %convert_element_type3A_149, %convert_element_type3A_169, %convert_element_type3A_189, %convert_element_type3A_209, %convert_element_type3A_229, %convert_element_type3A_249, %convert_element_type3A_269, %convert_element_type3A_289, %convert_element_type3A_309, %convert_element_type3A_326 in 1 : vector<512x1xf32>, vector<512x1xf32>, vector<512x1xf32>, vector<512x1xf32>, vector<512x1xf32>, vector<512x1xf32>, vector<512x1xf32>, vector<512x1xf32>, vector<512x1xf32>, vector<512x1xf32>, vector<512x1xf32>, vector<512x1xf32>, vector<512x1xf32>, vector<512x1xf32>, vector<512x1xf32>, vector<512x1xf32> -> vector<512x16xf32>
    %swap3A_333 = arith.constant 0 : index
    %swap3A_334 = arith.constant 0 : index
    %swap3A_335 = arith.constant 0 : index
    %swap3A_336 = vector.load %arg5[%swap3A_333, %swap3A_334, %swap3A_335] : memref<1x512x16xf32, #tpu.memory_space<vmem>>, vector<1x512x16xf32>
    %swap3A_337 = vector.shape_cast %swap3A_336 : vector<1x512x16xf32> to vector<512x16xf32>
    %swap3A_338 = vector.shape_cast %concatenate3A_332 : vector<512x16xf32> to vector<1x512x16xf32>
    tpu.vector_store %arg5[%swap3A_333, %swap3A_334, %swap3A_335], %swap3A_338 {strides = array<i32>} : memref<1x512x16xf32, #tpu.memory_space<vmem>>, vector<1x512x16xf32>,
    return
  }
  func.func @transform_0(%arg0: i32, %arg1: i32) -> (i32, i32, i32) {
    %c0_i32 = arith.constant 0 : i32
    %c0_i32_0 = arith.constant 0 : i32
    return %arg0, %arg1, %c0_i32 : i32, i32, i32
  }
  func.func @transform_1(%arg0: i32, %arg1: i32) -> (i32, i32, i32) {
    %c0_i32 = arith.constant 0 : i32
    %c0_i32_0 = arith.constant 0 : i32
    %c0_i32_1 = arith.constant 0 : i32
    return %arg0, %c0_i32, %c0_i32_0 : i32, i32, i32
  }
  func.func @transform_2(%arg0: i32, %arg1: i32) -> (i32, i32, i32) {
    %c0_i32 = arith.constant 0 : i32
    %c0_i32_0 = arith.constant 0 : i32
    return %arg0, %arg1, %c0_i32 : i32, i32, i32
  }
  func.func @transform_3(%arg0: i32, %arg1: i32) -> (i32, i32, i32) {
    %c0_i32 = arith.constant 0 : i32
    %c0_i32_0 = arith.constant 0 : i32
    return %arg0, %arg1, %c0_i32 : i32, i32, i32
  }
}

module attributes {stable_mosaic.version = 14 : i64} {
  func.func @_topk_body(%arg0: i32, %arg1: i32, %arg2: memref<1x512x1xi32, #tpu.memory_space<vmem>>, %arg3: memref<1x1x2048xi32, #tpu.memory_space<vmem>>, %arg4: memref<1x512x16xi32, #tpu.memory_space<vmem>>, %arg5: memref<1x512x16xf32, #tpu.memory_space<vmem>>) attributes {dimension_semantics = [#tpu.dimension_semantics<arbitrary>, #tpu.dimension_semantics<arbitrary>], iteration_bounds = array<i64: 1, 4>, scalar_prefetch = 0 : i64, scratch_operands = 0 : i64, tpu.core_type = #tpu.core_type<tc>, window_params = [{transform_indices = @transform_0, window_bounds = array<i64: 1, 512, 1>}, {transform_indices = @transform_1, window_bounds = array<i64: 1, 1, 2048>}, {transform_indices = @transform_2, window_bounds = array<i64: 1, 512, 16>}, {transform_indices = @transform_3, window_bounds = array<i64: 1, 512, 16>}]} {
    %get3A = arith.constant 0 : index
    %get3A_0 = arith.constant 0 : index
    %get3A_1 = arith.constant 0 : index
    %get3A_2 = vector.load %arg2[%get3A, %get3A_0, %get3A_1] : memref<1x512x1xi32, #tpu.memory_space<vmem>>, vector<1x512x1xi32>
    %get3A_3 = vector.shape_cast %get3A_2 : vector<1x512x1xi32> to vector<512x1xi32>
    %get3A_4 = arith.constant 0 : index
    %get3A_5 = arith.constant 0 : index
    %get3A_6 = arith.constant 0 : index
    %get3A_7 = vector.load %arg3[%get3A_4, %get3A_5, %get3A_6] : memref<1x1x2048xi32, #tpu.memory_space<vmem>>, vector<1x1x2048xi32>
    %get3A_8 = vector.shape_cast %get3A_7 : vector<1x1x2048xi32> to vector<1x2048xi32>
    %add3A = arith.constant 2 : i32
    %add3A_9 = arith.addi %add3A, %arg0 : i32
    %sub3A = vector.broadcast %get3A_3 : vector<512x1xi32> to vector<512x2048xi32>
    %sub3A_10 = vector.broadcast %get3A_8 : vector<1x2048xi32> to vector<512x2048xi32>
    %sub3A_11 = arith.subi %sub3A, %sub3A_10 : vector<512x2048xi32>
    %abs3A = math.absi %sub3A_11 : vector<512x2048xi32>
    %iota3A = tpu.iota {dimensions = array<i32: 1>} : vector<512x2048xi32>
    %shift_left3A = arith.constant 11 : i32
    %shift_left3A_12 = vector.broadcast %shift_left3A : i32 to vector<512x2048xi32>
    %shift_left3A_13 = arith.shli %abs3A, %shift_left3A_12 : vector<512x2048xi32>
    %or3A = arith.ori %shift_left3A_13, %iota3A : vector<512x2048xi32>
    %broadcast_in_dim3A = arith.constant -2147483648 : i32
    %broadcast_in_dim3A_14 = vector.broadcast %broadcast_in_dim3A : i32 to vector<512x1xi32>
    %sub3A_15 = vector.broadcast %broadcast_in_dim3A_14 : vector<512x1xi32> to vector<512x2048xi32>
    %sub3A_16 = arith.subi %or3A, %sub3A_15 : vector<512x2048xi32>
    %reduce_min3A = arith.constant dense<2147483647> : vector<512xi32>
    %reduce_min3A_17 = vector.multi_reduction <minsi>, %sub3A_16, %reduce_min3A [1] : vector<512x2048xi32> to vector<512xi32>
    %broadcast_in_dim3A_18 = vector.shape_cast %reduce_min3A_17 : vector<512xi32> to vector<512x1xi32>
    %add3A_19 = arith.addi %broadcast_in_dim3A_18, %broadcast_in_dim3A_14 : vector<512x1xi32>
    %add3A_20 = arith.constant -2147483647 : i32
    %add3A_21 = vector.broadcast %add3A_20 : i32 to vector<512x1xi32>
    %add3A_22 = arith.addi %add3A_19, %add3A_21 : vector<512x1xi32>
    %and3A = arith.constant 2047 : i32
    %and3A_23 = vector.broadcast %and3A : i32 to vector<512x1xi32>
    %and3A_24 = arith.andi %add3A_19, %and3A_23 : vector<512x1xi32>
    %mul3A = arith.constant 2048 : i32
    %mul3A_25 = arith.muli %add3A_9, %mul3A : i32
    %add3A_26 = vector.broadcast %mul3A_25 : i32 to vector<512x1xi32>
    %add3A_27 = arith.addi %and3A_24, %add3A_26 : vector<512x1xi32>
    %shift_right_arithmetic3A = arith.constant 11 : i32
    %shift_right_arithmetic3A_28 = vector.broadcast %shift_right_arithmetic3A : i32 to vector<512x1xi32>
    %shift_right_arithmetic3A_29 = arith.shrsi %add3A_19, %shift_right_arithmetic3A_28 : vector<512x1xi32>
    %convert_element_type3A = arith.sitofp %shift_right_arithmetic3A_29 : vector<512x1xi32> to vector<512x1xf32>
    %sub3A_30 = vector.broadcast %add3A_22 : vector<512x1xi32> to vector<512x2048xi32>
    %sub3A_31 = arith.subi %or3A, %sub3A_30 : vector<512x2048xi32>
    %reduce_min3A_32 = arith.constant dense<2147483647> : vector<512xi32>
    %reduce_min3A_33 = vector.multi_reduction <minsi>, %sub3A_31, %reduce_min3A_32 [1] : vector<512x2048xi32> to vector<512xi32>
    %broadcast_in_dim3A_34 = vector.shape_cast %reduce_min3A_33 : vector<512xi32> to vector<512x1xi32>
    %add3A_35 = arith.addi %broadcast_in_dim3A_34, %add3A_22 : vector<512x1xi32>
    %add3A_36 = arith.constant -2147483647 : i32
    %add3A_37 = vector.broadcast %add3A_36 : i32 to vector<512x1xi32>
    %add3A_38 = arith.addi %add3A_35, %add3A_37 : vector<512x1xi32>
    %and3A_39 = arith.constant 2047 : i32
    %and3A_40 = vector.broadcast %and3A_39 : i32 to vector<512x1xi32>
    %and3A_41 = arith.andi %add3A_35, %and3A_40 : vector<512x1xi32>
    %mul3A_42 = arith.constant 2048 : i32
    %mul3A_43 = arith.muli %add3A_9, %mul3A_42 : i32
    %add3A_44 = vector.broadcast %mul3A_43 : i32 to vector<512x1xi32>
    %add3A_45 = arith.addi %and3A_41, %add3A_44 : vector<512x1xi32>
    %shift_right_arithmetic3A_46 = arith.constant 11 : i32
    %shift_right_arithmetic3A_47 = vector.broadcast %shift_right_arithmetic3A_46 : i32 to vector<512x1xi32>
    %shift_right_arithmetic3A_48 = arith.shrsi %add3A_35, %shift_right_arithmetic3A_47 : vector<512x1xi32>
    %convert_element_type3A_49 = arith.sitofp %shift_right_arithmetic3A_48 : vector<512x1xi32> to vector<512x1xf32>
    %sub3A_50 = vector.broadcast %add3A_38 : vector<512x1xi32> to vector<512x2048xi32>
    %sub3A_51 = arith.subi %or3A, %sub3A_50 : vector<512x2048xi32>
    %reduce_min3A_52 = arith.constant dense<2147483647> : vector<512xi32>
    %reduce_min3A_53 = vector.multi_reduction <minsi>, %sub3A_51, %reduce_min3A_52 [1] : vector<512x2048xi32> to vector<512xi32>
    %broadcast_in_dim3A_54 = vector.shape_cast %reduce_min3A_53 : vector<512xi32> to vector<512x1xi32>
    %add3A_55 = arith.addi %broadcast_in_dim3A_54, %add3A_38 : vector<512x1xi32>
    %add3A_56 = arith.constant -2147483647 : i32
    %add3A_57 = vector.broadcast %add3A_56 : i32 to vector<512x1xi32>
    %add3A_58 = arith.addi %add3A_55, %add3A_57 : vector<512x1xi32>
    %and3A_59 = arith.constant 2047 : i32
    %and3A_60 = vector.broadcast %and3A_59 : i32 to vector<512x1xi32>
    %and3A_61 = arith.andi %add3A_55, %and3A_60 : vector<512x1xi32>
    %mul3A_62 = arith.constant 2048 : i32
    %mul3A_63 = arith.muli %add3A_9, %mul3A_62 : i32
    %add3A_64 = vector.broadcast %mul3A_63 : i32 to vector<512x1xi32>
    %add3A_65 = arith.addi %and3A_61, %add3A_64 : vector<512x1xi32>
    %shift_right_arithmetic3A_66 = arith.constant 11 : i32
    %shift_right_arithmetic3A_67 = vector.broadcast %shift_right_arithmetic3A_66 : i32 to vector<512x1xi32>
    %shift_right_arithmetic3A_68 = arith.shrsi %add3A_55, %shift_right_arithmetic3A_67 : vector<512x1xi32>
    %convert_element_type3A_69 = arith.sitofp %shift_right_arithmetic3A_68 : vector<512x1xi32> to vector<512x1xf32>
    %sub3A_70 = vector.broadcast %add3A_58 : vector<512x1xi32> to vector<512x2048xi32>
    %sub3A_71 = arith.subi %or3A, %sub3A_70 : vector<512x2048xi32>
    %reduce_min3A_72 = arith.constant dense<2147483647> : vector<512xi32>
    %reduce_min3A_73 = vector.multi_reduction <minsi>, %sub3A_71, %reduce_min3A_72 [1] : vector<512x2048xi32> to vector<512xi32>
    %broadcast_in_dim3A_74 = vector.shape_cast %reduce_min3A_73 : vector<512xi32> to vector<512x1xi32>
    %add3A_75 = arith.addi %broadcast_in_dim3A_74, %add3A_58 : vector<512x1xi32>
    %add3A_76 = arith.constant -2147483647 : i32
    %add3A_77 = vector.broadcast %add3A_76 : i32 to vector<512x1xi32>
    %add3A_78 = arith.addi %add3A_75, %add3A_77 : vector<512x1xi32>
    %and3A_79 = arith.constant 2047 : i32
    %and3A_80 = vector.broadcast %and3A_79 : i32 to vector<512x1xi32>
    %and3A_81 = arith.andi %add3A_75, %and3A_80 : vector<512x1xi32>
    %mul3A_82 = arith.constant 2048 : i32
    %mul3A_83 = arith.muli %add3A_9, %mul3A_82 : i32
    %add3A_84 = vector.broadcast %mul3A_83 : i32 to vector<512x1xi32>
    %add3A_85 = arith.addi %and3A_81, %add3A_84 : vector<512x1xi32>
    %shift_right_arithmetic3A_86 = arith.constant 11 : i32
    %shift_right_arithmetic3A_87 = vector.broadcast %shift_right_arithmetic3A_86 : i32 to vector<512x1xi32>
    %shift_right_arithmetic3A_88 = arith.shrsi %add3A_75, %shift_right_arithmetic3A_87 : vector<512x1xi32>
    %convert_element_type3A_89 = arith.sitofp %shift_right_arithmetic3A_88 : vector<512x1xi32> to vector<512x1xf32>
    %sub3A_90 = vector.broadcast %add3A_78 : vector<512x1xi32> to vector<512x2048xi32>
    %sub3A_91 = arith.subi %or3A, %sub3A_90 : vector<512x2048xi32>
    %reduce_min3A_92 = arith.constant dense<2147483647> : vector<512xi32>
    %reduce_min3A_93 = vector.multi_reduction <minsi>, %sub3A_91, %reduce_min3A_92 [1] : vector<512x2048xi32> to vector<512xi32>
    %broadcast_in_dim3A_94 = vector.shape_cast %reduce_min3A_93 : vector<512xi32> to vector<512x1xi32>
    %add3A_95 = arith.addi %broadcast_in_dim3A_94, %add3A_78 : vector<512x1xi32>
    %add3A_96 = arith.constant -2147483647 : i32
    %add3A_97 = vector.broadcast %add3A_96 : i32 to vector<512x1xi32>
    %add3A_98 = arith.addi %add3A_95, %add3A_97 : vector<512x1xi32>
    %and3A_99 = arith.constant 2047 : i32
    %and3A_100 = vector.broadcast %and3A_99 : i32 to vector<512x1xi32>
    %and3A_101 = arith.andi %add3A_95, %and3A_100 : vector<512x1xi32>
    %mul3A_102 = arith.constant 2048 : i32
    %mul3A_103 = arith.muli %add3A_9, %mul3A_102 : i32
    %add3A_104 = vector.broadcast %mul3A_103 : i32 to vector<512x1xi32>
    %add3A_105 = arith.addi %and3A_101, %add3A_104 : vector<512x1xi32>
    %shift_right_arithmetic3A_106 = arith.constant 11 : i32
    %shift_right_arithmetic3A_107 = vector.broadcast %shift_right_arithmetic3A_106 : i32 to vector<512x1xi32>
    %shift_right_arithmetic3A_108 = arith.shrsi %add3A_95, %shift_right_arithmetic3A_107 : vector<512x1xi32>
    %convert_element_type3A_109 = arith.sitofp %shift_right_arithmetic3A_108 : vector<512x1xi32> to vector<512x1xf32>
    %sub3A_110 = vector.broadcast %add3A_98 : vector<512x1xi32> to vector<512x2048xi32>
    %sub3A_111 = arith.subi %or3A, %sub3A_110 : vector<512x2048xi32>
    %reduce_min3A_112 = arith.constant dense<2147483647> : vector<512xi32>
    %reduce_min3A_113 = vector.multi_reduction <minsi>, %sub3A_111, %reduce_min3A_112 [1] : vector<512x2048xi32> to vector<512xi32>
    %broadcast_in_dim3A_114 = vector.shape_cast %reduce_min3A_113 : vector<512xi32> to vector<512x1xi32>
    %add3A_115 = arith.addi %broadcast_in_dim3A_114, %add3A_98 : vector<512x1xi32>
    %add3A_116 = arith.constant -2147483647 : i32
    %add3A_117 = vector.broadcast %add3A_116 : i32 to vector<512x1xi32>
    %add3A_118 = arith.addi %add3A_115, %add3A_117 : vector<512x1xi32>
    %and3A_119 = arith.constant 2047 : i32
    %and3A_120 = vector.broadcast %and3A_119 : i32 to vector<512x1xi32>
    %and3A_121 = arith.andi %add3A_115, %and3A_120 : vector<512x1xi32>
    %mul3A_122 = arith.constant 2048 : i32
    %mul3A_123 = arith.muli %add3A_9, %mul3A_122 : i32
    %add3A_124 = vector.broadcast %mul3A_123 : i32 to vector<512x1xi32>
    %add3A_125 = arith.addi %and3A_121, %add3A_124 : vector<512x1xi32>
    %shift_right_arithmetic3A_126 = arith.constant 11 : i32
    %shift_right_arithmetic3A_127 = vector.broadcast %shift_right_arithmetic3A_126 : i32 to vector<512x1xi32>
    %shift_right_arithmetic3A_128 = arith.shrsi %add3A_115, %shift_right_arithmetic3A_127 : vector<512x1xi32>
    %convert_element_type3A_129 = arith.sitofp %shift_right_arithmetic3A_128 : vector<512x1xi32> to vector<512x1xf32>
    %sub3A_130 = vector.broadcast %add3A_118 : vector<512x1xi32> to vector<512x2048xi32>
    %sub3A_131 = arith.subi %or3A, %sub3A_130 : vector<512x2048xi32>
    %reduce_min3A_132 = arith.constant dense<2147483647> : vector<512xi32>
    %reduce_min3A_133 = vector.multi_reduction <minsi>, %sub3A_131, %reduce_min3A_132 [1] : vector<512x2048xi32> to vector<512xi32>
    %broadcast_in_dim3A_134 = vector.shape_cast %reduce_min3A_133 : vector<512xi32> to vector<512x1xi32>
    %add3A_135 = arith.addi %broadcast_in_dim3A_134, %add3A_118 : vector<512x1xi32>
    %add3A_136 = arith.constant -2147483647 : i32
    %add3A_137 = vector.broadcast %add3A_136 : i32 to vector<512x1xi32>
    %add3A_138 = arith.addi %add3A_135, %add3A_137 : vector<512x1xi32>
    %and3A_139 = arith.constant 2047 : i32
    %and3A_140 = vector.broadcast %and3A_139 : i32 to vector<512x1xi32>
    %and3A_141 = arith.andi %add3A_135, %and3A_140 : vector<512x1xi32>
    %mul3A_142 = arith.constant 2048 : i32
    %mul3A_143 = arith.muli %add3A_9, %mul3A_142 : i32
    %add3A_144 = vector.broadcast %mul3A_143 : i32 to vector<512x1xi32>
    %add3A_145 = arith.addi %and3A_141, %add3A_144 : vector<512x1xi32>
    %shift_right_arithmetic3A_146 = arith.constant 11 : i32
    %shift_right_arithmetic3A_147 = vector.broadcast %shift_right_arithmetic3A_146 : i32 to vector<512x1xi32>
    %shift_right_arithmetic3A_148 = arith.shrsi %add3A_135, %shift_right_arithmetic3A_147 : vector<512x1xi32>
    %convert_element_type3A_149 = arith.sitofp %shift_right_arithmetic3A_148 : vector<512x1xi32> to vector<512x1xf32>
    %sub3A_150 = vector.broadcast %add3A_138 : vector<512x1xi32> to vector<512x2048xi32>
    %sub3A_151 = arith.subi %or3A, %sub3A_150 : vector<512x2048xi32>
    %reduce_min3A_152 = arith.constant dense<2147483647> : vector<512xi32>
    %reduce_min3A_153 = vector.multi_reduction <minsi>, %sub3A_151, %reduce_min3A_152 [1] : vector<512x2048xi32> to vector<512xi32>
    %broadcast_in_dim3A_154 = vector.shape_cast %reduce_min3A_153 : vector<512xi32> to vector<512x1xi32>
    %add3A_155 = arith.addi %broadcast_in_dim3A_154, %add3A_138 : vector<512x1xi32>
    %add3A_156 = arith.constant -2147483647 : i32
    %add3A_157 = vector.broadcast %add3A_156 : i32 to vector<512x1xi32>
    %add3A_158 = arith.addi %add3A_155, %add3A_157 : vector<512x1xi32>
    %and3A_159 = arith.constant 2047 : i32
    %and3A_160 = vector.broadcast %and3A_159 : i32 to vector<512x1xi32>
    %and3A_161 = arith.andi %add3A_155, %and3A_160 : vector<512x1xi32>
    %mul3A_162 = arith.constant 2048 : i32
    %mul3A_163 = arith.muli %add3A_9, %mul3A_162 : i32
    %add3A_164 = vector.broadcast %mul3A_163 : i32 to vector<512x1xi32>
    %add3A_165 = arith.addi %and3A_161, %add3A_164 : vector<512x1xi32>
    %shift_right_arithmetic3A_166 = arith.constant 11 : i32
    %shift_right_arithmetic3A_167 = vector.broadcast %shift_right_arithmetic3A_166 : i32 to vector<512x1xi32>
    %shift_right_arithmetic3A_168 = arith.shrsi %add3A_155, %shift_right_arithmetic3A_167 : vector<512x1xi32>
    %convert_element_type3A_169 = arith.sitofp %shift_right_arithmetic3A_168 : vector<512x1xi32> to vector<512x1xf32>
    %sub3A_170 = vector.broadcast %add3A_158 : vector<512x1xi32> to vector<512x2048xi32>
    %sub3A_171 = arith.subi %or3A, %sub3A_170 : vector<512x2048xi32>
    %reduce_min3A_172 = arith.constant dense<2147483647> : vector<512xi32>
    %reduce_min3A_173 = vector.multi_reduction <minsi>, %sub3A_171, %reduce_min3A_172 [1] : vector<512x2048xi32> to vector<512xi32>
    %broadcast_in_dim3A_174 = vector.shape_cast %reduce_min3A_173 : vector<512xi32> to vector<512x1xi32>
    %add3A_175 = arith.addi %broadcast_in_dim3A_174, %add3A_158 : vector<512x1xi32>
    %add3A_176 = arith.constant -2147483647 : i32
    %add3A_177 = vector.broadcast %add3A_176 : i32 to vector<512x1xi32>
    %add3A_178 = arith.addi %add3A_175, %add3A_177 : vector<512x1xi32>
    %and3A_179 = arith.constant 2047 : i32
    %and3A_180 = vector.broadcast %and3A_179 : i32 to vector<512x1xi32>
    %and3A_181 = arith.andi %add3A_175, %and3A_180 : vector<512x1xi32>
    %mul3A_182 = arith.constant 2048 : i32
    %mul3A_183 = arith.muli %add3A_9, %mul3A_182 : i32
    %add3A_184 = vector.broadcast %mul3A_183 : i32 to vector<512x1xi32>
    %add3A_185 = arith.addi %and3A_181, %add3A_184 : vector<512x1xi32>
    %shift_right_arithmetic3A_186 = arith.constant 11 : i32
    %shift_right_arithmetic3A_187 = vector.broadcast %shift_right_arithmetic3A_186 : i32 to vector<512x1xi32>
    %shift_right_arithmetic3A_188 = arith.shrsi %add3A_175, %shift_right_arithmetic3A_187 : vector<512x1xi32>
    %convert_element_type3A_189 = arith.sitofp %shift_right_arithmetic3A_188 : vector<512x1xi32> to vector<512x1xf32>
    %sub3A_190 = vector.broadcast %add3A_178 : vector<512x1xi32> to vector<512x2048xi32>
    %sub3A_191 = arith.subi %or3A, %sub3A_190 : vector<512x2048xi32>
    %reduce_min3A_192 = arith.constant dense<2147483647> : vector<512xi32>
    %reduce_min3A_193 = vector.multi_reduction <minsi>, %sub3A_191, %reduce_min3A_192 [1] : vector<512x2048xi32> to vector<512xi32>
    %broadcast_in_dim3A_194 = vector.shape_cast %reduce_min3A_193 : vector<512xi32> to vector<512x1xi32>
    %add3A_195 = arith.addi %broadcast_in_dim3A_194, %add3A_178 : vector<512x1xi32>
    %add3A_196 = arith.constant -2147483647 : i32
    %add3A_197 = vector.broadcast %add3A_196 : i32 to vector<512x1xi32>
    %add3A_198 = arith.addi %add3A_195, %add3A_197 : vector<512x1xi32>
    %and3A_199 = arith.constant 2047 : i32
    %and3A_200 = vector.broadcast %and3A_199 : i32 to vector<512x1xi32>
    %and3A_201 = arith.andi %add3A_195, %and3A_200 : vector<512x1xi32>
    %mul3A_202 = arith.constant 2048 : i32
    %mul3A_203 = arith.muli %add3A_9, %mul3A_202 : i32
    %add3A_204 = vector.broadcast %mul3A_203 : i32 to vector<512x1xi32>
    %add3A_205 = arith.addi %and3A_201, %add3A_204 : vector<512x1xi32>
    %shift_right_arithmetic3A_206 = arith.constant 11 : i32
    %shift_right_arithmetic3A_207 = vector.broadcast %shift_right_arithmetic3A_206 : i32 to vector<512x1xi32>
    %shift_right_arithmetic3A_208 = arith.shrsi %add3A_195, %shift_right_arithmetic3A_207 : vector<512x1xi32>
    %convert_element_type3A_209 = arith.sitofp %shift_right_arithmetic3A_208 : vector<512x1xi32> to vector<512x1xf32>
    %sub3A_210 = vector.broadcast %add3A_198 : vector<512x1xi32> to vector<512x2048xi32>
    %sub3A_211 = arith.subi %or3A, %sub3A_210 : vector<512x2048xi32>
    %reduce_min3A_212 = arith.constant dense<2147483647> : vector<512xi32>
    %reduce_min3A_213 = vector.multi_reduction <minsi>, %sub3A_211, %reduce_min3A_212 [1] : vector<512x2048xi32> to vector<512xi32>
    %broadcast_in_dim3A_214 = vector.shape_cast %reduce_min3A_213 : vector<512xi32> to vector<512x1xi32>
    %add3A_215 = arith.addi %broadcast_in_dim3A_214, %add3A_198 : vector<512x1xi32>
    %add3A_216 = arith.constant -2147483647 : i32
    %add3A_217 = vector.broadcast %add3A_216 : i32 to vector<512x1xi32>
    %add3A_218 = arith.addi %add3A_215, %add3A_217 : vector<512x1xi32>
    %and3A_219 = arith.constant 2047 : i32
    %and3A_220 = vector.broadcast %and3A_219 : i32 to vector<512x1xi32>
    %and3A_221 = arith.andi %add3A_215, %and3A_220 : vector<512x1xi32>
    %mul3A_222 = arith.constant 2048 : i32
    %mul3A_223 = arith.muli %add3A_9, %mul3A_222 : i32
    %add3A_224 = vector.broadcast %mul3A_223 : i32 to vector<512x1xi32>
    %add3A_225 = arith.addi %and3A_221, %add3A_224 : vector<512x1xi32>
    %shift_right_arithmetic3A_226 = arith.constant 11 : i32
    %shift_right_arithmetic3A_227 = vector.broadcast %shift_right_arithmetic3A_226 : i32 to vector<512x1xi32>
    %shift_right_arithmetic3A_228 = arith.shrsi %add3A_215, %shift_right_arithmetic3A_227 : vector<512x1xi32>
    %convert_element_type3A_229 = arith.sitofp %shift_right_arithmetic3A_228 : vector<512x1xi32> to vector<512x1xf32>
    %sub3A_230 = vector.broadcast %add3A_218 : vector<512x1xi32> to vector<512x2048xi32>
    %sub3A_231 = arith.subi %or3A, %sub3A_230 : vector<512x2048xi32>
    %reduce_min3A_232 = arith.constant dense<2147483647> : vector<512xi32>
    %reduce_min3A_233 = vector.multi_reduction <minsi>, %sub3A_231, %reduce_min3A_232 [1] : vector<512x2048xi32> to vector<512xi32>
    %broadcast_in_dim3A_234 = vector.shape_cast %reduce_min3A_233 : vector<512xi32> to vector<512x1xi32>
    %add3A_235 = arith.addi %broadcast_in_dim3A_234, %add3A_218 : vector<512x1xi32>
    %add3A_236 = arith.constant -2147483647 : i32
    %add3A_237 = vector.broadcast %add3A_236 : i32 to vector<512x1xi32>
    %add3A_238 = arith.addi %add3A_235, %add3A_237 : vector<512x1xi32>
    %and3A_239 = arith.constant 2047 : i32
    %and3A_240 = vector.broadcast %and3A_239 : i32 to vector<512x1xi32>
    %and3A_241 = arith.andi %add3A_235, %and3A_240 : vector<512x1xi32>
    %mul3A_242 = arith.constant 2048 : i32
    %mul3A_243 = arith.muli %add3A_9, %mul3A_242 : i32
    %add3A_244 = vector.broadcast %mul3A_243 : i32 to vector<512x1xi32>
    %add3A_245 = arith.addi %and3A_241, %add3A_244 : vector<512x1xi32>
    %shift_right_arithmetic3A_246 = arith.constant 11 : i32
    %shift_right_arithmetic3A_247 = vector.broadcast %shift_right_arithmetic3A_246 : i32 to vector<512x1xi32>
    %shift_right_arithmetic3A_248 = arith.shrsi %add3A_235, %shift_right_arithmetic3A_247 : vector<512x1xi32>
    %convert_element_type3A_249 = arith.sitofp %shift_right_arithmetic3A_248 : vector<512x1xi32> to vector<512x1xf32>
    %sub3A_250 = vector.broadcast %add3A_238 : vector<512x1xi32> to vector<512x2048xi32>
    %sub3A_251 = arith.subi %or3A, %sub3A_250 : vector<512x2048xi32>
    %reduce_min3A_252 = arith.constant dense<2147483647> : vector<512xi32>
    %reduce_min3A_253 = vector.multi_reduction <minsi>, %sub3A_251, %reduce_min3A_252 [1] : vector<512x2048xi32> to vector<512xi32>
    %broadcast_in_dim3A_254 = vector.shape_cast %reduce_min3A_253 : vector<512xi32> to vector<512x1xi32>
    %add3A_255 = arith.addi %broadcast_in_dim3A_254, %add3A_238 : vector<512x1xi32>
    %add3A_256 = arith.constant -2147483647 : i32
    %add3A_257 = vector.broadcast %add3A_256 : i32 to vector<512x1xi32>
    %add3A_258 = arith.addi %add3A_255, %add3A_257 : vector<512x1xi32>
    %and3A_259 = arith.constant 2047 : i32
    %and3A_260 = vector.broadcast %and3A_259 : i32 to vector<512x1xi32>
    %and3A_261 = arith.andi %add3A_255, %and3A_260 : vector<512x1xi32>
    %mul3A_262 = arith.constant 2048 : i32
    %mul3A_263 = arith.muli %add3A_9, %mul3A_262 : i32
    %add3A_264 = vector.broadcast %mul3A_263 : i32 to vector<512x1xi32>
    %add3A_265 = arith.addi %and3A_261, %add3A_264 : vector<512x1xi32>
    %shift_right_arithmetic3A_266 = arith.constant 11 : i32
    %shift_right_arithmetic3A_267 = vector.broadcast %shift_right_arithmetic3A_266 : i32 to vector<512x1xi32>
    %shift_right_arithmetic3A_268 = arith.shrsi %add3A_255, %shift_right_arithmetic3A_267 : vector<512x1xi32>
    %convert_element_type3A_269 = arith.sitofp %shift_right_arithmetic3A_268 : vector<512x1xi32> to vector<512x1xf32>
    %sub3A_270 = vector.broadcast %add3A_258 : vector<512x1xi32> to vector<512x2048xi32>
    %sub3A_271 = arith.subi %or3A, %sub3A_270 : vector<512x2048xi32>
    %reduce_min3A_272 = arith.constant dense<2147483647> : vector<512xi32>
    %reduce_min3A_273 = vector.multi_reduction <minsi>, %sub3A_271, %reduce_min3A_272 [1] : vector<512x2048xi32> to vector<512xi32>
    %broadcast_in_dim3A_274 = vector.shape_cast %reduce_min3A_273 : vector<512xi32> to vector<512x1xi32>
    %add3A_275 = arith.addi %broadcast_in_dim3A_274, %add3A_258 : vector<512x1xi32>
    %add3A_276 = arith.constant -2147483647 : i32
    %add3A_277 = vector.broadcast %add3A_276 : i32 to vector<512x1xi32>
    %add3A_278 = arith.addi %add3A_275, %add3A_277 : vector<512x1xi32>
    %and3A_279 = arith.constant 2047 : i32
    %and3A_280 = vector.broadcast %and3A_279 : i32 to vector<512x1xi32>
    %and3A_281 = arith.andi %add3A_275, %and3A_280 : vector<512x1xi32>
    %mul3A_282 = arith.constant 2048 : i32
    %mul3A_283 = arith.muli %add3A_9, %mul3A_282 : i32
    %add3A_284 = vector.broadcast %mul3A_283 : i32 to vector<512x1xi32>
    %add3A_285 = arith.addi %and3A_281, %add3A_284 : vector<512x1xi32>
    %shift_right_arithmetic3A_286 = arith.constant 11 : i32
    %shift_right_arithmetic3A_287 = vector.broadcast %shift_right_arithmetic3A_286 : i32 to vector<512x1xi32>
    %shift_right_arithmetic3A_288 = arith.shrsi %add3A_275, %shift_right_arithmetic3A_287 : vector<512x1xi32>
    %convert_element_type3A_289 = arith.sitofp %shift_right_arithmetic3A_288 : vector<512x1xi32> to vector<512x1xf32>
    %sub3A_290 = vector.broadcast %add3A_278 : vector<512x1xi32> to vector<512x2048xi32>
    %sub3A_291 = arith.subi %or3A, %sub3A_290 : vector<512x2048xi32>
    %reduce_min3A_292 = arith.constant dense<2147483647> : vector<512xi32>
    %reduce_min3A_293 = vector.multi_reduction <minsi>, %sub3A_291, %reduce_min3A_292 [1] : vector<512x2048xi32> to vector<512xi32>
    %broadcast_in_dim3A_294 = vector.shape_cast %reduce_min3A_293 : vector<512xi32> to vector<512x1xi32>
    %add3A_295 = arith.addi %broadcast_in_dim3A_294, %add3A_278 : vector<512x1xi32>
    %add3A_296 = arith.constant -2147483647 : i32
    %add3A_297 = vector.broadcast %add3A_296 : i32 to vector<512x1xi32>
    %add3A_298 = arith.addi %add3A_295, %add3A_297 : vector<512x1xi32>
    %and3A_299 = arith.constant 2047 : i32
    %and3A_300 = vector.broadcast %and3A_299 : i32 to vector<512x1xi32>
    %and3A_301 = arith.andi %add3A_295, %and3A_300 : vector<512x1xi32>
    %mul3A_302 = arith.constant 2048 : i32
    %mul3A_303 = arith.muli %add3A_9, %mul3A_302 : i32
    %add3A_304 = vector.broadcast %mul3A_303 : i32 to vector<512x1xi32>
    %add3A_305 = arith.addi %and3A_301, %add3A_304 : vector<512x1xi32>
    %shift_right_arithmetic3A_306 = arith.constant 11 : i32
    %shift_right_arithmetic3A_307 = vector.broadcast %shift_right_arithmetic3A_306 : i32 to vector<512x1xi32>
    %shift_right_arithmetic3A_308 = arith.shrsi %add3A_295, %shift_right_arithmetic3A_307 : vector<512x1xi32>
    %convert_element_type3A_309 = arith.sitofp %shift_right_arithmetic3A_308 : vector<512x1xi32> to vector<512x1xf32>
    %sub3A_310 = vector.broadcast %add3A_298 : vector<512x1xi32> to vector<512x2048xi32>
    %sub3A_311 = arith.subi %or3A, %sub3A_310 : vector<512x2048xi32>
    %reduce_min3A_312 = arith.constant dense<2147483647> : vector<512xi32>
    %reduce_min3A_313 = vector.multi_reduction <minsi>, %sub3A_311, %reduce_min3A_312 [1] : vector<512x2048xi32> to vector<512xi32>
    %broadcast_in_dim3A_314 = vector.shape_cast %reduce_min3A_313 : vector<512xi32> to vector<512x1xi32>
    %add3A_315 = arith.addi %broadcast_in_dim3A_314, %add3A_298 : vector<512x1xi32>
    %and3A_316 = arith.constant 2047 : i32
    %and3A_317 = vector.broadcast %and3A_316 : i32 to vector<512x1xi32>
    %and3A_318 = arith.andi %add3A_315, %and3A_317 : vector<512x1xi32>
    %mul3A_319 = arith.constant 2048 : i32
    %mul3A_320 = arith.muli %add3A_9, %mul3A_319 : i32
    %add3A_321 = vector.broadcast %mul3A_320 : i32 to vector<512x1xi32>
    %add3A_322 = arith.addi %and3A_318, %add3A_321 : vector<512x1xi32>
    %shift_right_arithmetic3A_323 = arith.constant 11 : i32
    %shift_right_arithmetic3A_324 = vector.broadcast %shift_right_arithmetic3A_323 : i32 to vector<512x1xi32>
    %shift_right_arithmetic3A_325 = arith.shrsi %add3A_315, %shift_right_arithmetic3A_324 : vector<512x1xi32>
    %convert_element_type3A_326 = arith.sitofp %shift_right_arithmetic3A_325 : vector<512x1xi32> to vector<512x1xf32>
    %concatenate3A = tpu.concatenate %add3A_27, %add3A_45, %add3A_65, %add3A_85, %add3A_105, %add3A_125, %add3A_145, %add3A_165, %add3A_185, %add3A_205, %add3A_225, %add3A_245, %add3A_265, %add3A_285, %add3A_305, %add3A_322 in 1 : vector<512x1xi32>, vector<512x1xi32>, vector<512x1xi32>, vector<512x1xi32>, vector<512x1xi32>, vector<512x1xi32>, vector<512x1xi32>, vector<512x1xi32>, vector<512x1xi32>, vector<512x1xi32>, vector<512x1xi32>, vector<512x1xi32>, vector<512x1xi32>, vector<512x1xi32>, vector<512x1xi32>, vector<512x1xi32> -> vector<512x16xi32>
    %swap3A = arith.constant 0 : index
    %swap3A_327 = arith.constant 0 : index
    %swap3A_328 = arith.constant 0 : index
    %swap3A_329 = vector.load %arg4[%swap3A, %swap3A_327, %swap3A_328] : memref<1x512x16xi32, #tpu.memory_space<vmem>>, vector<1x512x16xi32>
    %swap3A_330 = vector.shape_cast %swap3A_329 : vector<1x512x16xi32> to vector<512x16xi32>
    %swap3A_331 = vector.shape_cast %concatenate3A : vector<512x16xi32> to vector<1x512x16xi32>
    tpu.vector_store %arg4[%swap3A, %swap3A_327, %swap3A_328], %swap3A_331 {strides = array<i32>} : memref<1x512x16xi32, #tpu.memory_space<vmem>>, vector<1x512x16xi32>,
    %concatenate3A_332 = tpu.concatenate %convert_element_type3A, %convert_element_type3A_49, %convert_element_type3A_69, %convert_element_type3A_89, %convert_element_type3A_109, %convert_element_type3A_129, %convert_element_type3A_149, %convert_element_type3A_169, %convert_element_type3A_189, %convert_element_type3A_209, %convert_element_type3A_229, %convert_element_type3A_249, %convert_element_type3A_269, %convert_element_type3A_289, %convert_element_type3A_309, %convert_element_type3A_326 in 1 : vector<512x1xf32>, vector<512x1xf32>, vector<512x1xf32>, vector<512x1xf32>, vector<512x1xf32>, vector<512x1xf32>, vector<512x1xf32>, vector<512x1xf32>, vector<512x1xf32>, vector<512x1xf32>, vector<512x1xf32>, vector<512x1xf32>, vector<512x1xf32>, vector<512x1xf32>, vector<512x1xf32>, vector<512x1xf32> -> vector<512x16xf32>
    %swap3A_333 = arith.constant 0 : index
    %swap3A_334 = arith.constant 0 : index
    %swap3A_335 = arith.constant 0 : index
    %swap3A_336 = vector.load %arg5[%swap3A_333, %swap3A_334, %swap3A_335] : memref<1x512x16xf32, #tpu.memory_space<vmem>>, vector<1x512x16xf32>
    %swap3A_337 = vector.shape_cast %swap3A_336 : vector<1x512x16xf32> to vector<512x16xf32>
    %swap3A_338 = vector.shape_cast %concatenate3A_332 : vector<512x16xf32> to vector<1x512x16xf32>
    tpu.vector_store %arg5[%swap3A_333, %swap3A_334, %swap3A_335], %swap3A_338 {strides = array<i32>} : memref<1x512x16xf32, #tpu.memory_space<vmem>>, vector<1x512x16xf32>,
    return
  }
  func.func @transform_0(%arg0: i32, %arg1: i32) -> (i32, i32, i32) {
    %c0_i32 = arith.constant 0 : i32
    %c0_i32_0 = arith.constant 0 : i32
    return %arg0, %arg1, %c0_i32 : i32, i32, i32
  }
  func.func @transform_1(%arg0: i32, %arg1: i32) -> (i32, i32, i32) {
    %c0_i32 = arith.constant 0 : i32
    %c0_i32_0 = arith.constant 0 : i32
    %c0_i32_1 = arith.constant 0 : i32
    return %arg0, %c0_i32, %c0_i32_0 : i32, i32, i32
  }
  func.func @transform_2(%arg0: i32, %arg1: i32) -> (i32, i32, i32) {
    %c0_i32 = arith.constant 0 : i32
    %c0_i32_0 = arith.constant 0 : i32
    return %arg0, %arg1, %c0_i32 : i32, i32, i32
  }
  func.func @transform_3(%arg0: i32, %arg1: i32) -> (i32, i32, i32) {
    %c0_i32 = arith.constant 0 : i32
    %c0_i32_0 = arith.constant 0 : i32
    return %arg0, %arg1, %c0_i32 : i32, i32, i32
  }
}

module attributes {stable_mosaic.version = 14 : i64} {
  func.func @_topk_body(%arg0: i32, %arg1: i32, %arg2: memref<1x512x1xi32, #tpu.memory_space<vmem>>, %arg3: memref<1x1x2048xi32, #tpu.memory_space<vmem>>, %arg4: memref<1x512x16xi32, #tpu.memory_space<vmem>>, %arg5: memref<1x512x16xf32, #tpu.memory_space<vmem>>) attributes {dimension_semantics = [#tpu.dimension_semantics<arbitrary>, #tpu.dimension_semantics<arbitrary>], iteration_bounds = array<i64: 1, 4>, scalar_prefetch = 0 : i64, scratch_operands = 0 : i64, tpu.core_type = #tpu.core_type<tc>, window_params = [{transform_indices = @transform_0, window_bounds = array<i64: 1, 512, 1>}, {transform_indices = @transform_1, window_bounds = array<i64: 1, 1, 2048>}, {transform_indices = @transform_2, window_bounds = array<i64: 1, 512, 16>}, {transform_indices = @transform_3, window_bounds = array<i64: 1, 512, 16>}]} {
    %get3A = arith.constant 0 : index
    %get3A_0 = arith.constant 0 : index
    %get3A_1 = arith.constant 0 : index
    %get3A_2 = vector.load %arg2[%get3A, %get3A_0, %get3A_1] : memref<1x512x1xi32, #tpu.memory_space<vmem>>, vector<1x512x1xi32>
    %get3A_3 = vector.shape_cast %get3A_2 : vector<1x512x1xi32> to vector<512x1xi32>
    %get3A_4 = arith.constant 0 : index
    %get3A_5 = arith.constant 0 : index
    %get3A_6 = arith.constant 0 : index
    %get3A_7 = vector.load %arg3[%get3A_4, %get3A_5, %get3A_6] : memref<1x1x2048xi32, #tpu.memory_space<vmem>>, vector<1x1x2048xi32>
    %get3A_8 = vector.shape_cast %get3A_7 : vector<1x1x2048xi32> to vector<1x2048xi32>
    %add3A = arith.constant 3 : i32
    %add3A_9 = arith.addi %add3A, %arg0 : i32
    %sub3A = vector.broadcast %get3A_3 : vector<512x1xi32> to vector<512x2048xi32>
    %sub3A_10 = vector.broadcast %get3A_8 : vector<1x2048xi32> to vector<512x2048xi32>
    %sub3A_11 = arith.subi %sub3A, %sub3A_10 : vector<512x2048xi32>
    %abs3A = math.absi %sub3A_11 : vector<512x2048xi32>
    %iota3A = tpu.iota {dimensions = array<i32: 1>} : vector<512x2048xi32>
    %shift_left3A = arith.constant 11 : i32
    %shift_left3A_12 = vector.broadcast %shift_left3A : i32 to vector<512x2048xi32>
    %shift_left3A_13 = arith.shli %abs3A, %shift_left3A_12 : vector<512x2048xi32>
    %or3A = arith.ori %shift_left3A_13, %iota3A : vector<512x2048xi32>
    %broadcast_in_dim3A = arith.constant -2147483648 : i32
    %broadcast_in_dim3A_14 = vector.broadcast %broadcast_in_dim3A : i32 to vector<512x1xi32>
    %sub3A_15 = vector.broadcast %broadcast_in_dim3A_14 : vector<512x1xi32> to vector<512x2048xi32>
    %sub3A_16 = arith.subi %or3A, %sub3A_15 : vector<512x2048xi32>
    %reduce_min3A = arith.constant dense<2147483647> : vector<512xi32>
    %reduce_min3A_17 = vector.multi_reduction <minsi>, %sub3A_16, %reduce_min3A [1] : vector<512x2048xi32> to vector<512xi32>
    %broadcast_in_dim3A_18 = vector.shape_cast %reduce_min3A_17 : vector<512xi32> to vector<512x1xi32>
    %add3A_19 = arith.addi %broadcast_in_dim3A_18, %broadcast_in_dim3A_14 : vector<512x1xi32>
    %add3A_20 = arith.constant -2147483647 : i32
    %add3A_21 = vector.broadcast %add3A_20 : i32 to vector<512x1xi32>
    %add3A_22 = arith.addi %add3A_19, %add3A_21 : vector<512x1xi32>
    %and3A = arith.constant 2047 : i32
    %and3A_23 = vector.broadcast %and3A : i32 to vector<512x1xi32>
    %and3A_24 = arith.andi %add3A_19, %and3A_23 : vector<512x1xi32>
    %mul3A = arith.constant 2048 : i32
    %mul3A_25 = arith.muli %add3A_9, %mul3A : i32
    %add3A_26 = vector.broadcast %mul3A_25 : i32 to vector<512x1xi32>
    %add3A_27 = arith.addi %and3A_24, %add3A_26 : vector<512x1xi32>
    %shift_right_arithmetic3A = arith.constant 11 : i32
    %shift_right_arithmetic3A_28 = vector.broadcast %shift_right_arithmetic3A : i32 to vector<512x1xi32>
    %shift_right_arithmetic3A_29 = arith.shrsi %add3A_19, %shift_right_arithmetic3A_28 : vector<512x1xi32>
    %convert_element_type3A = arith.sitofp %shift_right_arithmetic3A_29 : vector<512x1xi32> to vector<512x1xf32>
    %sub3A_30 = vector.broadcast %add3A_22 : vector<512x1xi32> to vector<512x2048xi32>
    %sub3A_31 = arith.subi %or3A, %sub3A_30 : vector<512x2048xi32>
    %reduce_min3A_32 = arith.constant dense<2147483647> : vector<512xi32>
    %reduce_min3A_33 = vector.multi_reduction <minsi>, %sub3A_31, %reduce_min3A_32 [1] : vector<512x2048xi32> to vector<512xi32>
    %broadcast_in_dim3A_34 = vector.shape_cast %reduce_min3A_33 : vector<512xi32> to vector<512x1xi32>
    %add3A_35 = arith.addi %broadcast_in_dim3A_34, %add3A_22 : vector<512x1xi32>
    %add3A_36 = arith.constant -2147483647 : i32
    %add3A_37 = vector.broadcast %add3A_36 : i32 to vector<512x1xi32>
    %add3A_38 = arith.addi %add3A_35, %add3A_37 : vector<512x1xi32>
    %and3A_39 = arith.constant 2047 : i32
    %and3A_40 = vector.broadcast %and3A_39 : i32 to vector<512x1xi32>
    %and3A_41 = arith.andi %add3A_35, %and3A_40 : vector<512x1xi32>
    %mul3A_42 = arith.constant 2048 : i32
    %mul3A_43 = arith.muli %add3A_9, %mul3A_42 : i32
    %add3A_44 = vector.broadcast %mul3A_43 : i32 to vector<512x1xi32>
    %add3A_45 = arith.addi %and3A_41, %add3A_44 : vector<512x1xi32>
    %shift_right_arithmetic3A_46 = arith.constant 11 : i32
    %shift_right_arithmetic3A_47 = vector.broadcast %shift_right_arithmetic3A_46 : i32 to vector<512x1xi32>
    %shift_right_arithmetic3A_48 = arith.shrsi %add3A_35, %shift_right_arithmetic3A_47 : vector<512x1xi32>
    %convert_element_type3A_49 = arith.sitofp %shift_right_arithmetic3A_48 : vector<512x1xi32> to vector<512x1xf32>
    %sub3A_50 = vector.broadcast %add3A_38 : vector<512x1xi32> to vector<512x2048xi32>
    %sub3A_51 = arith.subi %or3A, %sub3A_50 : vector<512x2048xi32>
    %reduce_min3A_52 = arith.constant dense<2147483647> : vector<512xi32>
    %reduce_min3A_53 = vector.multi_reduction <minsi>, %sub3A_51, %reduce_min3A_52 [1] : vector<512x2048xi32> to vector<512xi32>
    %broadcast_in_dim3A_54 = vector.shape_cast %reduce_min3A_53 : vector<512xi32> to vector<512x1xi32>
    %add3A_55 = arith.addi %broadcast_in_dim3A_54, %add3A_38 : vector<512x1xi32>
    %add3A_56 = arith.constant -2147483647 : i32
    %add3A_57 = vector.broadcast %add3A_56 : i32 to vector<512x1xi32>
    %add3A_58 = arith.addi %add3A_55, %add3A_57 : vector<512x1xi32>
    %and3A_59 = arith.constant 2047 : i32
    %and3A_60 = vector.broadcast %and3A_59 : i32 to vector<512x1xi32>
    %and3A_61 = arith.andi %add3A_55, %and3A_60 : vector<512x1xi32>
    %mul3A_62 = arith.constant 2048 : i32
    %mul3A_63 = arith.muli %add3A_9, %mul3A_62 : i32
    %add3A_64 = vector.broadcast %mul3A_63 : i32 to vector<512x1xi32>
    %add3A_65 = arith.addi %and3A_61, %add3A_64 : vector<512x1xi32>
    %shift_right_arithmetic3A_66 = arith.constant 11 : i32
    %shift_right_arithmetic3A_67 = vector.broadcast %shift_right_arithmetic3A_66 : i32 to vector<512x1xi32>
    %shift_right_arithmetic3A_68 = arith.shrsi %add3A_55, %shift_right_arithmetic3A_67 : vector<512x1xi32>
    %convert_element_type3A_69 = arith.sitofp %shift_right_arithmetic3A_68 : vector<512x1xi32> to vector<512x1xf32>
    %sub3A_70 = vector.broadcast %add3A_58 : vector<512x1xi32> to vector<512x2048xi32>
    %sub3A_71 = arith.subi %or3A, %sub3A_70 : vector<512x2048xi32>
    %reduce_min3A_72 = arith.constant dense<2147483647> : vector<512xi32>
    %reduce_min3A_73 = vector.multi_reduction <minsi>, %sub3A_71, %reduce_min3A_72 [1] : vector<512x2048xi32> to vector<512xi32>
    %broadcast_in_dim3A_74 = vector.shape_cast %reduce_min3A_73 : vector<512xi32> to vector<512x1xi32>
    %add3A_75 = arith.addi %broadcast_in_dim3A_74, %add3A_58 : vector<512x1xi32>
    %add3A_76 = arith.constant -2147483647 : i32
    %add3A_77 = vector.broadcast %add3A_76 : i32 to vector<512x1xi32>
    %add3A_78 = arith.addi %add3A_75, %add3A_77 : vector<512x1xi32>
    %and3A_79 = arith.constant 2047 : i32
    %and3A_80 = vector.broadcast %and3A_79 : i32 to vector<512x1xi32>
    %and3A_81 = arith.andi %add3A_75, %and3A_80 : vector<512x1xi32>
    %mul3A_82 = arith.constant 2048 : i32
    %mul3A_83 = arith.muli %add3A_9, %mul3A_82 : i32
    %add3A_84 = vector.broadcast %mul3A_83 : i32 to vector<512x1xi32>
    %add3A_85 = arith.addi %and3A_81, %add3A_84 : vector<512x1xi32>
    %shift_right_arithmetic3A_86 = arith.constant 11 : i32
    %shift_right_arithmetic3A_87 = vector.broadcast %shift_right_arithmetic3A_86 : i32 to vector<512x1xi32>
    %shift_right_arithmetic3A_88 = arith.shrsi %add3A_75, %shift_right_arithmetic3A_87 : vector<512x1xi32>
    %convert_element_type3A_89 = arith.sitofp %shift_right_arithmetic3A_88 : vector<512x1xi32> to vector<512x1xf32>
    %sub3A_90 = vector.broadcast %add3A_78 : vector<512x1xi32> to vector<512x2048xi32>
    %sub3A_91 = arith.subi %or3A, %sub3A_90 : vector<512x2048xi32>
    %reduce_min3A_92 = arith.constant dense<2147483647> : vector<512xi32>
    %reduce_min3A_93 = vector.multi_reduction <minsi>, %sub3A_91, %reduce_min3A_92 [1] : vector<512x2048xi32> to vector<512xi32>
    %broadcast_in_dim3A_94 = vector.shape_cast %reduce_min3A_93 : vector<512xi32> to vector<512x1xi32>
    %add3A_95 = arith.addi %broadcast_in_dim3A_94, %add3A_78 : vector<512x1xi32>
    %add3A_96 = arith.constant -2147483647 : i32
    %add3A_97 = vector.broadcast %add3A_96 : i32 to vector<512x1xi32>
    %add3A_98 = arith.addi %add3A_95, %add3A_97 : vector<512x1xi32>
    %and3A_99 = arith.constant 2047 : i32
    %and3A_100 = vector.broadcast %and3A_99 : i32 to vector<512x1xi32>
    %and3A_101 = arith.andi %add3A_95, %and3A_100 : vector<512x1xi32>
    %mul3A_102 = arith.constant 2048 : i32
    %mul3A_103 = arith.muli %add3A_9, %mul3A_102 : i32
    %add3A_104 = vector.broadcast %mul3A_103 : i32 to vector<512x1xi32>
    %add3A_105 = arith.addi %and3A_101, %add3A_104 : vector<512x1xi32>
    %shift_right_arithmetic3A_106 = arith.constant 11 : i32
    %shift_right_arithmetic3A_107 = vector.broadcast %shift_right_arithmetic3A_106 : i32 to vector<512x1xi32>
    %shift_right_arithmetic3A_108 = arith.shrsi %add3A_95, %shift_right_arithmetic3A_107 : vector<512x1xi32>
    %convert_element_type3A_109 = arith.sitofp %shift_right_arithmetic3A_108 : vector<512x1xi32> to vector<512x1xf32>
    %sub3A_110 = vector.broadcast %add3A_98 : vector<512x1xi32> to vector<512x2048xi32>
    %sub3A_111 = arith.subi %or3A, %sub3A_110 : vector<512x2048xi32>
    %reduce_min3A_112 = arith.constant dense<2147483647> : vector<512xi32>
    %reduce_min3A_113 = vector.multi_reduction <minsi>, %sub3A_111, %reduce_min3A_112 [1] : vector<512x2048xi32> to vector<512xi32>
    %broadcast_in_dim3A_114 = vector.shape_cast %reduce_min3A_113 : vector<512xi32> to vector<512x1xi32>
    %add3A_115 = arith.addi %broadcast_in_dim3A_114, %add3A_98 : vector<512x1xi32>
    %add3A_116 = arith.constant -2147483647 : i32
    %add3A_117 = vector.broadcast %add3A_116 : i32 to vector<512x1xi32>
    %add3A_118 = arith.addi %add3A_115, %add3A_117 : vector<512x1xi32>
    %and3A_119 = arith.constant 2047 : i32
    %and3A_120 = vector.broadcast %and3A_119 : i32 to vector<512x1xi32>
    %and3A_121 = arith.andi %add3A_115, %and3A_120 : vector<512x1xi32>
    %mul3A_122 = arith.constant 2048 : i32
    %mul3A_123 = arith.muli %add3A_9, %mul3A_122 : i32
    %add3A_124 = vector.broadcast %mul3A_123 : i32 to vector<512x1xi32>
    %add3A_125 = arith.addi %and3A_121, %add3A_124 : vector<512x1xi32>
    %shift_right_arithmetic3A_126 = arith.constant 11 : i32
    %shift_right_arithmetic3A_127 = vector.broadcast %shift_right_arithmetic3A_126 : i32 to vector<512x1xi32>
    %shift_right_arithmetic3A_128 = arith.shrsi %add3A_115, %shift_right_arithmetic3A_127 : vector<512x1xi32>
    %convert_element_type3A_129 = arith.sitofp %shift_right_arithmetic3A_128 : vector<512x1xi32> to vector<512x1xf32>
    %sub3A_130 = vector.broadcast %add3A_118 : vector<512x1xi32> to vector<512x2048xi32>
    %sub3A_131 = arith.subi %or3A, %sub3A_130 : vector<512x2048xi32>
    %reduce_min3A_132 = arith.constant dense<2147483647> : vector<512xi32>
    %reduce_min3A_133 = vector.multi_reduction <minsi>, %sub3A_131, %reduce_min3A_132 [1] : vector<512x2048xi32> to vector<512xi32>
    %broadcast_in_dim3A_134 = vector.shape_cast %reduce_min3A_133 : vector<512xi32> to vector<512x1xi32>
    %add3A_135 = arith.addi %broadcast_in_dim3A_134, %add3A_118 : vector<512x1xi32>
    %add3A_136 = arith.constant -2147483647 : i32
    %add3A_137 = vector.broadcast %add3A_136 : i32 to vector<512x1xi32>
    %add3A_138 = arith.addi %add3A_135, %add3A_137 : vector<512x1xi32>
    %and3A_139 = arith.constant 2047 : i32
    %and3A_140 = vector.broadcast %and3A_139 : i32 to vector<512x1xi32>
    %and3A_141 = arith.andi %add3A_135, %and3A_140 : vector<512x1xi32>
    %mul3A_142 = arith.constant 2048 : i32
    %mul3A_143 = arith.muli %add3A_9, %mul3A_142 : i32
    %add3A_144 = vector.broadcast %mul3A_143 : i32 to vector<512x1xi32>
    %add3A_145 = arith.addi %and3A_141, %add3A_144 : vector<512x1xi32>
    %shift_right_arithmetic3A_146 = arith.constant 11 : i32
    %shift_right_arithmetic3A_147 = vector.broadcast %shift_right_arithmetic3A_146 : i32 to vector<512x1xi32>
    %shift_right_arithmetic3A_148 = arith.shrsi %add3A_135, %shift_right_arithmetic3A_147 : vector<512x1xi32>
    %convert_element_type3A_149 = arith.sitofp %shift_right_arithmetic3A_148 : vector<512x1xi32> to vector<512x1xf32>
    %sub3A_150 = vector.broadcast %add3A_138 : vector<512x1xi32> to vector<512x2048xi32>
    %sub3A_151 = arith.subi %or3A, %sub3A_150 : vector<512x2048xi32>
    %reduce_min3A_152 = arith.constant dense<2147483647> : vector<512xi32>
    %reduce_min3A_153 = vector.multi_reduction <minsi>, %sub3A_151, %reduce_min3A_152 [1] : vector<512x2048xi32> to vector<512xi32>
    %broadcast_in_dim3A_154 = vector.shape_cast %reduce_min3A_153 : vector<512xi32> to vector<512x1xi32>
    %add3A_155 = arith.addi %broadcast_in_dim3A_154, %add3A_138 : vector<512x1xi32>
    %add3A_156 = arith.constant -2147483647 : i32
    %add3A_157 = vector.broadcast %add3A_156 : i32 to vector<512x1xi32>
    %add3A_158 = arith.addi %add3A_155, %add3A_157 : vector<512x1xi32>
    %and3A_159 = arith.constant 2047 : i32
    %and3A_160 = vector.broadcast %and3A_159 : i32 to vector<512x1xi32>
    %and3A_161 = arith.andi %add3A_155, %and3A_160 : vector<512x1xi32>
    %mul3A_162 = arith.constant 2048 : i32
    %mul3A_163 = arith.muli %add3A_9, %mul3A_162 : i32
    %add3A_164 = vector.broadcast %mul3A_163 : i32 to vector<512x1xi32>
    %add3A_165 = arith.addi %and3A_161, %add3A_164 : vector<512x1xi32>
    %shift_right_arithmetic3A_166 = arith.constant 11 : i32
    %shift_right_arithmetic3A_167 = vector.broadcast %shift_right_arithmetic3A_166 : i32 to vector<512x1xi32>
    %shift_right_arithmetic3A_168 = arith.shrsi %add3A_155, %shift_right_arithmetic3A_167 : vector<512x1xi32>
    %convert_element_type3A_169 = arith.sitofp %shift_right_arithmetic3A_168 : vector<512x1xi32> to vector<512x1xf32>
    %sub3A_170 = vector.broadcast %add3A_158 : vector<512x1xi32> to vector<512x2048xi32>
    %sub3A_171 = arith.subi %or3A, %sub3A_170 : vector<512x2048xi32>
    %reduce_min3A_172 = arith.constant dense<2147483647> : vector<512xi32>
    %reduce_min3A_173 = vector.multi_reduction <minsi>, %sub3A_171, %reduce_min3A_172 [1] : vector<512x2048xi32> to vector<512xi32>
    %broadcast_in_dim3A_174 = vector.shape_cast %reduce_min3A_173 : vector<512xi32> to vector<512x1xi32>
    %add3A_175 = arith.addi %broadcast_in_dim3A_174, %add3A_158 : vector<512x1xi32>
    %add3A_176 = arith.constant -2147483647 : i32
    %add3A_177 = vector.broadcast %add3A_176 : i32 to vector<512x1xi32>
    %add3A_178 = arith.addi %add3A_175, %add3A_177 : vector<512x1xi32>
    %and3A_179 = arith.constant 2047 : i32
    %and3A_180 = vector.broadcast %and3A_179 : i32 to vector<512x1xi32>
    %and3A_181 = arith.andi %add3A_175, %and3A_180 : vector<512x1xi32>
    %mul3A_182 = arith.constant 2048 : i32
    %mul3A_183 = arith.muli %add3A_9, %mul3A_182 : i32
    %add3A_184 = vector.broadcast %mul3A_183 : i32 to vector<512x1xi32>
    %add3A_185 = arith.addi %and3A_181, %add3A_184 : vector<512x1xi32>
    %shift_right_arithmetic3A_186 = arith.constant 11 : i32
    %shift_right_arithmetic3A_187 = vector.broadcast %shift_right_arithmetic3A_186 : i32 to vector<512x1xi32>
    %shift_right_arithmetic3A_188 = arith.shrsi %add3A_175, %shift_right_arithmetic3A_187 : vector<512x1xi32>
    %convert_element_type3A_189 = arith.sitofp %shift_right_arithmetic3A_188 : vector<512x1xi32> to vector<512x1xf32>
    %sub3A_190 = vector.broadcast %add3A_178 : vector<512x1xi32> to vector<512x2048xi32>
    %sub3A_191 = arith.subi %or3A, %sub3A_190 : vector<512x2048xi32>
    %reduce_min3A_192 = arith.constant dense<2147483647> : vector<512xi32>
    %reduce_min3A_193 = vector.multi_reduction <minsi>, %sub3A_191, %reduce_min3A_192 [1] : vector<512x2048xi32> to vector<512xi32>
    %broadcast_in_dim3A_194 = vector.shape_cast %reduce_min3A_193 : vector<512xi32> to vector<512x1xi32>
    %add3A_195 = arith.addi %broadcast_in_dim3A_194, %add3A_178 : vector<512x1xi32>
    %add3A_196 = arith.constant -2147483647 : i32
    %add3A_197 = vector.broadcast %add3A_196 : i32 to vector<512x1xi32>
    %add3A_198 = arith.addi %add3A_195, %add3A_197 : vector<512x1xi32>
    %and3A_199 = arith.constant 2047 : i32
    %and3A_200 = vector.broadcast %and3A_199 : i32 to vector<512x1xi32>
    %and3A_201 = arith.andi %add3A_195, %and3A_200 : vector<512x1xi32>
    %mul3A_202 = arith.constant 2048 : i32
    %mul3A_203 = arith.muli %add3A_9, %mul3A_202 : i32
    %add3A_204 = vector.broadcast %mul3A_203 : i32 to vector<512x1xi32>
    %add3A_205 = arith.addi %and3A_201, %add3A_204 : vector<512x1xi32>
    %shift_right_arithmetic3A_206 = arith.constant 11 : i32
    %shift_right_arithmetic3A_207 = vector.broadcast %shift_right_arithmetic3A_206 : i32 to vector<512x1xi32>
    %shift_right_arithmetic3A_208 = arith.shrsi %add3A_195, %shift_right_arithmetic3A_207 : vector<512x1xi32>
    %convert_element_type3A_209 = arith.sitofp %shift_right_arithmetic3A_208 : vector<512x1xi32> to vector<512x1xf32>
    %sub3A_210 = vector.broadcast %add3A_198 : vector<512x1xi32> to vector<512x2048xi32>
    %sub3A_211 = arith.subi %or3A, %sub3A_210 : vector<512x2048xi32>
    %reduce_min3A_212 = arith.constant dense<2147483647> : vector<512xi32>
    %reduce_min3A_213 = vector.multi_reduction <minsi>, %sub3A_211, %reduce_min3A_212 [1] : vector<512x2048xi32> to vector<512xi32>
    %broadcast_in_dim3A_214 = vector.shape_cast %reduce_min3A_213 : vector<512xi32> to vector<512x1xi32>
    %add3A_215 = arith.addi %broadcast_in_dim3A_214, %add3A_198 : vector<512x1xi32>
    %add3A_216 = arith.constant -2147483647 : i32
    %add3A_217 = vector.broadcast %add3A_216 : i32 to vector<512x1xi32>
    %add3A_218 = arith.addi %add3A_215, %add3A_217 : vector<512x1xi32>
    %and3A_219 = arith.constant 2047 : i32
    %and3A_220 = vector.broadcast %and3A_219 : i32 to vector<512x1xi32>
    %and3A_221 = arith.andi %add3A_215, %and3A_220 : vector<512x1xi32>
    %mul3A_222 = arith.constant 2048 : i32
    %mul3A_223 = arith.muli %add3A_9, %mul3A_222 : i32
    %add3A_224 = vector.broadcast %mul3A_223 : i32 to vector<512x1xi32>
    %add3A_225 = arith.addi %and3A_221, %add3A_224 : vector<512x1xi32>
    %shift_right_arithmetic3A_226 = arith.constant 11 : i32
    %shift_right_arithmetic3A_227 = vector.broadcast %shift_right_arithmetic3A_226 : i32 to vector<512x1xi32>
    %shift_right_arithmetic3A_228 = arith.shrsi %add3A_215, %shift_right_arithmetic3A_227 : vector<512x1xi32>
    %convert_element_type3A_229 = arith.sitofp %shift_right_arithmetic3A_228 : vector<512x1xi32> to vector<512x1xf32>
    %sub3A_230 = vector.broadcast %add3A_218 : vector<512x1xi32> to vector<512x2048xi32>
    %sub3A_231 = arith.subi %or3A, %sub3A_230 : vector<512x2048xi32>
    %reduce_min3A_232 = arith.constant dense<2147483647> : vector<512xi32>
    %reduce_min3A_233 = vector.multi_reduction <minsi>, %sub3A_231, %reduce_min3A_232 [1] : vector<512x2048xi32> to vector<512xi32>
    %broadcast_in_dim3A_234 = vector.shape_cast %reduce_min3A_233 : vector<512xi32> to vector<512x1xi32>
    %add3A_235 = arith.addi %broadcast_in_dim3A_234, %add3A_218 : vector<512x1xi32>
    %add3A_236 = arith.constant -2147483647 : i32
    %add3A_237 = vector.broadcast %add3A_236 : i32 to vector<512x1xi32>
    %add3A_238 = arith.addi %add3A_235, %add3A_237 : vector<512x1xi32>
    %and3A_239 = arith.constant 2047 : i32
    %and3A_240 = vector.broadcast %and3A_239 : i32 to vector<512x1xi32>
    %and3A_241 = arith.andi %add3A_235, %and3A_240 : vector<512x1xi32>
    %mul3A_242 = arith.constant 2048 : i32
    %mul3A_243 = arith.muli %add3A_9, %mul3A_242 : i32
    %add3A_244 = vector.broadcast %mul3A_243 : i32 to vector<512x1xi32>
    %add3A_245 = arith.addi %and3A_241, %add3A_244 : vector<512x1xi32>
    %shift_right_arithmetic3A_246 = arith.constant 11 : i32
    %shift_right_arithmetic3A_247 = vector.broadcast %shift_right_arithmetic3A_246 : i32 to vector<512x1xi32>
    %shift_right_arithmetic3A_248 = arith.shrsi %add3A_235, %shift_right_arithmetic3A_247 : vector<512x1xi32>
    %convert_element_type3A_249 = arith.sitofp %shift_right_arithmetic3A_248 : vector<512x1xi32> to vector<512x1xf32>
    %sub3A_250 = vector.broadcast %add3A_238 : vector<512x1xi32> to vector<512x2048xi32>
    %sub3A_251 = arith.subi %or3A, %sub3A_250 : vector<512x2048xi32>
    %reduce_min3A_252 = arith.constant dense<2147483647> : vector<512xi32>
    %reduce_min3A_253 = vector.multi_reduction <minsi>, %sub3A_251, %reduce_min3A_252 [1] : vector<512x2048xi32> to vector<512xi32>
    %broadcast_in_dim3A_254 = vector.shape_cast %reduce_min3A_253 : vector<512xi32> to vector<512x1xi32>
    %add3A_255 = arith.addi %broadcast_in_dim3A_254, %add3A_238 : vector<512x1xi32>
    %add3A_256 = arith.constant -2147483647 : i32
    %add3A_257 = vector.broadcast %add3A_256 : i32 to vector<512x1xi32>
    %add3A_258 = arith.addi %add3A_255, %add3A_257 : vector<512x1xi32>
    %and3A_259 = arith.constant 2047 : i32
    %and3A_260 = vector.broadcast %and3A_259 : i32 to vector<512x1xi32>
    %and3A_261 = arith.andi %add3A_255, %and3A_260 : vector<512x1xi32>
    %mul3A_262 = arith.constant 2048 : i32
    %mul3A_263 = arith.muli %add3A_9, %mul3A_262 : i32
    %add3A_264 = vector.broadcast %mul3A_263 : i32 to vector<512x1xi32>
    %add3A_265 = arith.addi %and3A_261, %add3A_264 : vector<512x1xi32>
    %shift_right_arithmetic3A_266 = arith.constant 11 : i32
    %shift_right_arithmetic3A_267 = vector.broadcast %shift_right_arithmetic3A_266 : i32 to vector<512x1xi32>
    %shift_right_arithmetic3A_268 = arith.shrsi %add3A_255, %shift_right_arithmetic3A_267 : vector<512x1xi32>
    %convert_element_type3A_269 = arith.sitofp %shift_right_arithmetic3A_268 : vector<512x1xi32> to vector<512x1xf32>
    %sub3A_270 = vector.broadcast %add3A_258 : vector<512x1xi32> to vector<512x2048xi32>
    %sub3A_271 = arith.subi %or3A, %sub3A_270 : vector<512x2048xi32>
    %reduce_min3A_272 = arith.constant dense<2147483647> : vector<512xi32>
    %reduce_min3A_273 = vector.multi_reduction <minsi>, %sub3A_271, %reduce_min3A_272 [1] : vector<512x2048xi32> to vector<512xi32>
    %broadcast_in_dim3A_274 = vector.shape_cast %reduce_min3A_273 : vector<512xi32> to vector<512x1xi32>
    %add3A_275 = arith.addi %broadcast_in_dim3A_274, %add3A_258 : vector<512x1xi32>
    %add3A_276 = arith.constant -2147483647 : i32
    %add3A_277 = vector.broadcast %add3A_276 : i32 to vector<512x1xi32>
    %add3A_278 = arith.addi %add3A_275, %add3A_277 : vector<512x1xi32>
    %and3A_279 = arith.constant 2047 : i32
    %and3A_280 = vector.broadcast %and3A_279 : i32 to vector<512x1xi32>
    %and3A_281 = arith.andi %add3A_275, %and3A_280 : vector<512x1xi32>
    %mul3A_282 = arith.constant 2048 : i32
    %mul3A_283 = arith.muli %add3A_9, %mul3A_282 : i32
    %add3A_284 = vector.broadcast %mul3A_283 : i32 to vector<512x1xi32>
    %add3A_285 = arith.addi %and3A_281, %add3A_284 : vector<512x1xi32>
    %shift_right_arithmetic3A_286 = arith.constant 11 : i32
    %shift_right_arithmetic3A_287 = vector.broadcast %shift_right_arithmetic3A_286 : i32 to vector<512x1xi32>
    %shift_right_arithmetic3A_288 = arith.shrsi %add3A_275, %shift_right_arithmetic3A_287 : vector<512x1xi32>
    %convert_element_type3A_289 = arith.sitofp %shift_right_arithmetic3A_288 : vector<512x1xi32> to vector<512x1xf32>
    %sub3A_290 = vector.broadcast %add3A_278 : vector<512x1xi32> to vector<512x2048xi32>
    %sub3A_291 = arith.subi %or3A, %sub3A_290 : vector<512x2048xi32>
    %reduce_min3A_292 = arith.constant dense<2147483647> : vector<512xi32>
    %reduce_min3A_293 = vector.multi_reduction <minsi>, %sub3A_291, %reduce_min3A_292 [1] : vector<512x2048xi32> to vector<512xi32>
    %broadcast_in_dim3A_294 = vector.shape_cast %reduce_min3A_293 : vector<512xi32> to vector<512x1xi32>
    %add3A_295 = arith.addi %broadcast_in_dim3A_294, %add3A_278 : vector<512x1xi32>
    %add3A_296 = arith.constant -2147483647 : i32
    %add3A_297 = vector.broadcast %add3A_296 : i32 to vector<512x1xi32>
    %add3A_298 = arith.addi %add3A_295, %add3A_297 : vector<512x1xi32>
    %and3A_299 = arith.constant 2047 : i32
    %and3A_300 = vector.broadcast %and3A_299 : i32 to vector<512x1xi32>
    %and3A_301 = arith.andi %add3A_295, %and3A_300 : vector<512x1xi32>
    %mul3A_302 = arith.constant 2048 : i32
    %mul3A_303 = arith.muli %add3A_9, %mul3A_302 : i32
    %add3A_304 = vector.broadcast %mul3A_303 : i32 to vector<512x1xi32>
    %add3A_305 = arith.addi %and3A_301, %add3A_304 : vector<512x1xi32>
    %shift_right_arithmetic3A_306 = arith.constant 11 : i32
    %shift_right_arithmetic3A_307 = vector.broadcast %shift_right_arithmetic3A_306 : i32 to vector<512x1xi32>
    %shift_right_arithmetic3A_308 = arith.shrsi %add3A_295, %shift_right_arithmetic3A_307 : vector<512x1xi32>
    %convert_element_type3A_309 = arith.sitofp %shift_right_arithmetic3A_308 : vector<512x1xi32> to vector<512x1xf32>
    %sub3A_310 = vector.broadcast %add3A_298 : vector<512x1xi32> to vector<512x2048xi32>
    %sub3A_311 = arith.subi %or3A, %sub3A_310 : vector<512x2048xi32>
    %reduce_min3A_312 = arith.constant dense<2147483647> : vector<512xi32>
    %reduce_min3A_313 = vector.multi_reduction <minsi>, %sub3A_311, %reduce_min3A_312 [1] : vector<512x2048xi32> to vector<512xi32>
    %broadcast_in_dim3A_314 = vector.shape_cast %reduce_min3A_313 : vector<512xi32> to vector<512x1xi32>
    %add3A_315 = arith.addi %broadcast_in_dim3A_314, %add3A_298 : vector<512x1xi32>
    %and3A_316 = arith.constant 2047 : i32
    %and3A_317 = vector.broadcast %and3A_316 : i32 to vector<512x1xi32>
    %and3A_318 = arith.andi %add3A_315, %and3A_317 : vector<512x1xi32>
    %mul3A_319 = arith.constant 2048 : i32
    %mul3A_320 = arith.muli %add3A_9, %mul3A_319 : i32
    %add3A_321 = vector.broadcast %mul3A_320 : i32 to vector<512x1xi32>
    %add3A_322 = arith.addi %and3A_318, %add3A_321 : vector<512x1xi32>
    %shift_right_arithmetic3A_323 = arith.constant 11 : i32
    %shift_right_arithmetic3A_324 = vector.broadcast %shift_right_arithmetic3A_323 : i32 to vector<512x1xi32>
    %shift_right_arithmetic3A_325 = arith.shrsi %add3A_315, %shift_right_arithmetic3A_324 : vector<512x1xi32>
    %convert_element_type3A_326 = arith.sitofp %shift_right_arithmetic3A_325 : vector<512x1xi32> to vector<512x1xf32>
    %concatenate3A = tpu.concatenate %add3A_27, %add3A_45, %add3A_65, %add3A_85, %add3A_105, %add3A_125, %add3A_145, %add3A_165, %add3A_185, %add3A_205, %add3A_225, %add3A_245, %add3A_265, %add3A_285, %add3A_305, %add3A_322 in 1 : vector<512x1xi32>, vector<512x1xi32>, vector<512x1xi32>, vector<512x1xi32>, vector<512x1xi32>, vector<512x1xi32>, vector<512x1xi32>, vector<512x1xi32>, vector<512x1xi32>, vector<512x1xi32>, vector<512x1xi32>, vector<512x1xi32>, vector<512x1xi32>, vector<512x1xi32>, vector<512x1xi32>, vector<512x1xi32> -> vector<512x16xi32>
    %swap3A = arith.constant 0 : index
    %swap3A_327 = arith.constant 0 : index
    %swap3A_328 = arith.constant 0 : index
    %swap3A_329 = vector.load %arg4[%swap3A, %swap3A_327, %swap3A_328] : memref<1x512x16xi32, #tpu.memory_space<vmem>>, vector<1x512x16xi32>
    %swap3A_330 = vector.shape_cast %swap3A_329 : vector<1x512x16xi32> to vector<512x16xi32>
    %swap3A_331 = vector.shape_cast %concatenate3A : vector<512x16xi32> to vector<1x512x16xi32>
    tpu.vector_store %arg4[%swap3A, %swap3A_327, %swap3A_328], %swap3A_331 {strides = array<i32>} : memref<1x512x16xi32, #tpu.memory_space<vmem>>, vector<1x512x16xi32>,
    %concatenate3A_332 = tpu.concatenate %convert_element_type3A, %convert_element_type3A_49, %convert_element_type3A_69, %convert_element_type3A_89, %convert_element_type3A_109, %convert_element_type3A_129, %convert_element_type3A_149, %convert_element_type3A_169, %convert_element_type3A_189, %convert_element_type3A_209, %convert_element_type3A_229, %convert_element_type3A_249, %convert_element_type3A_269, %convert_element_type3A_289, %convert_element_type3A_309, %convert_element_type3A_326 in 1 : vector<512x1xf32>, vector<512x1xf32>, vector<512x1xf32>, vector<512x1xf32>, vector<512x1xf32>, vector<512x1xf32>, vector<512x1xf32>, vector<512x1xf32>, vector<512x1xf32>, vector<512x1xf32>, vector<512x1xf32>, vector<512x1xf32>, vector<512x1xf32>, vector<512x1xf32>, vector<512x1xf32>, vector<512x1xf32> -> vector<512x16xf32>
    %swap3A_333 = arith.constant 0 : index
    %swap3A_334 = arith.constant 0 : index
    %swap3A_335 = arith.constant 0 : index
    %swap3A_336 = vector.load %arg5[%swap3A_333, %swap3A_334, %swap3A_335] : memref<1x512x16xf32, #tpu.memory_space<vmem>>, vector<1x512x16xf32>
    %swap3A_337 = vector.shape_cast %swap3A_336 : vector<1x512x16xf32> to vector<512x16xf32>
    %swap3A_338 = vector.shape_cast %concatenate3A_332 : vector<512x16xf32> to vector<1x512x16xf32>
    tpu.vector_store %arg5[%swap3A_333, %swap3A_334, %swap3A_335], %swap3A_338 {strides = array<i32>} : memref<1x512x16xf32, #tpu.memory_space<vmem>>, vector<1x512x16xf32>,
    return
  }
  func.func @transform_0(%arg0: i32, %arg1: i32) -> (i32, i32, i32) {
    %c0_i32 = arith.constant 0 : i32
    %c0_i32_0 = arith.constant 0 : i32
    return %arg0, %arg1, %c0_i32 : i32, i32, i32
  }
  func.func @transform_1(%arg0: i32, %arg1: i32) -> (i32, i32, i32) {
    %c0_i32 = arith.constant 0 : i32
    %c0_i32_0 = arith.constant 0 : i32
    %c0_i32_1 = arith.constant 0 : i32
    return %arg0, %c0_i32, %c0_i32_0 : i32, i32, i32
  }
  func.func @transform_2(%arg0: i32, %arg1: i32) -> (i32, i32, i32) {
    %c0_i32 = arith.constant 0 : i32
    %c0_i32_0 = arith.constant 0 : i32
    return %arg0, %arg1, %c0_i32 : i32, i32, i32
  }
  func.func @transform_3(%arg0: i32, %arg1: i32) -> (i32, i32, i32) {
    %c0_i32 = arith.constant 0 : i32
    %c0_i32_0 = arith.constant 0 : i32
    return %arg0, %arg1, %c0_i32 : i32, i32, i32
  }
}

</mosaic_0001>

<sc_bundles>
// kernel: kernel.11.cloned.1.call-start
scs
__scs_entry_jumppad:
0x0: {  	(pc) =	sbr.rel $0x88, $3  }
0x1: {  	(tag) =	ssettag $0x0;
	lr =	simm.s32 $0x1  }
0x2: {  	[smem:$0x3F9F] =	sst lr;
	_ =	strace $0xD0000000  }
0x3: {  	_ = 	snop  }
0x4: {  	_ = 	snop  }
0x5: {  	_ = 	snop  }
0x6: {  	_ = 	snop  }
0x7: {  	_ = 	snop  }
__scs_overlays_trampoline_lowered:
0x8: {  	[smem:$0x3FAE] =	sst s0  }
0x9: {  	[smem:$0x3FAF] =	sst s1  }
0xa: {  	[smem:$0x3FB0] =	sst s2  }
0xb: {  	[smem:$0x3FB1] =	sst s3  }
0xc: {  	[smem:$0x3FB2] =	sst s4  }
0xd: {  	[smem:$0x3FB3] =	sst s5  }
0xe: {  	[smem:$0x3FB4] =	sst s6  }
0xf: {  	[smem:$0x3FB5] =	sst s7  }
0x10: {  	[smem:$0x3FB6] =	sst s8  }
0x11: {  	[smem:$0x3FB7] =	sst s9;
	s0 =	simm.s32 @!p0 $0x0  }
0x12: {  	s1 =	sld [smem:$0x3F9D];
	s0 =	simm.s32 @p0 $0x1  }
0x13: {  	[smem:$0x3FB8] =	sst s0;
	s0 =	simm.s32 @!p1 $0x0  }
0x14: {  	s2 =	sld [smem:$0x3F9C];
	s0 =	simm.s32 @p1 $0x1  }
0x15: {  	[smem:$0x3FB9] =	sst s0;
	s0 =	simm.s32 @!p2 $0x0  }
0x16: {  	s3 =	sld [smem:$0x3FDB];
	s0 =	simm.s32 @p2 $0x1  }
0x17: {  	s4 =	simm.s32 $0x1BF5;
	[smem:$0x3FBB] =	sst s0  }
0x18: {  	s0 =	sld [smem:$0x3F9E];
	_ =	swait.ge [sflag:s4], $0x0  }
0x19: {  	s7 =	sld [smem:$0x3F9F]  }
0x1a: {  	s8 =	sadd.s32 $0xFFFFE003, lr  }
0x1b: {  	s9 =	sadd.s32 $0xFFFFFEF7, lr;
	s5 =	simm.s32 $0xFFFFFFFF;
	p2 =	slt.u32 s8, $0xFFFFF086  }
0x1c: {  	p1 =	slt.u32 s9, $0xF7A;
	s5 =	simm.s32 @!p2 $0x0  }
0x1d: {  	s5 =	simm.s32 @p1 $0x1;
	p0 =	seq.s32 s7, s2  }
0x1e: {  	s7 =	smul.u32 @!p0 $0xF7A, s2;
	p2 =	seq.s32 @!p0 s5, $0x0  }
0x1f: {  	s9 =	smul.u32 $0xF7A, s1;
	s8 =	simm.s32 @!p0 $0x1BF5;
	p2 =	por !p2, p0  }
0x20: {  	[sflag:s8] =	ssyncset.s32 @!p0 $0xFFFFF086;
	s6 =	sadd.s32 @!p0 s3, s7;
	s7 =	simm.s32 @!p0 $0x108  }
0x21: {  	s3 =	sadd.s32 s3, s9;
	s6 =	sadd.s32 @!p0 $0x88, s6;
	s7 =	simm.s32 @p2 $0x1082  }
0x22: {  	[simem:s7], [sflag:s8] =	dma.local @!p0 [hbm:s6], $0xF7A  }
0x23: {  	s9 =	sor.u32 $0xD0000000, s2;
	s6 =	simm.s32 $0x108;
	_ =	swait.ge @!p0 [sflag:s8], $0x0  }
0x24: {  	s3 =	sadd.s32 $0x88, s3;
	s6 =	simm.s32 @!p1 $0x1082;
	[sflag:s4] =	ssyncset.s32 $0xFFFFF086  }
0x25: {  	[simem:s6], [sflag:s4] =	dma.local [hbm:s3], $0xF7A  }
0x26: {  	[smem:$0x3F9F] =	sst s1;
	(tag) =	ssettag s2;
	_ =	strace s9  }
0x27: {  	s1 =	sld [smem:$0x3FAF]  }
0x28: {  	s2 =	sld [smem:$0x3FB0]  }
0x29: {  	s4 =	sld [smem:$0x3FB2]  }
0x2a: {  	p0 =	seq.s32 s5, $0x0;
	s5 =	sld [smem:$0x3FB3]  }
0x2b: {  	s6 =	sld [smem:$0x3FB4]  }
0x2c: {  	s7 =	sld [smem:$0x3FB5]  }
0x2d: {  	s3 =	simm.s32 $0x108;
	s8 =	sld [smem:$0x3FB6]  }
0x2e: {  	s3 =	simm.s32 @!p0 $0x1082;
	s9 =	sld [smem:$0x3FB7]  }
0x2f: {  	lr =	sadd.s32 s0, s3;
	s0 =	sld [smem:$0x3FAE]  }
0x30: {  	s3 =	sld [smem:$0x3FB1]  }
0x31: {  	[smem:$0x3FBA] =	sst s10  }
0x32: {  	s10 =	sld [smem:$0x3FB8];
	_ =	sdelay $0x3  }
0x33: {  	p0 =	seq.s32 s10, $0x1;
	s10 =	sld [smem:$0x3FBA];
	_ =	sdelay $0x3  }
0x34: {  	[smem:$0x3FBA] =	sst s10  }
0x35: {  	s10 =	sld [smem:$0x3FB9];
	_ =	sdelay $0x3  }
0x36: {  	p1 =	seq.s32 s10, $0x1;
	s10 =	sld [smem:$0x3FBA];
	_ =	sdelay $0x3  }
0x37: {  	[smem:$0x3FBA] =	sst s10  }
0x38: {  	s10 =	sld [smem:$0x3FBB]  }
0x39: {  	_ = 	snop;
	(pc) =	sbr.ind lr, $3  }
0x3a: {  	_ = 	snop  }
0x3b: {  	_ = 	snop  }
0x3c: {  	p2 =	seq.s32 s10, $0x1;
	s10 =	sld [smem:$0x3FBA]  }
0x3d: {  	_ =	shalt  }
0x3e: {  	_ =	shalt  }
0x3f: {  	_ =	shalt  }
0x40: {  	_ =	shalt  }
0x41: {  	_ =	shalt  }
0x42: {  	_ =	shalt  }
0x43: {  	_ =	shalt  }
0x44: {  	_ =	shalt  }
0x45: {  	_ =	shalt  }
0x46: {  	_ =	shalt  }
0x47: {  	_ =	shalt  }
0x48: {  	_ =	shalt  }
0x49: {  	_ =	shalt  }
0x4a: {  	_ =	shalt  }
0x4b: {  	_ =	shalt  }
0x4c: {  	_ =	shalt  }
0x4d: {  	_ =	shalt  }
0x4e: {  	_ =	shalt  }
0x4f: {  	_ =	shalt  }
0x50: {  	_ =	shalt  }
0x51: {  	_ =	shalt  }
0x52: {  	_ =	shalt  }
0x53: {  	_ =	shalt  }
0x54: {  	_ =	shalt  }
0x55: {  	_ =	shalt  }
0x56: {  	_ =	shalt  }
0x57: {  	_ =	shalt  }
0x58: {  	_ =	shalt  }
0x59: {  	_ =	shalt  }
0x5a: {  	_ =	shalt  }
0x5b: {  	_ =	shalt  }
0x5c: {  	_ =	shalt  }
0x5d: {  	_ =	shalt  }
0x5e: {  	_ =	shalt  }
0x5f: {  	_ =	shalt  }
0x60: {  	_ =	shalt  }
0x61: {  	_ =	shalt  }
0x62: {  	_ =	shalt  }
0x63: {  	_ =	shalt  }
0x64: {  	_ =	shalt  }
0x65: {  	_ =	shalt  }
0x66: {  	_ =	shalt  }
0x67: {  	_ =	shalt  }
0x68: {  	_ =	shalt  }
0x69: {  	_ =	shalt  }
0x6a: {  	_ =	shalt  }
0x6b: {  	_ =	shalt  }
0x6c: {  	_ =	shalt  }
0x6d: {  	_ =	shalt  }
0x6e: {  	_ =	shalt  }
0x6f: {  	_ =	shalt  }
0x70: {  	_ =	shalt  }
0x71: {  	_ =	shalt  }
0x72: {  	_ =	shalt  }
0x73: {  	_ =	shalt  }
0x74: {  	_ =	shalt  }
0x75: {  	_ =	shalt  }
0x76: {  	_ =	shalt  }
0x77: {  	_ =	shalt  }
0x78: {  	_ =	shalt  }
0x79: {  	_ =	shalt  }
0x7a: {  	_ =	shalt  }
0x7b: {  	_ =	shalt  }
0x7c: {  	_ =	shalt  }
0x7d: {  	_ =	shalt  }
0x7e: {  	_ =	shalt  }
0x7f: {  	_ =	shalt  }
0x80: {  	_ =	shalt  }
0x81: {  	_ =	shalt  }
0x82: {  	_ =	shalt  }
0x83: {  	_ =	shalt  }
0x84: {  	_ =	shalt  }
0x85: {  	_ =	shalt  }
0x86: {  	_ =	shalt  }
0x87: {  	_ =	shalt  }
.Lfunc_end0:
.L_simem_size_0:
called_computation.1_lowered:
.L_overlay_start_0:
0x88: {  	s2 =	sld [smem:$0x3FD9]  }
0x89: {  	s3 =	sld [smem:$0x3FFE];
	_ =	sdelay $0x1  }
0x8a: {  	s1 =	srdreg.scid  }
0x8b: {  	s0 =	sand.u32 $0x1, s1  }
0x8c: {  	s14 =	sshll.u32 s0, $0xA;
	s2 =	sadd.s32 s3, s2  }
0x8d: {  	s2 =	sadd.s32 s2, s14  }
0x8e: {  	[smem:$0x3FC6] =	sst s2  }
0x8f: {  	_ = 	snop  }
0x90: {  	s2 =	sld [smem:$0x3FD0];
	_ =	sdelay $0x2  }
0x91: {  	s4 =	simm.s32 $0xA;
	s5 =	simm.s32 $0x10;
	s15 =	sld [smem:$0x3FC8]  }
0x92: {  	[smem:s5], [sflag:s4] =	dma.local [hbm:s2], $0x1  }
0x93: {  	_ =	swait.eq [sflag:s4], $0x1  }
0x94: {  	[sflag:s4] =	ssyncset.done $0x0  }
0x95: {  	[sflag:s4] =	ssyncadd.s32 $0xFFFFFFFF  }
0x96: {  	s16 =	sld [smem:$0x11];
	(tm) =	ssettm $0x1  }
0x97: {  	s17 =	sld [smem:$0x3FFB];
	_ =	sdelay $0x3  }
0x98: {  	_ =	strace s17  }
0x99: {  	s4 =	sld [smem:$0x3FFC];
	_ =	sdelay $0x3  }
0x9a: {  	_ =	strace s4  }
0x9b: {  	s4 =	sld [smem:$0x3FFD];
	_ =	sdelay $0x3  }
0x9c: {  	_ =	strace s4  }
0x9d: {  	_ =	strace $0x8FFFFFFF  }
0x9e: {  	s18 =	sld [smem:$0x3FDB];
	_ =	sdelay $0x1  }
0x9f: {  	s19 =	simm.s32 $_scs_section_size  }
0xa0: {  	s6 =	simm.s32 $_size__tile_overlayer_lowered;
	s7 =	simm.s32 $_tile_overlayer_lowered  }
0xa1: {  	s22 =	simm.s32 $0x1BFF;
	s21 =	sshll.u32 s7, $0x1;
	s4 =	sadd.s32 s19, s18  }
0xa2: {  	s8 =	simm.s32 $0x0;
	s20 =	sshll.u32 s6, $0x1;
	s6 =	sadd.s32 s21, s4  }
0xa3: {  	[timem:s8], [sflag:s22] =	dma.local [hbm:s6], s20  }
0xa4: {  	_ =	swait.ge [sflag:s22], s20  }
0xa5: {  	s5 =	ssub.s32 $0x0, s20;
	[sflag:s22] =	ssyncset.done $0x0  }
0xa6: {  	[sflag:s22] =	ssyncadd.s32 s5;
	_ =	sdelay $0x1  }
0xa7: {  	s23 =	simm.s32 $0x1B8B  }
0xa8: {  	_ =	swait.ge [sflag:s23], $0x1  }
0xa9: {  	[sflag:s23] =	ssyncset.done $0x0  }
0xaa: {  	s25 =	simm.s32 $0x1B8E;
	s24 =	sld [smem:$0x3FFE];
	[sflag:s23] =	ssyncadd.s32 $0xFFFFFFFF  }
0xab: {  	s26 =	simm.s32 $execute0_lowered;
	[smem:$0x3FD2] =	sst s25  }
0xac: {  	s6 =	sshll.u32 s26, $0x1;
	_ =	strace $0x80000049;
	[dreg:$0x1] =	wrdreg $0xFFFFFFFF  }
0xad: {  	s28 =	simm.s32 $_size_execute0_lowered;
	s4 =	sadd.s32 s4, s6;
	[dreg:$0x0] =	wrdreg $0x0  }
0xae: {  	s6 =	sshll.u32 s28, $0x1;
	[dreg:$0x2] =	wrdreg s4  }
0xaf: {  	[dreg:$0x3] =	wrdreg s6  }
0xb0: {  	[dreg:$0x4] =	wrdreg $0xC0  }
0xb1: {  	_ =	task [dreg:s8], $0x5FFFF  }
0xb2: {  	[dreg:$0x1] =	wrdreg $0xFFFFFFFF  }
0xb3: {  	[dreg:$0x0] =	wrdreg $0x60  }
0xb4: {  	[dreg:$0x2] =	wrdreg s15  }
0xb5: {  	[dreg:$0x3] =	wrdreg s24  }
0xb6: {  	[dreg:$0x4] =	wrdreg s16  }
0xb7: {  	[dreg:$0x5] =	wrdreg $0x9  }
0xb8: {  	_ =	task.clear_ibuf [dreg:s8], $0x6FFFF;
	_ =	strace $0x90000049  }
0xb9: {  	s29 =	simm.s32 $0x9;
	_ =	strace $0x8000004B  }
0xba: {  	_ =	swait.ge [sflag:s29], $0x1  }
0xbb: {  	[sflag:s29] =	ssyncadd.s32 $0xFFFFFFFF  }
0xbc: {  	_ =	strace $0x9000004B  }
0xbd: {  	_ =	sfence  }
0xbe: {  	s30 =	sld [smem:$0x0];
	_ =	sdelay $0x2  }
0xbf: {  	s31 =	sshll.u32 s1, $0xD;
	s1 =	sshrl.u32 s1, $0x2  }
0xc0: {  	s3 =	sand.u32 $0x4000, s31;
	s1 =	sadd.s32 s1, s30  }
0xc1: {  	s0 =	sor.u32 s3, s0;
	s1 =	sshll.u32 s1, $0x11  }
0xc2: {  	s0 =	sor.u32 s1, s0  }
0xc3: {  	s0 =	sadd.s32 $0x8F2B, s0  }
0xc4: {  	[sflag:s0] =	ssyncadd.remote.s32 $0x1  }
0xc5: {  	_ =	sfence.sel $0xFFFF  }
0xc6: {  	[dreg:$0x0] =	wrdreg $0xFFFFFFFF;
	(pc) =	sbr.abs _section_cstart, $3  }
0xc7: {  	[dreg:$0x1] =	wrdreg $0xFFFFFFFF  }
0xc8: {  	_ =	task.clear_ibuf [dreg:s8], $0x2FFFF;
	_ =	strace $0x9FFFFFFF  }
0xc9: {  	(tm) =	ssettm $0x7FFFFFFF  }
tec
execute0_lowered:
.L_overlay_start_1:
0x0: {  	(tag) =	ssettag $0x1  }
0x1: {  	s2 =	srdreg.scid  }
0x2: {  	s1 =	rddreg [dreg:$0x0];
	s0 =	stileid.u32;
	s26 =	sand.u32 $0x1, s2  }
0x3: {  	s4 =	rddreg [dreg:$0x1];
	s31 =	sshll.u32 s0, $0xB;
	s3 =	sshll.u32 s26, $0xA  }
0x4: {  	s10 =	rddreg [dreg:$0x2];
	s11 =	sor.u32 s3, s31  }
0x5: {  	s2 =	rddreg [dreg:$0x3];
	s3 =	simm.s32 $0x0;
	s5 =	sshrl.u32 s11, $0x3  }
0x6: {  	[smem:$0x7FF] =	sst s3;
	s4 =	sadd.s32 s5, s4  }
0x7: {  	_ =	strace $0x8000004A;
	s5 =	simm.s32 $0x5;
	s4 =	sadd.s32 $0x1A000, s4  }
0x8: {  	[tilespmem:s3], [sflag:$0x5] =	stream.linear.gather [hbm4b:s4+s3], $0x400, $0x38;
	[tilespmem:$0x8400] =	vst v63  }
0x9: {  	_ =	swait.ge [sflag:s5], $0x400  }
0xa: {  	[sflag:s5] =	ssyncset.done $0x0  }
0xb: {  	s6 =	simm.s32 $0x80;
	s7 =	simm.s32 $0x400;
	[sflag:s5] =	ssyncadd.s32 $0xFFFFFC00  }
0xc: {  	[tilespmem:s7], [sflag:$0x1] =	stream.indirect.gather [hbm4b:s1+s6], $0x80, s3, s6, $0xb8;
	[tilespmem:$0x8400] =	vst v63  }
0xd: {  	s8 =	simm.s32 $0x4400;
	s9 =	simm.s32 $0x1  }
0xe: {  	[tilespmem:s8], [sflag:$0x2] =	stream.indirect.gather [hbm4b:s1+s6], $0x80, s6, s6, $0xb8;
	[tilespmem:$0x8400] =	vst v63  }
0xf: {  	s11 =	sshll.u32 s11, $0x4;
	_ =	swait.ge [sflag:s9], $0x4000  }
0x10: {  	s28 =	sadd.s32 s11, s10;
	[sflag:s9] =	ssyncset.done $0x0  }
0x11: {  	s11 =	simm.s32 $0x2;
	s10 =	sadd.s32 $0x100000, s28;
	[sflag:s9] =	ssyncadd.s32 $0xFFFFC000  }
0x12: {  	[hbm4b:s10+s3] =	stream.linear.scatter [tilespmem:s7], [sflag:$0x3], $0x4000, $0x38;
	[tilespmem:$0x8400] =	vst v63  }
0x13: {  	_ =	swait.ge [sflag:s11], $0x4000  }
0x14: {  	[sflag:s11] =	ssyncset.done $0x0  }
0x15: {  	s13 =	simm.s32 $0x3;
	s12 =	sadd.s32 $0x100800, s28;
	[sflag:s11] =	ssyncadd.s32 $0xFFFFC000  }
0x16: {  	[hbm4b:s12+s3] =	stream.linear.scatter [tilespmem:s8], [sflag:$0x4], $0x4000, $0x38;
	[tilespmem:$0x8400] =	vst v63  }
0x17: {  	_ =	swait.ge [sflag:s13], $0x4000  }
0x18: {  	[sflag:s13] =	ssyncset.done $0x0  }
0x19: {  	s15 =	simm.s32 $0x100;
	s14 =	simm.s32 $0x4;
	[sflag:s13] =	ssyncadd.s32 $0xFFFFC000  }
0x1a: {  	[tilespmem:s7], [sflag:$0x1] =	stream.indirect.gather [hbm4b:s1+s6], $0x80, s15, s6, $0xb8;
	[tilespmem:$0x8400] =	vst v63  }
0x1b: {  	_ =	swait.ge [sflag:s14], $0x4000  }
0x1c: {  	[sflag:s14] =	ssyncset.done $0x0  }
0x1d: {  	s16 =	simm.s32 $0x180;
	[sflag:s14] =	ssyncadd.s32 $0xFFFFC000  }
0x1e: {  	[tilespmem:s8], [sflag:$0x2] =	stream.indirect.gather [hbm4b:s1+s6], $0x80, s16, s6, $0xb8;
	[tilespmem:$0x8400] =	vst v63  }
0x1f: {  	_ =	swait.ge [sflag:s9], $0x4000  }
0x20: {  	[sflag:s9] =	ssyncset.done $0x0  }
0x21: {  	s17 =	sadd.s32 $0x101000, s28;
	[sflag:s9] =	ssyncadd.s32 $0xFFFFC000  }
0x22: {  	[hbm4b:s17+s3] =	stream.linear.scatter [tilespmem:s7], [sflag:$0x3], $0x4000, $0x38;
	[tilespmem:$0x8400] =	vst v63  }
0x23: {  	_ =	swait.ge [sflag:s11], $0x4000  }
0x24: {  	[sflag:s11] =	ssyncset.done $0x0  }
0x25: {  	s18 =	sadd.s32 $0x101800, s28;
	[sflag:s11] =	ssyncadd.s32 $0xFFFFC000  }
0x26: {  	[hbm4b:s18+s3] =	stream.linear.scatter [tilespmem:s8], [sflag:$0x4], $0x4000, $0x38;
	[tilespmem:$0x8400] =	vst v63  }
0x27: {  	_ =	swait.ge [sflag:s13], $0x4000  }
0x28: {  	[sflag:s13] =	ssyncset.done $0x0  }
0x29: {  	s19 =	simm.s32 $0x200;
	[sflag:s13] =	ssyncadd.s32 $0xFFFFC000  }
0x2a: {  	[tilespmem:s7], [sflag:$0x1] =	stream.indirect.gather [hbm4b:s1+s6], $0x80, s19, s6, $0xb8;
	[tilespmem:$0x8400] =	vst v63  }
0x2b: {  	_ =	swait.ge [sflag:s14], $0x4000  }
0x2c: {  	[sflag:s14] =	ssyncset.done $0x0  }
0x2d: {  	s20 =	simm.s32 $0x280;
	[sflag:s14] =	ssyncadd.s32 $0xFFFFC000  }
0x2e: {  	[tilespmem:s8], [sflag:$0x2] =	stream.indirect.gather [hbm4b:s1+s6], $0x80, s20, s6, $0xb8;
	[tilespmem:$0x8400] =	vst v63  }
0x2f: {  	_ =	swait.ge [sflag:s9], $0x4000  }
0x30: {  	[sflag:s9] =	ssyncset.done $0x0  }
0x31: {  	s21 =	sadd.s32 $0x102000, s28;
	[sflag:s9] =	ssyncadd.s32 $0xFFFFC000  }
0x32: {  	[hbm4b:s21+s3] =	stream.linear.scatter [tilespmem:s7], [sflag:$0x3], $0x4000, $0x38;
	[tilespmem:$0x8400] =	vst v63  }
0x33: {  	_ =	swait.ge [sflag:s11], $0x4000  }
0x34: {  	[sflag:s11] =	ssyncset.done $0x0  }
0x35: {  	s22 =	sadd.s32 $0x102800, s28;
	[sflag:s11] =	ssyncadd.s32 $0xFFFFC000  }
0x36: {  	[hbm4b:s22+s3] =	stream.linear.scatter [tilespmem:s8], [sflag:$0x4], $0x4000, $0x38;
	[tilespmem:$0x8400] =	vst v63  }
0x37: {  	_ =	swait.ge [sflag:s13], $0x4000  }
0x38: {  	[sflag:s13] =	ssyncset.done $0x0  }
0x39: {  	s23 =	simm.s32 $0x300;
	[sflag:s13] =	ssyncadd.s32 $0xFFFFC000  }
0x3a: {  	[tilespmem:s7], [sflag:$0x1] =	stream.indirect.gather [hbm4b:s1+s6], $0x80, s23, s6, $0xb8;
	[tilespmem:$0x8400] =	vst v63  }
0x3b: {  	_ =	swait.ge [sflag:s14], $0x4000  }
0x3c: {  	[sflag:s14] =	ssyncset.done $0x0  }
0x3d: {  	s24 =	simm.s32 $0x380;
	[sflag:s14] =	ssyncadd.s32 $0xFFFFC000  }
0x3e: {  	[tilespmem:s8], [sflag:$0x2] =	stream.indirect.gather [hbm4b:s1+s6], $0x80, s24, s6, $0xb8;
	[tilespmem:$0x8400] =	vst v63  }
0x3f: {  	_ =	swait.ge [sflag:s9], $0x4000  }
0x40: {  	s29 =	ssub.s32 $0x2, s26;
	s25 =	sadd.s32 $0x103000, s28;
	[sflag:s9] =	ssyncset.done $0x0  }
0x41: {  	s26 =	sadd.s32 $0x103800, s28;
	s28 =	sshrl.u32 s29, $0x1;
	[sflag:s9] =	ssyncadd.s32 $0xFFFFC000  }
0x42: {  	[hbm4b:s25+s3] =	stream.linear.scatter [tilespmem:s7], [sflag:$0x3], $0x4000, $0x38;
	[tilespmem:$0x8400] =	vst v63  }
0x43: {  	s28 =	ssub.s32 s29, s28;
	_ =	swait.ge [sflag:s11], $0x4000  }
0x44: {  	s28 =	smax.u32 s28, $0x1;
	[sflag:s11] =	ssyncset.done $0x0  }
0x45: {  	p0 =	sne.s32 s28, $0x1;
	[sflag:s11] =	ssyncadd.s32 $0xFFFFC000  }
0x46: {  	[hbm4b:s26+s3] =	stream.linear.scatter [tilespmem:s8], [sflag:$0x4], $0x4000, $0x38;
	[tilespmem:$0x8400] =	vst v63  }
.Ltmp0:
0x47: {  	_ =	swait.ge [sflag:s13], $0x4000;
	(pc) =	sbr.rel @!p0 .LBB2_2-.Ltmp0, $4  }
0x48: {  	[sflag:s13] =	ssyncset.done $0x0  }
0x49: {  	[sflag:s13] =	ssyncadd.s32 $0xFFFFC000  }
0x4a: {  	_ =	swait.ge [sflag:s14], $0x4000  }
0x4b: {  	s28 =	sadd.s32 $0xFFFFFFFF, s28;
	[sflag:s14] =	ssyncset.done $0x0  }
.LBB2_1:
0x4c: {  	p0 =	sne.s32 s28, $0x1;
	s28 =	sadd.s32 $0xFFFFFFFF, s28;
	[sflag:s14] =	ssyncadd.s32 $0xFFFFC000  }
0x4d: {  	[tilespmem:s3], [sflag:$0x5] =	stream.linear.gather [hbm4b:s4+s3], $0x400, $0x38;
	[tilespmem:$0x8400] =	vst v63  }
0x4e: {  	_ =	swait.ge [sflag:s5], $0x400  }
0x4f: {  	[sflag:s5] =	ssyncset.done $0x0  }
0x50: {  	[sflag:s5] =	ssyncadd.s32 $0xFFFFFC00  }
0x51: {  	[tilespmem:s7], [sflag:$0x1] =	stream.indirect.gather [hbm4b:s1+s6], $0x80, s3, s6, $0xb8;
	[tilespmem:$0x8400] =	vst v63  }
0x52: {  	_ = 	snop  }
0x53: {  	[tilespmem:s8], [sflag:$0x2] =	stream.indirect.gather [hbm4b:s1+s6], $0x80, s6, s6, $0xb8;
	[tilespmem:$0x8400] =	vst v63  }
0x54: {  	_ =	swait.ge [sflag:s9], $0x4000  }
0x55: {  	[sflag:s9] =	ssyncset.done $0x0  }
0x56: {  	[sflag:s9] =	ssyncadd.s32 $0xFFFFC000  }
0x57: {  	[hbm4b:s10+s3] =	stream.linear.scatter [tilespmem:s7], [sflag:$0x3], $0x4000, $0x38;
	[tilespmem:$0x8400] =	vst v63  }
0x58: {  	_ =	swait.ge [sflag:s11], $0x4000  }
0x59: {  	[sflag:s11] =	ssyncset.done $0x0  }
0x5a: {  	[sflag:s11] =	ssyncadd.s32 $0xFFFFC000  }
0x5b: {  	[hbm4b:s12+s3] =	stream.linear.scatter [tilespmem:s8], [sflag:$0x4], $0x4000, $0x38;
	[tilespmem:$0x8400] =	vst v63  }
0x5c: {  	_ =	swait.ge [sflag:s13], $0x4000  }
0x5d: {  	[sflag:s13] =	ssyncset.done $0x0  }
0x5e: {  	[sflag:s13] =	ssyncadd.s32 $0xFFFFC000  }
0x5f: {  	[tilespmem:s7], [sflag:$0x1] =	stream.indirect.gather [hbm4b:s1+s6], $0x80, s15, s6, $0xb8;
	[tilespmem:$0x8400] =	vst v63  }
0x60: {  	_ =	swait.ge [sflag:s14], $0x4000  }
0x61: {  	[sflag:s14] =	ssyncset.done $0x0  }
0x62: {  	[sflag:s14] =	ssyncadd.s32 $0xFFFFC000  }
0x63: {  	[tilespmem:s8], [sflag:$0x2] =	stream.indirect.gather [hbm4b:s1+s6], $0x80, s16, s6, $0xb8;
	[tilespmem:$0x8400] =	vst v63  }
0x64: {  	_ =	swait.ge [sflag:s9], $0x4000  }
0x65: {  	[sflag:s9] =	ssyncset.done $0x0  }
0x66: {  	[sflag:s9] =	ssyncadd.s32 $0xFFFFC000  }
0x67: {  	[hbm4b:s17+s3] =	stream.linear.scatter [tilespmem:s7], [sflag:$0x3], $0x4000, $0x38;
	[tilespmem:$0x8400] =	vst v63  }
0x68: {  	_ =	swait.ge [sflag:s11], $0x4000  }
0x69: {  	[sflag:s11] =	ssyncset.done $0x0  }
0x6a: {  	[sflag:s11] =	ssyncadd.s32 $0xFFFFC000  }
0x6b: {  	[hbm4b:s18+s3] =	stream.linear.scatter [tilespmem:s8], [sflag:$0x4], $0x4000, $0x38;
	[tilespmem:$0x8400] =	vst v63  }
0x6c: {  	_ =	swait.ge [sflag:s13], $0x4000  }
0x6d: {  	[sflag:s13] =	ssyncset.done $0x0  }
0x6e: {  	[sflag:s13] =	ssyncadd.s32 $0xFFFFC000  }
0x6f: {  	[tilespmem:s7], [sflag:$0x1] =	stream.indirect.gather [hbm4b:s1+s6], $0x80, s19, s6, $0xb8;
	[tilespmem:$0x8400] =	vst v63  }
0x70: {  	_ =	swait.ge [sflag:s14], $0x4000  }
0x71: {  	[sflag:s14] =	ssyncset.done $0x0  }
0x72: {  	[sflag:s14] =	ssyncadd.s32 $0xFFFFC000  }
0x73: {  	[tilespmem:s8], [sflag:$0x2] =	stream.indirect.gather [hbm4b:s1+s6], $0x80, s20, s6, $0xb8;
	[tilespmem:$0x8400] =	vst v63  }
0x74: {  	_ =	swait.ge [sflag:s9], $0x4000  }
0x75: {  	[sflag:s9] =	ssyncset.done $0x0  }
0x76: {  	[sflag:s9] =	ssyncadd.s32 $0xFFFFC000  }
0x77: {  	[hbm4b:s21+s3] =	stream.linear.scatter [tilespmem:s7], [sflag:$0x3], $0x4000, $0x38;
	[tilespmem:$0x8400] =	vst v63  }
0x78: {  	_ =	swait.ge [sflag:s11], $0x4000  }
0x79: {  	[sflag:s11] =	ssyncset.done $0x0  }
0x7a: {  	[sflag:s11] =	ssyncadd.s32 $0xFFFFC000  }
0x7b: {  	[hbm4b:s22+s3] =	stream.linear.scatter [tilespmem:s8], [sflag:$0x4], $0x4000, $0x38;
	[tilespmem:$0x8400] =	vst v63  }
0x7c: {  	_ =	swait.ge [sflag:s13], $0x4000  }
0x7d: {  	[sflag:s13] =	ssyncset.done $0x0  }
0x7e: {  	[sflag:s13] =	ssyncadd.s32 $0xFFFFC000  }
0x7f: {  	[tilespmem:s7], [sflag:$0x1] =	stream.indirect.gather [hbm4b:s1+s6], $0x80, s23, s6, $0xb8;
	[tilespmem:$0x8400] =	vst v63  }
0x80: {  	_ =	swait.ge [sflag:s14], $0x4000  }
0x81: {  	[sflag:s14] =	ssyncset.done $0x0  }
0x82: {  	[sflag:s14] =	ssyncadd.s32 $0xFFFFC000  }
0x83: {  	[tilespmem:s8], [sflag:$0x2] =	stream.indirect.gather [hbm4b:s1+s6], $0x80, s24, s6, $0xb8;
	[tilespmem:$0x8400] =	vst v63  }
0x84: {  	_ =	swait.ge [sflag:s9], $0x4000  }
0x85: {  	[sflag:s9] =	ssyncset.done $0x0  }
0x86: {  	[sflag:s9] =	ssyncadd.s32 $0xFFFFC000  }
0x87: {  	[hbm4b:s25+s3] =	stream.linear.scatter [tilespmem:s7], [sflag:$0x3], $0x4000, $0x38;
	[tilespmem:$0x8400] =	vst v63  }
0x88: {  	_ =	swait.ge [sflag:s11], $0x4000  }
0x89: {  	[sflag:s11] =	ssyncset.done $0x0  }
0x8a: {  	[sflag:s11] =	ssyncadd.s32 $0xFFFFC000  }
0x8b: {  	[hbm4b:s26+s3] =	stream.linear.scatter [tilespmem:s8], [sflag:$0x4], $0x4000, $0x38;
	[tilespmem:$0x8400] =	vst v63  }
.Ltmp1:
0x8c: {  	_ =	swait.ge [sflag:s13], $0x4000;
	(pc) =	sbr.rel @p0 .LBB2_1-.Ltmp1, $4  }
0x8d: {  	[sflag:s13] =	ssyncset.done $0x0  }
0x8e: {  	[sflag:s13] =	ssyncadd.s32 $0xFFFFC000  }
0x8f: {  	_ =	swait.ge [sflag:s14], $0x4000  }
0x90: {  	[sflag:s14] =	ssyncset.done $0x0  }
.LBB2_2:
0x91: {  	[sflag:s14] =	ssyncadd.s32 $0xFFFFC000  }
0x92: {  	_ =	sfence.sel $0x180000  }
0x93: {  	[bflag:$0x0] =	sbarrier.arrive $0xFFFF  }
0x94: {  	p0 =	sne.s32 s0, $0x0;
	_ =	strace $0x9000004A  }
0x95: {  	s0 =	sadd.s32 @!p0 $0x100000, s2;
	[bflag:$0x2] =	sbarrier.arrive $0xFFFF  }
0x96: {  	[sflag:s0] =	ssyncadd.tile.s32 @!p0 $0x1;
	_ =	shalt  }
.Lfunc_end2:
_tile_overlayer_lowered:
.L_overlay_start_2:
0x97: {  	(tag) =	ssettag $0x2  }
0x98: {  	s0 =	rddreg [dreg:$0x0];
	s2 =	stileid.u32  }
0x99: {  	s1 =	rddreg [dreg:$0x1];
	p0 =	sne.s32 s2, $0x0  }
0x9a: {  	s3 =	rddreg [dreg:$0x2];
	[bflag:$0x3] =	sbarrier.arrive $0xFFFF;
	s2 =	simm.s32 @!p0 $0x1C05  }
0x9b: {  	[timem:s3], [sflag:s2] =	dma.local @!p0 [hbm:s0], s1  }
0x9c: {  	s0 =	simm.s32 @!p0 $0x5  }
0x9d: {  	_ =	swait.ge @!p0 [sflag:s0], s1  }
0x9e: {  	s1 =	ssub.s32 @!p0 $0x0, s1;
	[sflag:s0] =	ssyncset.done @!p0 $0x0  }
0x9f: {  	[sflag:s0] =	ssyncadd.s32 @!p0 s1  }
0xa0: {  	[bflag:$0x3] =	sbarrier.arrive $0xFFFF  }
0xa1: {  	_ =	shalt  }

// kernel: kernel.14.cloned.1.call-start
scs
__scs_entry_jumppad:
0x0: {  	(pc) =	sbr.rel $0x88, $3  }
0x1: {  	(tag) =	ssettag $0x0;
	lr =	simm.s32 $0x1  }
0x2: {  	[smem:$0x3F9F] =	sst lr;
	_ =	strace $0xD0000000  }
0x3: {  	_ = 	snop  }
0x4: {  	_ = 	snop  }
0x5: {  	_ = 	snop  }
0x6: {  	_ = 	snop  }
0x7: {  	_ = 	snop  }
__scs_overlays_trampoline_lowered:
0x8: {  	[smem:$0x3FAE] =	sst s0  }
0x9: {  	[smem:$0x3FAF] =	sst s1  }
0xa: {  	[smem:$0x3FB0] =	sst s2  }
0xb: {  	[smem:$0x3FB1] =	sst s3  }
0xc: {  	[smem:$0x3FB2] =	sst s4  }
0xd: {  	[smem:$0x3FB3] =	sst s5  }
0xe: {  	[smem:$0x3FB4] =	sst s6  }
0xf: {  	[smem:$0x3FB5] =	sst s7  }
0x10: {  	[smem:$0x3FB6] =	sst s8  }
0x11: {  	[smem:$0x3FB7] =	sst s9;
	s0 =	simm.s32 @!p0 $0x0  }
0x12: {  	s1 =	sld [smem:$0x3F9D];
	s0 =	simm.s32 @p0 $0x1  }
0x13: {  	[smem:$0x3FB8] =	sst s0;
	s0 =	simm.s32 @!p1 $0x0  }
0x14: {  	s2 =	sld [smem:$0x3F9C];
	s0 =	simm.s32 @p1 $0x1  }
0x15: {  	[smem:$0x3FB9] =	sst s0;
	s0 =	simm.s32 @!p2 $0x0  }
0x16: {  	s3 =	sld [smem:$0x3FDB];
	s0 =	simm.s32 @p2 $0x1  }
0x17: {  	s4 =	simm.s32 $0x1BF5;
	[smem:$0x3FBB] =	sst s0  }
0x18: {  	s0 =	sld [smem:$0x3F9E];
	_ =	swait.ge [sflag:s4], $0x0  }
0x19: {  	s7 =	sld [smem:$0x3F9F]  }
0x1a: {  	s8 =	sadd.s32 $0xFFFFE003, lr  }
0x1b: {  	s9 =	sadd.s32 $0xFFFFFEF7, lr;
	s5 =	simm.s32 $0xFFFFFFFF;
	p2 =	slt.u32 s8, $0xFFFFF086  }
0x1c: {  	p1 =	slt.u32 s9, $0xF7A;
	s5 =	simm.s32 @!p2 $0x0  }
0x1d: {  	s5 =	simm.s32 @p1 $0x1;
	p0 =	seq.s32 s7, s2  }
0x1e: {  	s7 =	smul.u32 @!p0 $0xF7A, s2;
	p2 =	seq.s32 @!p0 s5, $0x0  }
0x1f: {  	s9 =	smul.u32 $0xF7A, s1;
	s8 =	simm.s32 @!p0 $0x1BF5;
	p2 =	por !p2, p0  }
0x20: {  	[sflag:s8] =	ssyncset.s32 @!p0 $0xFFFFF086;
	s6 =	sadd.s32 @!p0 s3, s7;
	s7 =	simm.s32 @!p0 $0x108  }
0x21: {  	s3 =	sadd.s32 s3, s9;
	s6 =	sadd.s32 @!p0 $0x88, s6;
	s7 =	simm.s32 @p2 $0x1082  }
0x22: {  	[simem:s7], [sflag:s8] =	dma.local @!p0 [hbm:s6], $0xF7A  }
0x23: {  	s9 =	sor.u32 $0xD0000000, s2;
	s6 =	simm.s32 $0x108;
	_ =	swait.ge @!p0 [sflag:s8], $0x0  }
0x24: {  	s3 =	sadd.s32 $0x88, s3;
	s6 =	simm.s32 @!p1 $0x1082;
	[sflag:s4] =	ssyncset.s32 $0xFFFFF086  }
0x25: {  	[simem:s6], [sflag:s4] =	dma.local [hbm:s3], $0xF7A  }
0x26: {  	[smem:$0x3F9F] =	sst s1;
	(tag) =	ssettag s2;
	_ =	strace s9  }
0x27: {  	s1 =	sld [smem:$0x3FAF]  }
0x28: {  	s2 =	sld [smem:$0x3FB0]  }
0x29: {  	s4 =	sld [smem:$0x3FB2]  }
0x2a: {  	p0 =	seq.s32 s5, $0x0;
	s5 =	sld [smem:$0x3FB3]  }
0x2b: {  	s6 =	sld [smem:$0x3FB4]  }
0x2c: {  	s7 =	sld [smem:$0x3FB5]  }
0x2d: {  	s3 =	simm.s32 $0x108;
	s8 =	sld [smem:$0x3FB6]  }
0x2e: {  	s3 =	simm.s32 @!p0 $0x1082;
	s9 =	sld [smem:$0x3FB7]  }
0x2f: {  	lr =	sadd.s32 s0, s3;
	s0 =	sld [smem:$0x3FAE]  }
0x30: {  	s3 =	sld [smem:$0x3FB1]  }
0x31: {  	[smem:$0x3FBA] =	sst s10  }
0x32: {  	s10 =	sld [smem:$0x3FB8];
	_ =	sdelay $0x3  }
0x33: {  	p0 =	seq.s32 s10, $0x1;
	s10 =	sld [smem:$0x3FBA];
	_ =	sdelay $0x3  }
0x34: {  	[smem:$0x3FBA] =	sst s10  }
0x35: {  	s10 =	sld [smem:$0x3FB9];
	_ =	sdelay $0x3  }
0x36: {  	p1 =	seq.s32 s10, $0x1;
	s10 =	sld [smem:$0x3FBA];
	_ =	sdelay $0x3  }
0x37: {  	[smem:$0x3FBA] =	sst s10  }
0x38: {  	s10 =	sld [smem:$0x3FBB]  }
0x39: {  	_ = 	snop;
	(pc) =	sbr.ind lr, $3  }
0x3a: {  	_ = 	snop  }
0x3b: {  	_ = 	snop  }
0x3c: {  	p2 =	seq.s32 s10, $0x1;
	s10 =	sld [smem:$0x3FBA]  }
0x3d: {  	_ =	shalt  }
0x3e: {  	_ =	shalt  }
0x3f: {  	_ =	shalt  }
0x40: {  	_ =	shalt  }
0x41: {  	_ =	shalt  }
0x42: {  	_ =	shalt  }
0x43: {  	_ =	shalt  }
0x44: {  	_ =	shalt  }
0x45: {  	_ =	shalt  }
0x46: {  	_ =	shalt  }
0x47: {  	_ =	shalt  }
0x48: {  	_ =	shalt  }
0x49: {  	_ =	shalt  }
0x4a: {  	_ =	shalt  }
0x4b: {  	_ =	shalt  }
0x4c: {  	_ =	shalt  }
0x4d: {  	_ =	shalt  }
0x4e: {  	_ =	shalt  }
0x4f: {  	_ =	shalt  }
0x50: {  	_ =	shalt  }
0x51: {  	_ =	shalt  }
0x52: {  	_ =	shalt  }
0x53: {  	_ =	shalt  }
0x54: {  	_ =	shalt  }
0x55: {  	_ =	shalt  }
0x56: {  	_ =	shalt  }
0x57: {  	_ =	shalt  }
0x58: {  	_ =	shalt  }
0x59: {  	_ =	shalt  }
0x5a: {  	_ =	shalt  }
0x5b: {  	_ =	shalt  }
0x5c: {  	_ =	shalt  }
0x5d: {  	_ =	shalt  }
0x5e: {  	_ =	shalt  }
0x5f: {  	_ =	shalt  }
0x60: {  	_ =	shalt  }
0x61: {  	_ =	shalt  }
0x62: {  	_ =	shalt  }
0x63: {  	_ =	shalt  }
0x64: {  	_ =	shalt  }
0x65: {  	_ =	shalt  }
0x66: {  	_ =	shalt  }
0x67: {  	_ =	shalt  }
0x68: {  	_ =	shalt  }
0x69: {  	_ =	shalt  }
0x6a: {  	_ =	shalt  }
0x6b: {  	_ =	shalt  }
0x6c: {  	_ =	shalt  }
0x6d: {  	_ =	shalt  }
0x6e: {  	_ =	shalt  }
0x6f: {  	_ =	shalt  }
0x70: {  	_ =	shalt  }
0x71: {  	_ =	shalt  }
0x72: {  	_ =	shalt  }
0x73: {  	_ =	shalt  }
0x74: {  	_ =	shalt  }
0x75: {  	_ =	shalt  }
0x76: {  	_ =	shalt  }
0x77: {  	_ =	shalt  }
0x78: {  	_ =	shalt  }
0x79: {  	_ =	shalt  }
0x7a: {  	_ =	shalt  }
0x7b: {  	_ =	shalt  }
0x7c: {  	_ =	shalt  }
0x7d: {  	_ =	shalt  }
0x7e: {  	_ =	shalt  }
0x7f: {  	_ =	shalt  }
0x80: {  	_ =	shalt  }
0x81: {  	_ =	shalt  }
0x82: {  	_ =	shalt  }
0x83: {  	_ =	shalt  }
0x84: {  	_ =	shalt  }
0x85: {  	_ =	shalt  }
0x86: {  	_ =	shalt  }
0x87: {  	_ =	shalt  }
.Lfunc_end0:
.L_simem_size_0:
called_computation.2_lowered:
.L_overlay_start_0:
0x88: {  	s2 =	sld [smem:$0x3FD9]  }
0x89: {  	s3 =	sld [smem:$0x3FFE];
	_ =	sdelay $0x1  }
0x8a: {  	s1 =	srdreg.scid  }
0x8b: {  	s0 =	sand.u32 $0x1, s1  }
0x8c: {  	s14 =	sshll.u32 s0, $0xA;
	s2 =	sadd.s32 s3, s2  }
0x8d: {  	s2 =	sadd.s32 s2, s14  }
0x8e: {  	[smem:$0x3FC6] =	sst s2  }
0x8f: {  	_ = 	snop  }
0x90: {  	s2 =	sld [smem:$0x3FD0];
	_ =	sdelay $0x2  }
0x91: {  	s4 =	simm.s32 $0xA;
	s5 =	simm.s32 $0x10;
	s15 =	sld [smem:$0x3FC8]  }
0x92: {  	[smem:s5], [sflag:s4] =	dma.local [hbm:s2], $0x1  }
0x93: {  	_ =	swait.eq [sflag:s4], $0x1  }
0x94: {  	[sflag:s4] =	ssyncset.done $0x0  }
0x95: {  	[sflag:s4] =	ssyncadd.s32 $0xFFFFFFFF  }
0x96: {  	s16 =	sld [smem:$0x11];
	(tm) =	ssettm $0x1  }
0x97: {  	s17 =	sld [smem:$0x3FFB];
	_ =	sdelay $0x3  }
0x98: {  	_ =	strace s17  }
0x99: {  	s4 =	sld [smem:$0x3FFC];
	_ =	sdelay $0x3  }
0x9a: {  	_ =	strace s4  }
0x9b: {  	s4 =	sld [smem:$0x3FFD];
	_ =	sdelay $0x3  }
0x9c: {  	_ =	strace s4  }
0x9d: {  	_ =	strace $0x8FFFFFFF  }
0x9e: {  	s18 =	sld [smem:$0x3FDB];
	_ =	sdelay $0x1  }
0x9f: {  	s19 =	simm.s32 $_scs_section_size  }
0xa0: {  	s6 =	simm.s32 $_size__tile_overlayer_lowered;
	s7 =	simm.s32 $_tile_overlayer_lowered  }
0xa1: {  	s22 =	simm.s32 $0x1BFF;
	s21 =	sshll.u32 s7, $0x1;
	s4 =	sadd.s32 s19, s18  }
0xa2: {  	s8 =	simm.s32 $0x0;
	s20 =	sshll.u32 s6, $0x1;
	s6 =	sadd.s32 s21, s4  }
0xa3: {  	[timem:s8], [sflag:s22] =	dma.local [hbm:s6], s20  }
0xa4: {  	_ =	swait.ge [sflag:s22], s20  }
0xa5: {  	s5 =	ssub.s32 $0x0, s20;
	[sflag:s22] =	ssyncset.done $0x0  }
0xa6: {  	[sflag:s22] =	ssyncadd.s32 s5;
	_ =	sdelay $0x1  }
0xa7: {  	s23 =	simm.s32 $0x1B8B  }
0xa8: {  	_ =	swait.ge [sflag:s23], $0x1  }
0xa9: {  	[sflag:s23] =	ssyncset.done $0x0  }
0xaa: {  	s25 =	simm.s32 $0x1B8E;
	s24 =	sld [smem:$0x3FFE];
	[sflag:s23] =	ssyncadd.s32 $0xFFFFFFFF  }
0xab: {  	s26 =	simm.s32 $execute0_lowered;
	[smem:$0x3FD2] =	sst s25  }
0xac: {  	s6 =	sshll.u32 s26, $0x1;
	_ =	strace $0x8000004C;
	[dreg:$0x1] =	wrdreg $0xFFFFFFFF  }
0xad: {  	s28 =	simm.s32 $_size_execute0_lowered;
	s4 =	sadd.s32 s4, s6;
	[dreg:$0x0] =	wrdreg $0x0  }
0xae: {  	s6 =	sshll.u32 s28, $0x1;
	[dreg:$0x2] =	wrdreg s4  }
0xaf: {  	[dreg:$0x3] =	wrdreg s6  }
0xb0: {  	[dreg:$0x4] =	wrdreg $0xC0  }
0xb1: {  	_ =	task [dreg:s8], $0x5FFFF  }
0xb2: {  	[dreg:$0x1] =	wrdreg $0xFFFFFFFF  }
0xb3: {  	[dreg:$0x0] =	wrdreg $0x60  }
0xb4: {  	[dreg:$0x2] =	wrdreg s15  }
0xb5: {  	[dreg:$0x3] =	wrdreg s24  }
0xb6: {  	[dreg:$0x4] =	wrdreg s16  }
0xb7: {  	[dreg:$0x5] =	wrdreg $0x9  }
0xb8: {  	_ =	task.clear_ibuf [dreg:s8], $0x6FFFF;
	_ =	strace $0x9000004C  }
0xb9: {  	s29 =	simm.s32 $0x9;
	_ =	strace $0x8000004E  }
0xba: {  	_ =	swait.ge [sflag:s29], $0x1  }
0xbb: {  	[sflag:s29] =	ssyncadd.s32 $0xFFFFFFFF  }
0xbc: {  	_ =	strace $0x9000004E  }
0xbd: {  	_ =	sfence  }
0xbe: {  	s30 =	sld [smem:$0x0];
	_ =	sdelay $0x2  }
0xbf: {  	s31 =	sshll.u32 s1, $0xD;
	s1 =	sshrl.u32 s1, $0x2  }
0xc0: {  	s3 =	sand.u32 $0x4000, s31;
	s1 =	sadd.s32 s1, s30  }
0xc1: {  	s0 =	sor.u32 s3, s0;
	s1 =	sshll.u32 s1, $0x11  }
0xc2: {  	s0 =	sor.u32 s1, s0  }
0xc3: {  	s0 =	sadd.s32 $0x8F2B, s0  }
0xc4: {  	[sflag:s0] =	ssyncadd.remote.s32 $0x1  }
0xc5: {  	_ =	sfence.sel $0xFFFF  }
0xc6: {  	[dreg:$0x0] =	wrdreg $0xFFFFFFFF;
	(pc) =	sbr.abs _section_cstart, $3  }
0xc7: {  	[dreg:$0x1] =	wrdreg $0xFFFFFFFF  }
0xc8: {  	_ =	task.clear_ibuf [dreg:s8], $0x2FFFF;
	_ =	strace $0x9FFFFFFF  }
0xc9: {  	(tm) =	ssettm $0x7FFFFFFF  }
tec
execute0_lowered:
.L_overlay_start_1:
0x0: {  	(tag) =	ssettag $0x1  }
0x1: {  	s2 =	srdreg.scid  }
0x2: {  	s1 =	rddreg [dreg:$0x0];
	s0 =	stileid.u32;
	s26 =	sand.u32 $0x1, s2  }
0x3: {  	s4 =	rddreg [dreg:$0x1];
	s31 =	sshll.u32 s0, $0xB;
	s3 =	sshll.u32 s26, $0xA  }
0x4: {  	s10 =	rddreg [dreg:$0x2];
	s11 =	sor.u32 s3, s31  }
0x5: {  	s2 =	rddreg [dreg:$0x3];
	s3 =	simm.s32 $0x0;
	s5 =	sshrl.u32 s11, $0x3  }
0x6: {  	[smem:$0x7FF] =	sst s3;
	s4 =	sadd.s32 s5, s4  }
0x7: {  	_ =	strace $0x8000004D;
	s5 =	simm.s32 $0x5;
	s4 =	sadd.s32 $0x1B000, s4  }
0x8: {  	[tilespmem:s3], [sflag:$0x5] =	stream.linear.gather [hbm4b:s4+s3], $0x400, $0x38;
	[tilespmem:$0x8400] =	vst v63  }
0x9: {  	_ =	swait.ge [sflag:s5], $0x400  }
0xa: {  	[sflag:s5] =	ssyncset.done $0x0  }
0xb: {  	s6 =	simm.s32 $0x80;
	s7 =	simm.s32 $0x400;
	[sflag:s5] =	ssyncadd.s32 $0xFFFFFC00  }
0xc: {  	[tilespmem:s7], [sflag:$0x1] =	stream.indirect.gather [hbm4b:s1+s6], $0x80, s3, s6, $0xb8;
	[tilespmem:$0x8400] =	vst v63  }
0xd: {  	s8 =	simm.s32 $0x4400;
	s9 =	simm.s32 $0x1  }
0xe: {  	[tilespmem:s8], [sflag:$0x2] =	stream.indirect.gather [hbm4b:s1+s6], $0x80, s6, s6, $0xb8;
	[tilespmem:$0x8400] =	vst v63  }
0xf: {  	s11 =	sshll.u32 s11, $0x4;
	_ =	swait.ge [sflag:s9], $0x4000  }
0x10: {  	s28 =	sadd.s32 s11, s10;
	[sflag:s9] =	ssyncset.done $0x0  }
0x11: {  	s11 =	simm.s32 $0x2;
	s10 =	sadd.s32 $0x180000, s28;
	[sflag:s9] =	ssyncadd.s32 $0xFFFFC000  }
0x12: {  	[hbm4b:s10+s3] =	stream.linear.scatter [tilespmem:s7], [sflag:$0x3], $0x4000, $0x38;
	[tilespmem:$0x8400] =	vst v63  }
0x13: {  	_ =	swait.ge [sflag:s11], $0x4000  }
0x14: {  	[sflag:s11] =	ssyncset.done $0x0  }
0x15: {  	s13 =	simm.s32 $0x3;
	s12 =	sadd.s32 $0x180800, s28;
	[sflag:s11] =	ssyncadd.s32 $0xFFFFC000  }
0x16: {  	[hbm4b:s12+s3] =	stream.linear.scatter [tilespmem:s8], [sflag:$0x4], $0x4000, $0x38;
	[tilespmem:$0x8400] =	vst v63  }
0x17: {  	_ =	swait.ge [sflag:s13], $0x4000  }
0x18: {  	[sflag:s13] =	ssyncset.done $0x0  }
0x19: {  	s15 =	simm.s32 $0x100;
	s14 =	simm.s32 $0x4;
	[sflag:s13] =	ssyncadd.s32 $0xFFFFC000  }
0x1a: {  	[tilespmem:s7], [sflag:$0x1] =	stream.indirect.gather [hbm4b:s1+s6], $0x80, s15, s6, $0xb8;
	[tilespmem:$0x8400] =	vst v63  }
0x1b: {  	_ =	swait.ge [sflag:s14], $0x4000  }
0x1c: {  	[sflag:s14] =	ssyncset.done $0x0  }
0x1d: {  	s16 =	simm.s32 $0x180;
	[sflag:s14] =	ssyncadd.s32 $0xFFFFC000  }
0x1e: {  	[tilespmem:s8], [sflag:$0x2] =	stream.indirect.gather [hbm4b:s1+s6], $0x80, s16, s6, $0xb8;
	[tilespmem:$0x8400] =	vst v63  }
0x1f: {  	_ =	swait.ge [sflag:s9], $0x4000  }
0x20: {  	[sflag:s9] =	ssyncset.done $0x0  }
0x21: {  	s17 =	sadd.s32 $0x181000, s28;
	[sflag:s9] =	ssyncadd.s32 $0xFFFFC000  }
0x22: {  	[hbm4b:s17+s3] =	stream.linear.scatter [tilespmem:s7], [sflag:$0x3], $0x4000, $0x38;
	[tilespmem:$0x8400] =	vst v63  }
0x23: {  	_ =	swait.ge [sflag:s11], $0x4000  }
0x24: {  	[sflag:s11] =	ssyncset.done $0x0  }
0x25: {  	s18 =	sadd.s32 $0x181800, s28;
	[sflag:s11] =	ssyncadd.s32 $0xFFFFC000  }
0x26: {  	[hbm4b:s18+s3] =	stream.linear.scatter [tilespmem:s8], [sflag:$0x4], $0x4000, $0x38;
	[tilespmem:$0x8400] =	vst v63  }
0x27: {  	_ =	swait.ge [sflag:s13], $0x4000  }
0x28: {  	[sflag:s13] =	ssyncset.done $0x0  }
0x29: {  	s19 =	simm.s32 $0x200;
	[sflag:s13] =	ssyncadd.s32 $0xFFFFC000  }
0x2a: {  	[tilespmem:s7], [sflag:$0x1] =	stream.indirect.gather [hbm4b:s1+s6], $0x80, s19, s6, $0xb8;
	[tilespmem:$0x8400] =	vst v63  }
0x2b: {  	_ =	swait.ge [sflag:s14], $0x4000  }
0x2c: {  	[sflag:s14] =	ssyncset.done $0x0  }
0x2d: {  	s20 =	simm.s32 $0x280;
	[sflag:s14] =	ssyncadd.s32 $0xFFFFC000  }
0x2e: {  	[tilespmem:s8], [sflag:$0x2] =	stream.indirect.gather [hbm4b:s1+s6], $0x80, s20, s6, $0xb8;
	[tilespmem:$0x8400] =	vst v63  }
0x2f: {  	_ =	swait.ge [sflag:s9], $0x4000  }
0x30: {  	[sflag:s9] =	ssyncset.done $0x0  }
0x31: {  	s21 =	sadd.s32 $0x182000, s28;
	[sflag:s9] =	ssyncadd.s32 $0xFFFFC000  }
0x32: {  	[hbm4b:s21+s3] =	stream.linear.scatter [tilespmem:s7], [sflag:$0x3], $0x4000, $0x38;
	[tilespmem:$0x8400] =	vst v63  }
0x33: {  	_ =	swait.ge [sflag:s11], $0x4000  }
0x34: {  	[sflag:s11] =	ssyncset.done $0x0  }
0x35: {  	s22 =	sadd.s32 $0x182800, s28;
	[sflag:s11] =	ssyncadd.s32 $0xFFFFC000  }
0x36: {  	[hbm4b:s22+s3] =	stream.linear.scatter [tilespmem:s8], [sflag:$0x4], $0x4000, $0x38;
	[tilespmem:$0x8400] =	vst v63  }
0x37: {  	_ =	swait.ge [sflag:s13], $0x4000  }
0x38: {  	[sflag:s13] =	ssyncset.done $0x0  }
0x39: {  	s23 =	simm.s32 $0x300;
	[sflag:s13] =	ssyncadd.s32 $0xFFFFC000  }
0x3a: {  	[tilespmem:s7], [sflag:$0x1] =	stream.indirect.gather [hbm4b:s1+s6], $0x80, s23, s6, $0xb8;
	[tilespmem:$0x8400] =	vst v63  }
0x3b: {  	_ =	swait.ge [sflag:s14], $0x4000  }
0x3c: {  	[sflag:s14] =	ssyncset.done $0x0  }
0x3d: {  	s24 =	simm.s32 $0x380;
	[sflag:s14] =	ssyncadd.s32 $0xFFFFC000  }
0x3e: {  	[tilespmem:s8], [sflag:$0x2] =	stream.indirect.gather [hbm4b:s1+s6], $0x80, s24, s6, $0xb8;
	[tilespmem:$0x8400] =	vst v63  }
0x3f: {  	_ =	swait.ge [sflag:s9], $0x4000  }
0x40: {  	s29 =	ssub.s32 $0x2, s26;
	s25 =	sadd.s32 $0x183000, s28;
	[sflag:s9] =	ssyncset.done $0x0  }
0x41: {  	s26 =	sadd.s32 $0x183800, s28;
	s28 =	sshrl.u32 s29, $0x1;
	[sflag:s9] =	ssyncadd.s32 $0xFFFFC000  }
0x42: {  	[hbm4b:s25+s3] =	stream.linear.scatter [tilespmem:s7], [sflag:$0x3], $0x4000, $0x38;
	[tilespmem:$0x8400] =	vst v63  }
0x43: {  	s28 =	ssub.s32 s29, s28;
	_ =	swait.ge [sflag:s11], $0x4000  }
0x44: {  	s28 =	smax.u32 s28, $0x1;
	[sflag:s11] =	ssyncset.done $0x0  }
0x45: {  	p0 =	sne.s32 s28, $0x1;
	[sflag:s11] =	ssyncadd.s32 $0xFFFFC000  }
0x46: {  	[hbm4b:s26+s3] =	stream.linear.scatter [tilespmem:s8], [sflag:$0x4], $0x4000, $0x38;
	[tilespmem:$0x8400] =	vst v63  }
.Ltmp0:
0x47: {  	_ =	swait.ge [sflag:s13], $0x4000;
	(pc) =	sbr.rel @!p0 .LBB2_2-.Ltmp0, $4  }
0x48: {  	[sflag:s13] =	ssyncset.done $0x0  }
0x49: {  	[sflag:s13] =	ssyncadd.s32 $0xFFFFC000  }
0x4a: {  	_ =	swait.ge [sflag:s14], $0x4000  }
0x4b: {  	s28 =	sadd.s32 $0xFFFFFFFF, s28;
	[sflag:s14] =	ssyncset.done $0x0  }
.LBB2_1:
0x4c: {  	p0 =	sne.s32 s28, $0x1;
	s28 =	sadd.s32 $0xFFFFFFFF, s28;
	[sflag:s14] =	ssyncadd.s32 $0xFFFFC000  }
0x4d: {  	[tilespmem:s3], [sflag:$0x5] =	stream.linear.gather [hbm4b:s4+s3], $0x400, $0x38;
	[tilespmem:$0x8400] =	vst v63  }
0x4e: {  	_ =	swait.ge [sflag:s5], $0x400  }
0x4f: {  	[sflag:s5] =	ssyncset.done $0x0  }
0x50: {  	[sflag:s5] =	ssyncadd.s32 $0xFFFFFC00  }
0x51: {  	[tilespmem:s7], [sflag:$0x1] =	stream.indirect.gather [hbm4b:s1+s6], $0x80, s3, s6, $0xb8;
	[tilespmem:$0x8400] =	vst v63  }
0x52: {  	_ = 	snop  }
0x53: {  	[tilespmem:s8], [sflag:$0x2] =	stream.indirect.gather [hbm4b:s1+s6], $0x80, s6, s6, $0xb8;
	[tilespmem:$0x8400] =	vst v63  }
0x54: {  	_ =	swait.ge [sflag:s9], $0x4000  }
0x55: {  	[sflag:s9] =	ssyncset.done $0x0  }
0x56: {  	[sflag:s9] =	ssyncadd.s32 $0xFFFFC000  }
0x57: {  	[hbm4b:s10+s3] =	stream.linear.scatter [tilespmem:s7], [sflag:$0x3], $0x4000, $0x38;
	[tilespmem:$0x8400] =	vst v63  }
0x58: {  	_ =	swait.ge [sflag:s11], $0x4000  }
0x59: {  	[sflag:s11] =	ssyncset.done $0x0  }
0x5a: {  	[sflag:s11] =	ssyncadd.s32 $0xFFFFC000  }
0x5b: {  	[hbm4b:s12+s3] =	stream.linear.scatter [tilespmem:s8], [sflag:$0x4], $0x4000, $0x38;
	[tilespmem:$0x8400] =	vst v63  }
0x5c: {  	_ =	swait.ge [sflag:s13], $0x4000  }
0x5d: {  	[sflag:s13] =	ssyncset.done $0x0  }
0x5e: {  	[sflag:s13] =	ssyncadd.s32 $0xFFFFC000  }
0x5f: {  	[tilespmem:s7], [sflag:$0x1] =	stream.indirect.gather [hbm4b:s1+s6], $0x80, s15, s6, $0xb8;
	[tilespmem:$0x8400] =	vst v63  }
0x60: {  	_ =	swait.ge [sflag:s14], $0x4000  }
0x61: {  	[sflag:s14] =	ssyncset.done $0x0  }
0x62: {  	[sflag:s14] =	ssyncadd.s32 $0xFFFFC000  }
0x63: {  	[tilespmem:s8], [sflag:$0x2] =	stream.indirect.gather [hbm4b:s1+s6], $0x80, s16, s6, $0xb8;
	[tilespmem:$0x8400] =	vst v63  }
0x64: {  	_ =	swait.ge [sflag:s9], $0x4000  }
0x65: {  	[sflag:s9] =	ssyncset.done $0x0  }
0x66: {  	[sflag:s9] =	ssyncadd.s32 $0xFFFFC000  }
0x67: {  	[hbm4b:s17+s3] =	stream.linear.scatter [tilespmem:s7], [sflag:$0x3], $0x4000, $0x38;
	[tilespmem:$0x8400] =	vst v63  }
0x68: {  	_ =	swait.ge [sflag:s11], $0x4000  }
0x69: {  	[sflag:s11] =	ssyncset.done $0x0  }
0x6a: {  	[sflag:s11] =	ssyncadd.s32 $0xFFFFC000  }
0x6b: {  	[hbm4b:s18+s3] =	stream.linear.scatter [tilespmem:s8], [sflag:$0x4], $0x4000, $0x38;
	[tilespmem:$0x8400] =	vst v63  }
0x6c: {  	_ =	swait.ge [sflag:s13], $0x4000  }
0x6d: {  	[sflag:s13] =	ssyncset.done $0x0  }
0x6e: {  	[sflag:s13] =	ssyncadd.s32 $0xFFFFC000  }
0x6f: {  	[tilespmem:s7], [sflag:$0x1] =	stream.indirect.gather [hbm4b:s1+s6], $0x80, s19, s6, $0xb8;
	[tilespmem:$0x8400] =	vst v63  }
0x70: {  	_ =	swait.ge [sflag:s14], $0x4000  }
0x71: {  	[sflag:s14] =	ssyncset.done $0x0  }
0x72: {  	[sflag:s14] =	ssyncadd.s32 $0xFFFFC000  }
0x73: {  	[tilespmem:s8], [sflag:$0x2] =	stream.indirect.gather [hbm4b:s1+s6], $0x80, s20, s6, $0xb8;
	[tilespmem:$0x8400] =	vst v63  }
0x74: {  	_ =	swait.ge [sflag:s9], $0x4000  }
0x75: {  	[sflag:s9] =	ssyncset.done $0x0  }
0x76: {  	[sflag:s9] =	ssyncadd.s32 $0xFFFFC000  }
0x77: {  	[hbm4b:s21+s3] =	stream.linear.scatter [tilespmem:s7], [sflag:$0x3], $0x4000, $0x38;
	[tilespmem:$0x8400] =	vst v63  }
0x78: {  	_ =	swait.ge [sflag:s11], $0x4000  }
0x79: {  	[sflag:s11] =	ssyncset.done $0x0  }
0x7a: {  	[sflag:s11] =	ssyncadd.s32 $0xFFFFC000  }
0x7b: {  	[hbm4b:s22+s3] =	stream.linear.scatter [tilespmem:s8], [sflag:$0x4], $0x4000, $0x38;
	[tilespmem:$0x8400] =	vst v63  }
0x7c: {  	_ =	swait.ge [sflag:s13], $0x4000  }
0x7d: {  	[sflag:s13] =	ssyncset.done $0x0  }
0x7e: {  	[sflag:s13] =	ssyncadd.s32 $0xFFFFC000  }
0x7f: {  	[tilespmem:s7], [sflag:$0x1] =	stream.indirect.gather [hbm4b:s1+s6], $0x80, s23, s6, $0xb8;
	[tilespmem:$0x8400] =	vst v63  }
0x80: {  	_ =	swait.ge [sflag:s14], $0x4000  }
0x81: {  	[sflag:s14] =	ssyncset.done $0x0  }
0x82: {  	[sflag:s14] =	ssyncadd.s32 $0xFFFFC000  }
0x83: {  	[tilespmem:s8], [sflag:$0x2] =	stream.indirect.gather [hbm4b:s1+s6], $0x80, s24, s6, $0xb8;
	[tilespmem:$0x8400] =	vst v63  }
0x84: {  	_ =	swait.ge [sflag:s9], $0x4000  }
0x85: {  	[sflag:s9] =	ssyncset.done $0x0  }
0x86: {  	[sflag:s9] =	ssyncadd.s32 $0xFFFFC000  }
0x87: {  	[hbm4b:s25+s3] =	stream.linear.scatter [tilespmem:s7], [sflag:$0x3], $0x4000, $0x38;
	[tilespmem:$0x8400] =	vst v63  }
0x88: {  	_ =	swait.ge [sflag:s11], $0x4000  }
0x89: {  	[sflag:s11] =	ssyncset.done $0x0  }
0x8a: {  	[sflag:s11] =	ssyncadd.s32 $0xFFFFC000  }
0x8b: {  	[hbm4b:s26+s3] =	stream.linear.scatter [tilespmem:s8], [sflag:$0x4], $0x4000, $0x38;
	[tilespmem:$0x8400] =	vst v63  }
.Ltmp1:
0x8c: {  	_ =	swait.ge [sflag:s13], $0x4000;
	(pc) =	sbr.rel @p0 .LBB2_1-.Ltmp1, $4  }
0x8d: {  	[sflag:s13] =	ssyncset.done $0x0  }
0x8e: {  	[sflag:s13] =	ssyncadd.s32 $0xFFFFC000  }
0x8f: {  	_ =	swait.ge [sflag:s14], $0x4000  }
0x90: {  	[sflag:s14] =	ssyncset.done $0x0  }
.LBB2_2:
0x91: {  	[sflag:s14] =	ssyncadd.s32 $0xFFFFC000  }
0x92: {  	_ =	sfence.sel $0x180000  }
0x93: {  	[bflag:$0x0] =	sbarrier.arrive $0xFFFF  }
0x94: {  	p0 =	sne.s32 s0, $0x0;
	_ =	strace $0x9000004D  }
0x95: {  	s0 =	sadd.s32 @!p0 $0x100000, s2;
	[bflag:$0x2] =	sbarrier.arrive $0xFFFF  }
0x96: {  	[sflag:s0] =	ssyncadd.tile.s32 @!p0 $0x1;
	_ =	shalt  }
.Lfunc_end2:
_tile_overlayer_lowered:
.L_overlay_start_2:
0x97: {  	(tag) =	ssettag $0x2  }
0x98: {  	s0 =	rddreg [dreg:$0x0];
	s2 =	stileid.u32  }
0x99: {  	s1 =	rddreg [dreg:$0x1];
	p0 =	sne.s32 s2, $0x0  }
0x9a: {  	s3 =	rddreg [dreg:$0x2];
	[bflag:$0x3] =	sbarrier.arrive $0xFFFF;
	s2 =	simm.s32 @!p0 $0x1C05  }
0x9b: {  	[timem:s3], [sflag:s2] =	dma.local @!p0 [hbm:s0], s1  }
0x9c: {  	s0 =	simm.s32 @!p0 $0x5  }
0x9d: {  	_ =	swait.ge @!p0 [sflag:s0], s1  }
0x9e: {  	s1 =	ssub.s32 @!p0 $0x0, s1;
	[sflag:s0] =	ssyncset.done @!p0 $0x0  }
0x9f: {  	[sflag:s0] =	ssyncadd.s32 @!p0 s1  }
0xa0: {  	[bflag:$0x3] =	sbarrier.arrive $0xFFFF  }
0xa1: {  	_ =	shalt  }

// kernel: kernel.8.cloned.1.call-start
scs
__scs_entry_jumppad:
0x0: {  	(pc) =	sbr.rel $0x88, $3  }
0x1: {  	(tag) =	ssettag $0x0;
	lr =	simm.s32 $0x1  }
0x2: {  	[smem:$0x3F9F] =	sst lr;
	_ =	strace $0xD0000000  }
0x3: {  	_ = 	snop  }
0x4: {  	_ = 	snop  }
0x5: {  	_ = 	snop  }
0x6: {  	_ = 	snop  }
0x7: {  	_ = 	snop  }
__scs_overlays_trampoline_lowered:
0x8: {  	[smem:$0x3FAE] =	sst s0  }
0x9: {  	[smem:$0x3FAF] =	sst s1  }
0xa: {  	[smem:$0x3FB0] =	sst s2  }
0xb: {  	[smem:$0x3FB1] =	sst s3  }
0xc: {  	[smem:$0x3FB2] =	sst s4  }
0xd: {  	[smem:$0x3FB3] =	sst s5  }
0xe: {  	[smem:$0x3FB4] =	sst s6  }
0xf: {  	[smem:$0x3FB5] =	sst s7  }
0x10: {  	[smem:$0x3FB6] =	sst s8  }
0x11: {  	[smem:$0x3FB7] =	sst s9;
	s0 =	simm.s32 @!p0 $0x0  }
0x12: {  	s1 =	sld [smem:$0x3F9D];
	s0 =	simm.s32 @p0 $0x1  }
0x13: {  	[smem:$0x3FB8] =	sst s0;
	s0 =	simm.s32 @!p1 $0x0  }
0x14: {  	s2 =	sld [smem:$0x3F9C];
	s0 =	simm.s32 @p1 $0x1  }
0x15: {  	[smem:$0x3FB9] =	sst s0;
	s0 =	simm.s32 @!p2 $0x0  }
0x16: {  	s3 =	sld [smem:$0x3FDB];
	s0 =	simm.s32 @p2 $0x1  }
0x17: {  	s4 =	simm.s32 $0x1BF5;
	[smem:$0x3FBB] =	sst s0  }
0x18: {  	s0 =	sld [smem:$0x3F9E];
	_ =	swait.ge [sflag:s4], $0x0  }
0x19: {  	s7 =	sld [smem:$0x3F9F]  }
0x1a: {  	s8 =	sadd.s32 $0xFFFFE003, lr  }
0x1b: {  	s9 =	sadd.s32 $0xFFFFFEF7, lr;
	s5 =	simm.s32 $0xFFFFFFFF;
	p2 =	slt.u32 s8, $0xFFFFF086  }
0x1c: {  	p1 =	slt.u32 s9, $0xF7A;
	s5 =	simm.s32 @!p2 $0x0  }
0x1d: {  	s5 =	simm.s32 @p1 $0x1;
	p0 =	seq.s32 s7, s2  }
0x1e: {  	s7 =	smul.u32 @!p0 $0xF7A, s2;
	p2 =	seq.s32 @!p0 s5, $0x0  }
0x1f: {  	s9 =	smul.u32 $0xF7A, s1;
	s8 =	simm.s32 @!p0 $0x1BF5;
	p2 =	por !p2, p0  }
0x20: {  	[sflag:s8] =	ssyncset.s32 @!p0 $0xFFFFF086;
	s6 =	sadd.s32 @!p0 s3, s7;
	s7 =	simm.s32 @!p0 $0x108  }
0x21: {  	s3 =	sadd.s32 s3, s9;
	s6 =	sadd.s32 @!p0 $0x88, s6;
	s7 =	simm.s32 @p2 $0x1082  }
0x22: {  	[simem:s7], [sflag:s8] =	dma.local @!p0 [hbm:s6], $0xF7A  }
0x23: {  	s9 =	sor.u32 $0xD0000000, s2;
	s6 =	simm.s32 $0x108;
	_ =	swait.ge @!p0 [sflag:s8], $0x0  }
0x24: {  	s3 =	sadd.s32 $0x88, s3;
	s6 =	simm.s32 @!p1 $0x1082;
	[sflag:s4] =	ssyncset.s32 $0xFFFFF086  }
0x25: {  	[simem:s6], [sflag:s4] =	dma.local [hbm:s3], $0xF7A  }
0x26: {  	[smem:$0x3F9F] =	sst s1;
	(tag) =	ssettag s2;
	_ =	strace s9  }
0x27: {  	s1 =	sld [smem:$0x3FAF]  }
0x28: {  	s2 =	sld [smem:$0x3FB0]  }
0x29: {  	s4 =	sld [smem:$0x3FB2]  }
0x2a: {  	p0 =	seq.s32 s5, $0x0;
	s5 =	sld [smem:$0x3FB3]  }
0x2b: {  	s6 =	sld [smem:$0x3FB4]  }
0x2c: {  	s7 =	sld [smem:$0x3FB5]  }
0x2d: {  	s3 =	simm.s32 $0x108;
	s8 =	sld [smem:$0x3FB6]  }
0x2e: {  	s3 =	simm.s32 @!p0 $0x1082;
	s9 =	sld [smem:$0x3FB7]  }
0x2f: {  	lr =	sadd.s32 s0, s3;
	s0 =	sld [smem:$0x3FAE]  }
0x30: {  	s3 =	sld [smem:$0x3FB1]  }
0x31: {  	[smem:$0x3FBA] =	sst s10  }
0x32: {  	s10 =	sld [smem:$0x3FB8];
	_ =	sdelay $0x3  }
0x33: {  	p0 =	seq.s32 s10, $0x1;
	s10 =	sld [smem:$0x3FBA];
	_ =	sdelay $0x3  }
0x34: {  	[smem:$0x3FBA] =	sst s10  }
0x35: {  	s10 =	sld [smem:$0x3FB9];
	_ =	sdelay $0x3  }
0x36: {  	p1 =	seq.s32 s10, $0x1;
	s10 =	sld [smem:$0x3FBA];
	_ =	sdelay $0x3  }
0x37: {  	[smem:$0x3FBA] =	sst s10  }
0x38: {  	s10 =	sld [smem:$0x3FBB]  }
0x39: {  	_ = 	snop;
	(pc) =	sbr.ind lr, $3  }
0x3a: {  	_ = 	snop  }
0x3b: {  	_ = 	snop  }
0x3c: {  	p2 =	seq.s32 s10, $0x1;
	s10 =	sld [smem:$0x3FBA]  }
0x3d: {  	_ =	shalt  }
0x3e: {  	_ =	shalt  }
0x3f: {  	_ =	shalt  }
0x40: {  	_ =	shalt  }
0x41: {  	_ =	shalt  }
0x42: {  	_ =	shalt  }
0x43: {  	_ =	shalt  }
0x44: {  	_ =	shalt  }
0x45: {  	_ =	shalt  }
0x46: {  	_ =	shalt  }
0x47: {  	_ =	shalt  }
0x48: {  	_ =	shalt  }
0x49: {  	_ =	shalt  }
0x4a: {  	_ =	shalt  }
0x4b: {  	_ =	shalt  }
0x4c: {  	_ =	shalt  }
0x4d: {  	_ =	shalt  }
0x4e: {  	_ =	shalt  }
0x4f: {  	_ =	shalt  }
0x50: {  	_ =	shalt  }
0x51: {  	_ =	shalt  }
0x52: {  	_ =	shalt  }
0x53: {  	_ =	shalt  }
0x54: {  	_ =	shalt  }
0x55: {  	_ =	shalt  }
0x56: {  	_ =	shalt  }
0x57: {  	_ =	shalt  }
0x58: {  	_ =	shalt  }
0x59: {  	_ =	shalt  }
0x5a: {  	_ =	shalt  }
0x5b: {  	_ =	shalt  }
0x5c: {  	_ =	shalt  }
0x5d: {  	_ =	shalt  }
0x5e: {  	_ =	shalt  }
0x5f: {  	_ =	shalt  }
0x60: {  	_ =	shalt  }
0x61: {  	_ =	shalt  }
0x62: {  	_ =	shalt  }
0x63: {  	_ =	shalt  }
0x64: {  	_ =	shalt  }
0x65: {  	_ =	shalt  }
0x66: {  	_ =	shalt  }
0x67: {  	_ =	shalt  }
0x68: {  	_ =	shalt  }
0x69: {  	_ =	shalt  }
0x6a: {  	_ =	shalt  }
0x6b: {  	_ =	shalt  }
0x6c: {  	_ =	shalt  }
0x6d: {  	_ =	shalt  }
0x6e: {  	_ =	shalt  }
0x6f: {  	_ =	shalt  }
0x70: {  	_ =	shalt  }
0x71: {  	_ =	shalt  }
0x72: {  	_ =	shalt  }
0x73: {  	_ =	shalt  }
0x74: {  	_ =	shalt  }
0x75: {  	_ =	shalt  }
0x76: {  	_ =	shalt  }
0x77: {  	_ =	shalt  }
0x78: {  	_ =	shalt  }
0x79: {  	_ =	shalt  }
0x7a: {  	_ =	shalt  }
0x7b: {  	_ =	shalt  }
0x7c: {  	_ =	shalt  }
0x7d: {  	_ =	shalt  }
0x7e: {  	_ =	shalt  }
0x7f: {  	_ =	shalt  }
0x80: {  	_ =	shalt  }
0x81: {  	_ =	shalt  }
0x82: {  	_ =	shalt  }
0x83: {  	_ =	shalt  }
0x84: {  	_ =	shalt  }
0x85: {  	_ =	shalt  }
0x86: {  	_ =	shalt  }
0x87: {  	_ =	shalt  }
.Lfunc_end0:
.L_simem_size_0:
called_computation_lowered:
.L_overlay_start_0:
0x88: {  	s2 =	sld [smem:$0x3FD9]  }
0x89: {  	s3 =	sld [smem:$0x3FFE];
	_ =	sdelay $0x1  }
0x8a: {  	s1 =	srdreg.scid  }
0x8b: {  	s0 =	sand.u32 $0x1, s1  }
0x8c: {  	s15 =	sshll.u32 s0, $0xA;
	s2 =	sadd.s32 s3, s2  }
0x8d: {  	s2 =	sadd.s32 s2, s15  }
0x8e: {  	[smem:$0x3FC6] =	sst s2  }
0x8f: {  	_ = 	snop  }
0x90: {  	s2 =	sld [smem:$0x3FD0];
	_ =	sdelay $0x2  }
0x91: {  	s4 =	simm.s32 $0xA;
	s5 =	simm.s32 $0x10;
	s16 =	sld [smem:$0x3FC8]  }
0x92: {  	[smem:s5], [sflag:s4] =	dma.local [hbm:s2], $0x1  }
0x93: {  	_ =	swait.eq [sflag:s4], $0x1  }
0x94: {  	[sflag:s4] =	ssyncset.done $0x0  }
0x95: {  	s17 =	sld [smem:$0x10];
	[sflag:s4] =	ssyncadd.s32 $0xFFFFFFFF  }
0x96: {  	s18 =	sld [smem:$0x11];
	(tm) =	ssettm $0x1  }
0x97: {  	s19 =	sld [smem:$0x3FFB];
	_ =	sdelay $0x3  }
0x98: {  	_ =	strace s19  }
0x99: {  	s5 =	sld [smem:$0x3FFC];
	_ =	sdelay $0x3  }
0x9a: {  	_ =	strace s5  }
0x9b: {  	s5 =	sld [smem:$0x3FFD];
	_ =	sdelay $0x3  }
0x9c: {  	_ =	strace s5  }
0x9d: {  	_ =	strace $0x8FFFFFFF  }
0x9e: {  	s20 =	sld [smem:$0x3FDB];
	_ =	sdelay $0x1  }
0x9f: {  	s6 =	simm.s32 $_scs_section_size  }
0xa0: {  	s7 =	simm.s32 $_size__tile_overlayer_lowered;
	s8 =	simm.s32 $_tile_overlayer_lowered  }
0xa1: {  	s23 =	simm.s32 $0x1BFF;
	s22 =	sshll.u32 s8, $0x1;
	s5 =	sadd.s32 s6, s20  }
0xa2: {  	s9 =	simm.s32 $0x0;
	s21 =	sshll.u32 s7, $0x1;
	s7 =	sadd.s32 s22, s5  }
0xa3: {  	[timem:s9], [sflag:s23] =	dma.local [hbm:s7], s21  }
0xa4: {  	_ =	swait.ge [sflag:s23], s21  }
0xa5: {  	s6 =	ssub.s32 $0x0, s21;
	[sflag:s23] =	ssyncset.done $0x0  }
0xa6: {  	[sflag:s23] =	ssyncadd.s32 s6;
	_ =	sdelay $0x1  }
0xa7: {  	s24 =	simm.s32 $0x1B8B  }
0xa8: {  	_ =	swait.ge [sflag:s24], $0x1  }
0xa9: {  	[sflag:s24] =	ssyncset.done $0x0  }
0xaa: {  	s25 =	simm.s32 $0x1B8E;
	[sflag:s24] =	ssyncadd.s32 $0xFFFFFFFF  }
0xab: {  	s26 =	simm.s32 $execute0_lowered;
	[smem:$0x3FD2] =	sst s25  }
0xac: {  	s6 =	sshll.u32 s26, $0x1;
	_ =	strace $0x80000046;
	[dreg:$0x1] =	wrdreg $0xFFFFFFFF  }
0xad: {  	s28 =	simm.s32 $_size_execute0_lowered;
	s5 =	sadd.s32 s5, s6;
	[dreg:$0x0] =	wrdreg $0x0  }
0xae: {  	s6 =	sshll.u32 s28, $0x1;
	[dreg:$0x2] =	wrdreg s5  }
0xaf: {  	[dreg:$0x3] =	wrdreg s6  }
0xb0: {  	[dreg:$0x4] =	wrdreg $0xC0  }
0xb1: {  	_ =	task [dreg:s9], $0x5FFFF  }
0xb2: {  	[dreg:$0x1] =	wrdreg $0xFFFFFFFF  }
0xb3: {  	[dreg:$0x0] =	wrdreg $0x60  }
0xb4: {  	[dreg:$0x2] =	wrdreg s16  }
0xb5: {  	[dreg:$0x3] =	wrdreg s17  }
0xb6: {  	[dreg:$0x4] =	wrdreg s18  }
0xb7: {  	[dreg:$0x5] =	wrdreg $0x9  }
0xb8: {  	_ =	task.clear_ibuf [dreg:s9], $0x6FFFF;
	_ =	strace $0x90000046  }
0xb9: {  	s29 =	simm.s32 $0x9;
	_ =	strace $0x80000048  }
0xba: {  	_ =	swait.ge [sflag:s29], $0x1  }
0xbb: {  	[sflag:s29] =	ssyncadd.s32 $0xFFFFFFFF  }
0xbc: {  	_ =	strace $0x90000048  }
0xbd: {  	_ =	sfence  }
0xbe: {  	s30 =	sld [smem:$0x0];
	_ =	sdelay $0x2  }
0xbf: {  	s31 =	sshll.u32 s1, $0xD;
	s1 =	sshrl.u32 s1, $0x2  }
0xc0: {  	s3 =	sand.u32 $0x4000, s31;
	s1 =	sadd.s32 s1, s30  }
0xc1: {  	s0 =	sor.u32 s3, s0;
	s1 =	sshll.u32 s1, $0x11  }
0xc2: {  	s0 =	sor.u32 s1, s0  }
0xc3: {  	s0 =	sadd.s32 $0x8F2B, s0  }
0xc4: {  	[sflag:s0] =	ssyncadd.remote.s32 $0x1  }
0xc5: {  	_ =	sfence.sel $0xFFFF  }
0xc6: {  	[dreg:$0x0] =	wrdreg $0xFFFFFFFF;
	(pc) =	sbr.abs _section_cstart, $3  }
0xc7: {  	[dreg:$0x1] =	wrdreg $0xFFFFFFFF  }
0xc8: {  	_ =	task.clear_ibuf [dreg:s9], $0x2FFFF;
	_ =	strace $0x9FFFFFFF  }
0xc9: {  	(tm) =	ssettm $0x7FFFFFFF  }
tec
execute0_lowered:
.L_overlay_start_1:
0x0: {  	(tag) =	ssettag $0x1  }
0x1: {  	s2 =	srdreg.scid  }
0x2: {  	s1 =	rddreg [dreg:$0x0];
	s0 =	stileid.u32;
	s2 =	sand.u32 $0x1, s2  }
0x3: {  	s4 =	rddreg [dreg:$0x1];
	s6 =	sshll.u32 s0, $0xC;
	s7 =	sshll.u32 s2, $0xB  }
0x4: {  	s5 =	rddreg [dreg:$0x2];
	s6 =	sor.u32 s7, s6  }
0x5: {  	s3 =	simm.s32 $0x0;
	s7 =	sshrl.u32 s6, $0x3;
	s6 =	sshll.u32 s6, $0x4  }
0x6: {  	[smem:$0x7FF] =	sst s3;
	s7 =	sadd.s32 s4, s7;
	s4 =	sadd.s32 s5, s6  }
0x7: {  	_ =	strace $0x80000047;
	[dreg:$0x4] =	wrdreg s7;
	s5 =	sadd.s32 $0x800, s4  }
0x8: {  	s11 =	sadd.s32 $0x1000, s4;
	[dreg:$0x5] =	wrdreg s5  }
0x9: {  	s12 =	sadd.s32 $0x1800, s4;
	[dreg:$0x6] =	wrdreg s11  }
0xa: {  	s13 =	sadd.s32 $0x2000, s4;
	[dreg:$0x7] =	wrdreg s12  }
0xb: {  	s14 =	sadd.s32 $0x2800, s4;
	[dreg:$0x8] =	wrdreg s13  }
0xc: {  	s15 =	sadd.s32 $0x3000, s4;
	[dreg:$0x9] =	wrdreg s14  }
0xd: {  	s16 =	sadd.s32 $0x3800, s4;
	[dreg:$0xa] =	wrdreg s15  }
0xe: {  	s17 =	sadd.s32 $0x4000, s4;
	[dreg:$0xb] =	wrdreg s16  }
0xf: {  	s18 =	sadd.s32 $0x4800, s4;
	[dreg:$0xc] =	wrdreg s17  }
0x10: {  	[dreg:$0xd] =	wrdreg s18  }
0x11: {  	s19 =	sadd.s32 $0x5000, s4;
	s20 =	rddreg [dreg:$0x4]  }
0x12: {  	s21 =	sadd.s32 $0x5800, s4;
	[dreg:$0xe] =	wrdreg s19  }
0x13: {  	[dreg:$0xf] =	wrdreg s21;
	s5 =	simm.s32 $0x5  }
0x14: {  	[tilespmem:s3], [sflag:$0x5] =	stream.linear.gather [hbm4b:s20+s3], $0x800, $0x38;
	[tilespmem:$0x8800] =	vst v63  }
0x15: {  	_ =	swait.ge [sflag:s5], $0x800  }
0x16: {  	[sflag:s5] =	ssyncset.done $0x0  }
0x17: {  	s6 =	simm.s32 $0x80;
	s7 =	simm.s32 $0x800;
	[sflag:s5] =	ssyncadd.s32 $0xFFFFF800  }
0x18: {  	[tilespmem:s7], [sflag:$0x1] =	stream.indirect.gather [hbm4b:s1+s6], $0x80, s3, s6, $0xb8;
	[tilespmem:$0x8800] =	vst v63  }
0x19: {  	s8 =	simm.s32 $0x4800;
	s9 =	simm.s32 $0x1  }
0x1a: {  	[tilespmem:s8], [sflag:$0x2] =	stream.indirect.gather [hbm4b:s1+s6], $0x80, s6, s6, $0xb8;
	[tilespmem:$0x8800] =	vst v63  }
0x1b: {  	_ =	swait.ge [sflag:s9], $0x4000  }
0x1c: {  	[sflag:s9] =	ssyncset.done $0x0  }
0x1d: {  	s10 =	simm.s32 $0x2;
	[sflag:s9] =	ssyncadd.s32 $0xFFFFC000  }
0x1e: {  	[hbm4b:s4+s3] =	stream.linear.scatter [tilespmem:s7], [sflag:$0x3], $0x4000, $0x38;
	[tilespmem:$0x8800] =	vst v63  }
0x1f: {  	_ =	swait.ge [sflag:s10], $0x4000  }
0x20: {  	[sflag:s10] =	ssyncset.done $0x0  }
0x21: {  	s11 =	simm.s32 $0x3;
	s12 =	rddreg [dreg:$0x5];
	[sflag:s10] =	ssyncadd.s32 $0xFFFFC000  }
0x22: {  	[hbm4b:s12+s3] =	stream.linear.scatter [tilespmem:s8], [sflag:$0x4], $0x4000, $0x38;
	[tilespmem:$0x8800] =	vst v63  }
0x23: {  	_ =	swait.ge [sflag:s11], $0x4000  }
0x24: {  	[sflag:s11] =	ssyncset.done $0x0  }
0x25: {  	s13 =	simm.s32 $0x100;
	s12 =	simm.s32 $0x4;
	[sflag:s11] =	ssyncadd.s32 $0xFFFFC000  }
0x26: {  	[tilespmem:s7], [sflag:$0x1] =	stream.indirect.gather [hbm4b:s1+s6], $0x80, s13, s6, $0xb8;
	[tilespmem:$0x8800] =	vst v63  }
0x27: {  	_ =	swait.ge [sflag:s12], $0x4000  }
0x28: {  	[sflag:s12] =	ssyncset.done $0x0  }
0x29: {  	s14 =	simm.s32 $0x180;
	[sflag:s12] =	ssyncadd.s32 $0xFFFFC000  }
0x2a: {  	[tilespmem:s8], [sflag:$0x2] =	stream.indirect.gather [hbm4b:s1+s6], $0x80, s14, s6, $0xb8;
	[tilespmem:$0x8800] =	vst v63  }
0x2b: {  	_ =	swait.ge [sflag:s9], $0x4000  }
0x2c: {  	[sflag:s9] =	ssyncset.done $0x0  }
0x2d: {  	s15 =	rddreg [dreg:$0x6];
	[sflag:s9] =	ssyncadd.s32 $0xFFFFC000  }
0x2e: {  	[hbm4b:s15+s3] =	stream.linear.scatter [tilespmem:s7], [sflag:$0x3], $0x4000, $0x38;
	[tilespmem:$0x8800] =	vst v63  }
0x2f: {  	_ =	swait.ge [sflag:s10], $0x4000  }
0x30: {  	[sflag:s10] =	ssyncset.done $0x0  }
0x31: {  	s22 =	rddreg [dreg:$0x7];
	[sflag:s10] =	ssyncadd.s32 $0xFFFFC000  }
0x32: {  	[hbm4b:s22+s3] =	stream.linear.scatter [tilespmem:s8], [sflag:$0x4], $0x4000, $0x38;
	[tilespmem:$0x8800] =	vst v63  }
0x33: {  	_ =	swait.ge [sflag:s11], $0x4000  }
0x34: {  	[sflag:s11] =	ssyncset.done $0x0  }
0x35: {  	s15 =	simm.s32 $0x200;
	[sflag:s11] =	ssyncadd.s32 $0xFFFFC000  }
0x36: {  	[tilespmem:s7], [sflag:$0x1] =	stream.indirect.gather [hbm4b:s1+s6], $0x80, s15, s6, $0xb8;
	[tilespmem:$0x8800] =	vst v63  }
0x37: {  	_ =	swait.ge [sflag:s12], $0x4000  }
0x38: {  	[sflag:s12] =	ssyncset.done $0x0  }
0x39: {  	s16 =	simm.s32 $0x280;
	[sflag:s12] =	ssyncadd.s32 $0xFFFFC000  }
0x3a: {  	[tilespmem:s8], [sflag:$0x2] =	stream.indirect.gather [hbm4b:s1+s6], $0x80, s16, s6, $0xb8;
	[tilespmem:$0x8800] =	vst v63  }
0x3b: {  	_ =	swait.ge [sflag:s9], $0x4000  }
0x3c: {  	[sflag:s9] =	ssyncset.done $0x0  }
0x3d: {  	s17 =	rddreg [dreg:$0x8];
	[sflag:s9] =	ssyncadd.s32 $0xFFFFC000  }
0x3e: {  	[hbm4b:s17+s3] =	stream.linear.scatter [tilespmem:s7], [sflag:$0x3], $0x4000, $0x38;
	[tilespmem:$0x8800] =	vst v63  }
0x3f: {  	_ =	swait.ge [sflag:s10], $0x4000  }
0x40: {  	[sflag:s10] =	ssyncset.done $0x0  }
0x41: {  	s23 =	rddreg [dreg:$0x9];
	[sflag:s10] =	ssyncadd.s32 $0xFFFFC000  }
0x42: {  	[hbm4b:s23+s3] =	stream.linear.scatter [tilespmem:s8], [sflag:$0x4], $0x4000, $0x38;
	[tilespmem:$0x8800] =	vst v63  }
0x43: {  	_ =	swait.ge [sflag:s11], $0x4000  }
0x44: {  	[sflag:s11] =	ssyncset.done $0x0  }
0x45: {  	s17 =	simm.s32 $0x300;
	[sflag:s11] =	ssyncadd.s32 $0xFFFFC000  }
0x46: {  	[tilespmem:s7], [sflag:$0x1] =	stream.indirect.gather [hbm4b:s1+s6], $0x80, s17, s6, $0xb8;
	[tilespmem:$0x8800] =	vst v63  }
0x47: {  	_ =	swait.ge [sflag:s12], $0x4000  }
0x48: {  	[sflag:s12] =	ssyncset.done $0x0  }
0x49: {  	s18 =	simm.s32 $0x380;
	[sflag:s12] =	ssyncadd.s32 $0xFFFFC000  }
0x4a: {  	[tilespmem:s8], [sflag:$0x2] =	stream.indirect.gather [hbm4b:s1+s6], $0x80, s18, s6, $0xb8;
	[tilespmem:$0x8800] =	vst v63  }
0x4b: {  	_ =	swait.ge [sflag:s9], $0x4000  }
0x4c: {  	[sflag:s9] =	ssyncset.done $0x0  }
0x4d: {  	s19 =	rddreg [dreg:$0xa];
	[sflag:s9] =	ssyncadd.s32 $0xFFFFC000  }
0x4e: {  	[hbm4b:s19+s3] =	stream.linear.scatter [tilespmem:s7], [sflag:$0x3], $0x4000, $0x38;
	[tilespmem:$0x8800] =	vst v63  }
0x4f: {  	_ =	swait.ge [sflag:s10], $0x4000  }
0x50: {  	[sflag:s10] =	ssyncset.done $0x0  }
0x51: {  	s24 =	rddreg [dreg:$0xb];
	[sflag:s10] =	ssyncadd.s32 $0xFFFFC000  }
0x52: {  	[hbm4b:s24+s3] =	stream.linear.scatter [tilespmem:s8], [sflag:$0x4], $0x4000, $0x38;
	[tilespmem:$0x8800] =	vst v63  }
0x53: {  	_ =	swait.ge [sflag:s11], $0x4000  }
0x54: {  	[sflag:s11] =	ssyncset.done $0x0  }
0x55: {  	s19 =	simm.s32 $0x400;
	[sflag:s11] =	ssyncadd.s32 $0xFFFFC000  }
0x56: {  	[tilespmem:s7], [sflag:$0x1] =	stream.indirect.gather [hbm4b:s1+s6], $0x80, s19, s6, $0xb8;
	[tilespmem:$0x8800] =	vst v63  }
0x57: {  	_ =	swait.ge [sflag:s12], $0x4000  }
0x58: {  	[sflag:s12] =	ssyncset.done $0x0  }
0x59: {  	s20 =	simm.s32 $0x480;
	[sflag:s12] =	ssyncadd.s32 $0xFFFFC000  }
0x5a: {  	[tilespmem:s8], [sflag:$0x2] =	stream.indirect.gather [hbm4b:s1+s6], $0x80, s20, s6, $0xb8;
	[tilespmem:$0x8800] =	vst v63  }
0x5b: {  	_ =	swait.ge [sflag:s9], $0x4000  }
0x5c: {  	[sflag:s9] =	ssyncset.done $0x0  }
0x5d: {  	s21 =	rddreg [dreg:$0xc];
	[sflag:s9] =	ssyncadd.s32 $0xFFFFC000  }
0x5e: {  	[hbm4b:s21+s3] =	stream.linear.scatter [tilespmem:s7], [sflag:$0x3], $0x4000, $0x38;
	[tilespmem:$0x8800] =	vst v63  }
0x5f: {  	_ =	swait.ge [sflag:s10], $0x4000  }
0x60: {  	[sflag:s10] =	ssyncset.done $0x0  }
0x61: {  	s25 =	rddreg [dreg:$0xd];
	[sflag:s10] =	ssyncadd.s32 $0xFFFFC000  }
0x62: {  	[hbm4b:s25+s3] =	stream.linear.scatter [tilespmem:s8], [sflag:$0x4], $0x4000, $0x38;
	[tilespmem:$0x8800] =	vst v63  }
0x63: {  	_ =	swait.ge [sflag:s11], $0x4000  }
0x64: {  	[sflag:s11] =	ssyncset.done $0x0  }
0x65: {  	s21 =	simm.s32 $0x500;
	[sflag:s11] =	ssyncadd.s32 $0xFFFFC000  }
0x66: {  	[tilespmem:s7], [sflag:$0x1] =	stream.indirect.gather [hbm4b:s1+s6], $0x80, s21, s6, $0xb8;
	[tilespmem:$0x8800] =	vst v63  }
0x67: {  	_ =	swait.ge [sflag:s12], $0x4000  }
0x68: {  	[sflag:s12] =	ssyncset.done $0x0  }
0x69: {  	s22 =	simm.s32 $0x580;
	[sflag:s12] =	ssyncadd.s32 $0xFFFFC000  }
0x6a: {  	[tilespmem:s8], [sflag:$0x2] =	stream.indirect.gather [hbm4b:s1+s6], $0x80, s22, s6, $0xb8;
	[tilespmem:$0x8800] =	vst v63  }
0x6b: {  	_ =	swait.ge [sflag:s9], $0x4000  }
0x6c: {  	[sflag:s9] =	ssyncset.done $0x0  }
0x6d: {  	s23 =	rddreg [dreg:$0xe];
	[sflag:s9] =	ssyncadd.s32 $0xFFFFC000  }
0x6e: {  	[hbm4b:s23+s3] =	stream.linear.scatter [tilespmem:s7], [sflag:$0x3], $0x4000, $0x38;
	[tilespmem:$0x8800] =	vst v63  }
0x6f: {  	_ =	swait.ge [sflag:s10], $0x4000  }
0x70: {  	[sflag:s10] =	ssyncset.done $0x0  }
0x71: {  	s26 =	rddreg [dreg:$0xf];
	[sflag:s10] =	ssyncadd.s32 $0xFFFFC000  }
0x72: {  	[hbm4b:s26+s3] =	stream.linear.scatter [tilespmem:s8], [sflag:$0x4], $0x4000, $0x38;
	[tilespmem:$0x8800] =	vst v63  }
0x73: {  	_ =	swait.ge [sflag:s11], $0x4000  }
0x74: {  	[sflag:s11] =	ssyncset.done $0x0  }
0x75: {  	s23 =	simm.s32 $0x600;
	[sflag:s11] =	ssyncadd.s32 $0xFFFFC000  }
0x76: {  	[tilespmem:s7], [sflag:$0x1] =	stream.indirect.gather [hbm4b:s1+s6], $0x80, s23, s6, $0xb8;
	[tilespmem:$0x8800] =	vst v63  }
0x77: {  	_ =	swait.ge [sflag:s12], $0x4000  }
0x78: {  	[sflag:s12] =	ssyncset.done $0x0  }
0x79: {  	s24 =	simm.s32 $0x680;
	[sflag:s12] =	ssyncadd.s32 $0xFFFFC000  }
0x7a: {  	[tilespmem:s8], [sflag:$0x2] =	stream.indirect.gather [hbm4b:s1+s6], $0x80, s24, s6, $0xb8;
	[tilespmem:$0x8800] =	vst v63  }
0x7b: {  	_ =	swait.ge [sflag:s9], $0x4000  }
0x7c: {  	[sflag:s9] =	ssyncset.done $0x0  }
0x7d: {  	s25 =	sadd.s32 $0x6000, s4;
	[sflag:s9] =	ssyncadd.s32 $0xFFFFC000  }
0x7e: {  	[hbm4b:s25+s3] =	stream.linear.scatter [tilespmem:s7], [sflag:$0x3], $0x4000, $0x38;
	[tilespmem:$0x8800] =	vst v63  }
0x7f: {  	_ =	swait.ge [sflag:s10], $0x4000  }
0x80: {  	[sflag:s10] =	ssyncset.done $0x0  }
0x81: {  	s26 =	sadd.s32 $0x6800, s4;
	[sflag:s10] =	ssyncadd.s32 $0xFFFFC000  }
0x82: {  	[hbm4b:s26+s3] =	stream.linear.scatter [tilespmem:s8], [sflag:$0x4], $0x4000, $0x38;
	[tilespmem:$0x8800] =	vst v63  }
0x83: {  	_ =	swait.ge [sflag:s11], $0x4000  }
0x84: {  	[sflag:s11] =	ssyncset.done $0x0  }
0x85: {  	s28 =	simm.s32 $0x700;
	[sflag:s11] =	ssyncadd.s32 $0xFFFFC000  }
0x86: {  	[tilespmem:s7], [sflag:$0x1] =	stream.indirect.gather [hbm4b:s1+s6], $0x80, s28, s6, $0xb8;
	[tilespmem:$0x8800] =	vst v63  }
0x87: {  	_ =	swait.ge [sflag:s12], $0x4000  }
0x88: {  	[sflag:s12] =	ssyncset.done $0x0  }
0x89: {  	s29 =	simm.s32 $0x780;
	[sflag:s12] =	ssyncadd.s32 $0xFFFFC000  }
0x8a: {  	[tilespmem:s8], [sflag:$0x2] =	stream.indirect.gather [hbm4b:s1+s6], $0x80, s29, s6, $0xb8;
	[tilespmem:$0x8800] =	vst v63  }
0x8b: {  	_ =	swait.ge [sflag:s9], $0x4000  }
0x8c: {  	s2 =	ssub.s32 $0x2, s2;
	[sflag:s9] =	ssyncset.done $0x0  }
0x8d: {  	s0 =	sshrl.u32 s2, $0x1;
	s30 =	sadd.s32 $0x7000, s4;
	[sflag:s9] =	ssyncadd.s32 $0xFFFFC000  }
0x8e: {  	[hbm4b:s30+s3] =	stream.linear.scatter [tilespmem:s7], [sflag:$0x3], $0x4000, $0x38;
	[tilespmem:$0x8800] =	vst v63  }
0x8f: {  	s0 =	ssub.s32 s2, s0;
	_ =	swait.ge [sflag:s10], $0x4000  }
0x90: {  	s0 =	smax.u32 s0, $0x1;
	[sflag:s10] =	ssyncset.done $0x0  }
0x91: {  	s31 =	sadd.s32 $0x7800, s4;
	p0 =	sne.s32 s0, $0x1;
	[sflag:s10] =	ssyncadd.s32 $0xFFFFC000  }
0x92: {  	[hbm4b:s31+s3] =	stream.linear.scatter [tilespmem:s8], [sflag:$0x4], $0x4000, $0x38;
	[tilespmem:$0x8800] =	vst v63  }
.Ltmp0:
0x93: {  	_ =	swait.ge [sflag:s11], $0x4000;
	(pc) =	sbr.rel @!p0 .LBB2_2-.Ltmp0, $4  }
0x94: {  	[sflag:s11] =	ssyncset.done $0x0  }
0x95: {  	[sflag:s11] =	ssyncadd.s32 $0xFFFFC000  }
0x96: {  	_ =	swait.ge [sflag:s12], $0x4000  }
0x97: {  	s2 =	sadd.s32 $0xFFFFFFFF, s0;
	[sflag:s12] =	ssyncset.done $0x0  }
.LBB2_1:
0x98: {  	s0 =	rddreg [dreg:$0x4];
	[sflag:s12] =	ssyncadd.s32 $0xFFFFC000  }
0x99: {  	[tilespmem:s3], [sflag:$0x5] =	stream.linear.gather [hbm4b:s0+s3], $0x800, $0x38;
	[tilespmem:$0x8800] =	vst v63  }
0x9a: {  	_ =	swait.ge [sflag:s5], $0x800  }
0x9b: {  	[sflag:s5] =	ssyncset.done $0x0  }
0x9c: {  	[sflag:s5] =	ssyncadd.s32 $0xFFFFF800  }
0x9d: {  	[tilespmem:s7], [sflag:$0x1] =	stream.indirect.gather [hbm4b:s1+s6], $0x80, s3, s6, $0xb8;
	[tilespmem:$0x8800] =	vst v63  }
0x9e: {  	_ = 	snop  }
0x9f: {  	[tilespmem:s8], [sflag:$0x2] =	stream.indirect.gather [hbm4b:s1+s6], $0x80, s6, s6, $0xb8;
	[tilespmem:$0x8800] =	vst v63  }
0xa0: {  	_ =	swait.ge [sflag:s9], $0x4000  }
0xa1: {  	[sflag:s9] =	ssyncset.done $0x0  }
0xa2: {  	[sflag:s9] =	ssyncadd.s32 $0xFFFFC000  }
0xa3: {  	[hbm4b:s4+s3] =	stream.linear.scatter [tilespmem:s7], [sflag:$0x3], $0x4000, $0x38;
	[tilespmem:$0x8800] =	vst v63  }
0xa4: {  	_ =	swait.ge [sflag:s10], $0x4000  }
0xa5: {  	[sflag:s10] =	ssyncset.done $0x0  }
0xa6: {  	s0 =	rddreg [dreg:$0x5];
	[sflag:s10] =	ssyncadd.s32 $0xFFFFC000  }
0xa7: {  	[hbm4b:s0+s3] =	stream.linear.scatter [tilespmem:s8], [sflag:$0x4], $0x4000, $0x38;
	[tilespmem:$0x8800] =	vst v63  }
0xa8: {  	_ =	swait.ge [sflag:s11], $0x4000  }
0xa9: {  	[sflag:s11] =	ssyncset.done $0x0  }
0xaa: {  	[sflag:s11] =	ssyncadd.s32 $0xFFFFC000  }
0xab: {  	[tilespmem:s7], [sflag:$0x1] =	stream.indirect.gather [hbm4b:s1+s6], $0x80, s13, s6, $0xb8;
	[tilespmem:$0x8800] =	vst v63  }
0xac: {  	_ =	swait.ge [sflag:s12], $0x4000  }
0xad: {  	[sflag:s12] =	ssyncset.done $0x0  }
0xae: {  	[sflag:s12] =	ssyncadd.s32 $0xFFFFC000  }
0xaf: {  	[tilespmem:s8], [sflag:$0x2] =	stream.indirect.gather [hbm4b:s1+s6], $0x80, s14, s6, $0xb8;
	[tilespmem:$0x8800] =	vst v63  }
0xb0: {  	_ =	swait.ge [sflag:s9], $0x4000  }
0xb1: {  	[sflag:s9] =	ssyncset.done $0x0  }
0xb2: {  	s0 =	rddreg [dreg:$0x6];
	[sflag:s9] =	ssyncadd.s32 $0xFFFFC000  }
0xb3: {  	[hbm4b:s0+s3] =	stream.linear.scatter [tilespmem:s7], [sflag:$0x3], $0x4000, $0x38;
	[tilespmem:$0x8800] =	vst v63  }
0xb4: {  	_ =	swait.ge [sflag:s10], $0x4000  }
0xb5: {  	[sflag:s10] =	ssyncset.done $0x0  }
0xb6: {  	s0 =	rddreg [dreg:$0x7];
	[sflag:s10] =	ssyncadd.s32 $0xFFFFC000  }
0xb7: {  	[hbm4b:s0+s3] =	stream.linear.scatter [tilespmem:s8], [sflag:$0x4], $0x4000, $0x38;
	[tilespmem:$0x8800] =	vst v63  }
0xb8: {  	_ =	swait.ge [sflag:s11], $0x4000  }
0xb9: {  	[sflag:s11] =	ssyncset.done $0x0  }
0xba: {  	[sflag:s11] =	ssyncadd.s32 $0xFFFFC000  }
0xbb: {  	[tilespmem:s7], [sflag:$0x1] =	stream.indirect.gather [hbm4b:s1+s6], $0x80, s15, s6, $0xb8;
	[tilespmem:$0x8800] =	vst v63  }
0xbc: {  	_ =	swait.ge [sflag:s12], $0x4000  }
0xbd: {  	[sflag:s12] =	ssyncset.done $0x0  }
0xbe: {  	[sflag:s12] =	ssyncadd.s32 $0xFFFFC000  }
0xbf: {  	[tilespmem:s8], [sflag:$0x2] =	stream.indirect.gather [hbm4b:s1+s6], $0x80, s16, s6, $0xb8;
	[tilespmem:$0x8800] =	vst v63  }
0xc0: {  	_ =	swait.ge [sflag:s9], $0x4000  }
0xc1: {  	[sflag:s9] =	ssyncset.done $0x0  }
0xc2: {  	s0 =	rddreg [dreg:$0x8];
	[sflag:s9] =	ssyncadd.s32 $0xFFFFC000  }
0xc3: {  	[hbm4b:s0+s3] =	stream.linear.scatter [tilespmem:s7], [sflag:$0x3], $0x4000, $0x38;
	[tilespmem:$0x8800] =	vst v63  }
0xc4: {  	_ =	swait.ge [sflag:s10], $0x4000  }
0xc5: {  	[sflag:s10] =	ssyncset.done $0x0  }
0xc6: {  	s0 =	rddreg [dreg:$0x9];
	[sflag:s10] =	ssyncadd.s32 $0xFFFFC000  }
0xc7: {  	[hbm4b:s0+s3] =	stream.linear.scatter [tilespmem:s8], [sflag:$0x4], $0x4000, $0x38;
	[tilespmem:$0x8800] =	vst v63  }
0xc8: {  	_ =	swait.ge [sflag:s11], $0x4000  }
0xc9: {  	[sflag:s11] =	ssyncset.done $0x0  }
0xca: {  	[sflag:s11] =	ssyncadd.s32 $0xFFFFC000  }
0xcb: {  	[tilespmem:s7], [sflag:$0x1] =	stream.indirect.gather [hbm4b:s1+s6], $0x80, s17, s6, $0xb8;
	[tilespmem:$0x8800] =	vst v63  }
0xcc: {  	_ =	swait.ge [sflag:s12], $0x4000  }
0xcd: {  	[sflag:s12] =	ssyncset.done $0x0  }
0xce: {  	[sflag:s12] =	ssyncadd.s32 $0xFFFFC000  }
0xcf: {  	[tilespmem:s8], [sflag:$0x2] =	stream.indirect.gather [hbm4b:s1+s6], $0x80, s18, s6, $0xb8;
	[tilespmem:$0x8800] =	vst v63  }
0xd0: {  	_ =	swait.ge [sflag:s9], $0x4000  }
0xd1: {  	[sflag:s9] =	ssyncset.done $0x0  }
0xd2: {  	s0 =	rddreg [dreg:$0xa];
	[sflag:s9] =	ssyncadd.s32 $0xFFFFC000  }
0xd3: {  	[hbm4b:s0+s3] =	stream.linear.scatter [tilespmem:s7], [sflag:$0x3], $0x4000, $0x38;
	[tilespmem:$0x8800] =	vst v63  }
0xd4: {  	_ =	swait.ge [sflag:s10], $0x4000  }
0xd5: {  	[sflag:s10] =	ssyncset.done $0x0  }
0xd6: {  	s0 =	rddreg [dreg:$0xb];
	[sflag:s10] =	ssyncadd.s32 $0xFFFFC000  }
0xd7: {  	[hbm4b:s0+s3] =	stream.linear.scatter [tilespmem:s8], [sflag:$0x4], $0x4000, $0x38;
	[tilespmem:$0x8800] =	vst v63  }
0xd8: {  	_ =	swait.ge [sflag:s11], $0x4000  }
0xd9: {  	[sflag:s11] =	ssyncset.done $0x0  }
0xda: {  	[sflag:s11] =	ssyncadd.s32 $0xFFFFC000  }
0xdb: {  	[tilespmem:s7], [sflag:$0x1] =	stream.indirect.gather [hbm4b:s1+s6], $0x80, s19, s6, $0xb8;
	[tilespmem:$0x8800] =	vst v63  }
0xdc: {  	_ =	swait.ge [sflag:s12], $0x4000  }
0xdd: {  	[sflag:s12] =	ssyncset.done $0x0  }
0xde: {  	[sflag:s12] =	ssyncadd.s32 $0xFFFFC000  }
0xdf: {  	[tilespmem:s8], [sflag:$0x2] =	stream.indirect.gather [hbm4b:s1+s6], $0x80, s20, s6, $0xb8;
	[tilespmem:$0x8800] =	vst v63  }
0xe0: {  	_ =	swait.ge [sflag:s9], $0x4000  }
0xe1: {  	[sflag:s9] =	ssyncset.done $0x0  }
0xe2: {  	s0 =	rddreg [dreg:$0xc];
	[sflag:s9] =	ssyncadd.s32 $0xFFFFC000  }
0xe3: {  	[hbm4b:s0+s3] =	stream.linear.scatter [tilespmem:s7], [sflag:$0x3], $0x4000, $0x38;
	[tilespmem:$0x8800] =	vst v63  }
0xe4: {  	_ =	swait.ge [sflag:s10], $0x4000  }
0xe5: {  	[sflag:s10] =	ssyncset.done $0x0  }
0xe6: {  	s0 =	rddreg [dreg:$0xd];
	[sflag:s10] =	ssyncadd.s32 $0xFFFFC000  }
0xe7: {  	[hbm4b:s0+s3] =	stream.linear.scatter [tilespmem:s8], [sflag:$0x4], $0x4000, $0x38;
	[tilespmem:$0x8800] =	vst v63  }
0xe8: {  	_ =	swait.ge [sflag:s11], $0x4000  }
0xe9: {  	[sflag:s11] =	ssyncset.done $0x0  }
0xea: {  	[sflag:s11] =	ssyncadd.s32 $0xFFFFC000  }
0xeb: {  	[tilespmem:s7], [sflag:$0x1] =	stream.indirect.gather [hbm4b:s1+s6], $0x80, s21, s6, $0xb8;
	[tilespmem:$0x8800] =	vst v63  }
0xec: {  	_ =	swait.ge [sflag:s12], $0x4000  }
0xed: {  	[sflag:s12] =	ssyncset.done $0x0  }
0xee: {  	[sflag:s12] =	ssyncadd.s32 $0xFFFFC000  }
0xef: {  	[tilespmem:s8], [sflag:$0x2] =	stream.indirect.gather [hbm4b:s1+s6], $0x80, s22, s6, $0xb8;
	[tilespmem:$0x8800] =	vst v63  }
0xf0: {  	_ =	swait.ge [sflag:s9], $0x4000  }
0xf1: {  	[sflag:s9] =	ssyncset.done $0x0  }
0xf2: {  	s0 =	rddreg [dreg:$0xe];
	[sflag:s9] =	ssyncadd.s32 $0xFFFFC000  }
0xf3: {  	[hbm4b:s0+s3] =	stream.linear.scatter [tilespmem:s7], [sflag:$0x3], $0x4000, $0x38;
	[tilespmem:$0x8800] =	vst v63  }
0xf4: {  	_ =	swait.ge [sflag:s10], $0x4000  }
0xf5: {  	[sflag:s10] =	ssyncset.done $0x0  }
0xf6: {  	s0 =	rddreg [dreg:$0xf];
	[sflag:s10] =	ssyncadd.s32 $0xFFFFC000  }
0xf7: {  	[hbm4b:s0+s3] =	stream.linear.scatter [tilespmem:s8], [sflag:$0x4], $0x4000, $0x38;
	[tilespmem:$0x8800] =	vst v63  }
0xf8: {  	_ =	swait.ge [sflag:s11], $0x4000  }
0xf9: {  	[sflag:s11] =	ssyncset.done $0x0  }
0xfa: {  	[sflag:s11] =	ssyncadd.s32 $0xFFFFC000  }
0xfb: {  	[tilespmem:s7], [sflag:$0x1] =	stream.indirect.gather [hbm4b:s1+s6], $0x80, s23, s6, $0xb8;
	[tilespmem:$0x8800] =	vst v63  }
0xfc: {  	_ =	swait.ge [sflag:s12], $0x4000  }
0xfd: {  	[sflag:s12] =	ssyncset.done $0x0  }
0xfe: {  	[sflag:s12] =	ssyncadd.s32 $0xFFFFC000  }
0xff: {  	[tilespmem:s8], [sflag:$0x2] =	stream.indirect.gather [hbm4b:s1+s6], $0x80, s24, s6, $0xb8;
	[tilespmem:$0x8800] =	vst v63  }
0x100: {  	_ =	swait.ge [sflag:s9], $0x4000  }
0x101: {  	[sflag:s9] =	ssyncset.done $0x0  }
0x102: {  	[sflag:s9] =	ssyncadd.s32 $0xFFFFC000  }
0x103: {  	[hbm4b:s25+s3] =	stream.linear.scatter [tilespmem:s7], [sflag:$0x3], $0x4000, $0x38;
	[tilespmem:$0x8800] =	vst v63  }
0x104: {  	_ =	swait.ge [sflag:s10], $0x4000  }
0x105: {  	[sflag:s10] =	ssyncset.done $0x0  }
0x106: {  	[sflag:s10] =	ssyncadd.s32 $0xFFFFC000  }
0x107: {  	[hbm4b:s26+s3] =	stream.linear.scatter [tilespmem:s8], [sflag:$0x4], $0x4000, $0x38;
	[tilespmem:$0x8800] =	vst v63  }
0x108: {  	_ =	swait.ge [sflag:s11], $0x4000  }
0x109: {  	[sflag:s11] =	ssyncset.done $0x0  }
0x10a: {  	[sflag:s11] =	ssyncadd.s32 $0xFFFFC000  }
0x10b: {  	[tilespmem:s7], [sflag:$0x1] =	stream.indirect.gather [hbm4b:s1+s6], $0x80, s28, s6, $0xb8;
	[tilespmem:$0x8800] =	vst v63  }
0x10c: {  	_ =	swait.ge [sflag:s12], $0x4000  }
0x10d: {  	[sflag:s12] =	ssyncset.done $0x0  }
0x10e: {  	[sflag:s12] =	ssyncadd.s32 $0xFFFFC000  }
0x10f: {  	[tilespmem:s8], [sflag:$0x2] =	stream.indirect.gather [hbm4b:s1+s6], $0x80, s29, s6, $0xb8;
	[tilespmem:$0x8800] =	vst v63  }
0x110: {  	_ =	swait.ge [sflag:s9], $0x4000  }
0x111: {  	[sflag:s9] =	ssyncset.done $0x0  }
0x112: {  	[sflag:s9] =	ssyncadd.s32 $0xFFFFC000  }
0x113: {  	[hbm4b:s30+s3] =	stream.linear.scatter [tilespmem:s7], [sflag:$0x3], $0x4000, $0x38;
	[tilespmem:$0x8800] =	vst v63  }
0x114: {  	_ =	swait.ge [sflag:s10], $0x4000  }
0x115: {  	[sflag:s10] =	ssyncset.done $0x0  }
0x116: {  	p0 =	sne.s32 s2, $0x1;
	[sflag:s10] =	ssyncadd.s32 $0xFFFFC000  }
0x117: {  	[hbm4b:s31+s3] =	stream.linear.scatter [tilespmem:s8], [sflag:$0x4], $0x4000, $0x38;
	[tilespmem:$0x8800] =	vst v63  }
.Ltmp1:
0x118: {  	_ =	swait.ge [sflag:s11], $0x4000;
	(pc) =	sbr.rel @p0 .LBB2_1-.Ltmp1, $4  }
0x119: {  	[sflag:s11] =	ssyncset.done $0x0  }
0x11a: {  	[sflag:s11] =	ssyncadd.s32 $0xFFFFC000  }
0x11b: {  	_ =	swait.ge [sflag:s12], $0x4000  }
0x11c: {  	s2 =	sadd.s32 $0xFFFFFFFF, s2;
	[sflag:s12] =	ssyncset.done $0x0  }
.LBB2_2:
0x11d: {  	[sflag:s12] =	ssyncadd.s32 $0xFFFFC000  }
0x11e: {  	_ =	sfence.sel $0x180000  }
0x11f: {  	[bflag:$0x0] =	sbarrier.arrive $0xFFFF  }
0x120: {  	_ =	strace $0x90000047  }
0x121: {  	s0 =	stileid.u32;
	[bflag:$0x2] =	sbarrier.arrive $0xFFFF  }
0x122: {  	p0 =	sne.s32 s0, $0x0;
	s0 =	rddreg [dreg:$0x3]  }
0x123: {  	s0 =	sadd.s32 @!p0 $0x100000, s0  }
0x124: {  	[sflag:s0] =	ssyncadd.tile.s32 @!p0 $0x1;
	_ =	shalt  }
.Lfunc_end2:
_tile_overlayer_lowered:
.L_overlay_start_2:
0x125: {  	(tag) =	ssettag $0x2  }
0x126: {  	s0 =	rddreg [dreg:$0x0];
	s2 =	stileid.u32  }
0x127: {  	s1 =	rddreg [dreg:$0x1];
	p0 =	sne.s32 s2, $0x0  }
0x128: {  	s3 =	rddreg [dreg:$0x2];
	[bflag:$0x3] =	sbarrier.arrive $0xFFFF;
	s2 =	simm.s32 @!p0 $0x1C05  }
0x129: {  	[timem:s3], [sflag:s2] =	dma.local @!p0 [hbm:s0], s1  }
0x12a: {  	s0 =	simm.s32 @!p0 $0x5  }
0x12b: {  	_ =	swait.ge @!p0 [sflag:s0], s1  }
0x12c: {  	s1 =	ssub.s32 @!p0 $0x0, s1;
	[sflag:s0] =	ssyncset.done @!p0 $0x0  }
0x12d: {  	[sflag:s0] =	ssyncadd.s32 @!p0 s1  }
0x12e: {  	[bflag:$0x3] =	sbarrier.arrive $0xFFFF  }
0x12f: {  	_ =	shalt  }

</sc_bundles>
